<compile_context>
chip_gen: v7x
topology: tpu7x:2x2x1
jax: 0.10.2.dev20260603
libtpu: 0.0.44.dev20260713+nightly
codegen_flags: <defaults>
</compile_context>

<pallas_src>
import functools

import jax
import jax.numpy as jnp
from jax import lax
from jax.experimental import pallas as pl
from jax.experimental.pallas import tpu as pltpu
from jax.experimental.pallas import tpu_sc as plsc

N = 10000
D = 128
HD = D // 2
E = 320000
CLASSES = 40

NC = 2
NS = 16
CH = 128
CPT = 160
E_PAD = NS * CPT * CH
N_PAD = 10240
RPT = N_PAD // NS
ROW_BLKS = RPT // CH


RQ = 4
EPQ = RQ * CH
NQ = CPT // RQ


def _sc_agg_body(with_deg, x2_hbm, src_hbm, dst_hbm, *refs):
    if with_deg:
        (acc_out, deg_out, src_v, dst_v, rows_v, ones_v, b16_v,
         acc_s, deg_s, sem) = refs
    else:
        (acc_out, src_v, dst_v, rows_v, acc_s, sem) = refs

    c = lax.axis_index("c")
    s = lax.axis_index("s")

    zf = jnp.zeros((16,), jnp.float32)
    of = jnp.ones((16,), jnp.float32)
    zb = jnp.zeros((32,), jnp.bfloat16)

    def initrow(i, carry):
        for t in range(HD // 32):
            rows_v[i, pl.ds(t * 32, 32)] = zb
        if with_deg:
            b16_v[i, pl.ds(0, 16)] = zf
        return carry

    lax.fori_loop(0, CH, initrow, 0)

    if with_deg:
        def initones(i, carry):
            ones_v[i, pl.ds(0, 16)] = of
            return carry

        lax.fori_loop(0, EPQ, initones, 0)

    def zrow(k, carry):
        r = s * RPT + k * CH
        pltpu.sync_copy(rows_v.at[pl.ds(0, CH)], acc_s.at[pl.ds(r, CH)])
        if with_deg:
            pltpu.sync_copy(b16_v, deg_s.at[pl.ds(r, CH)])
        return carry

    lax.fori_loop(0, ROW_BLKS, zrow, 0)

    pltpu.sync_copy(src_hbm.at[pl.ds(s * NQ, NQ)], src_v)
    pltpu.sync_copy(dst_hbm.at[pl.ds(s * NQ, NQ)], dst_v)

    cN = c * N

    def addrow(q, carry):
        for t in range(EPQ // 16):
            sl = pl.ds(t * 16, 16)
            src_v[q, sl] = src_v[q, sl] + cN
        return carry

    lax.fori_loop(0, NQ, addrow, 0)

    plsc.subcore_barrier()

    pltpu.async_copy(x2_hbm.at[src_v.at[0]], rows_v.at[pl.ds(0, EPQ)], sem)

    def batch(q, carry):
        b = lax.rem(q, 2) * EPQ
        ob = lax.rem(q + 1, 2) * EPQ
        pltpu.make_async_copy(
            x2_hbm.at[pl.ds(0, EPQ)], rows_v.at[pl.ds(b, EPQ)], sem).wait()

        @pl.when(q + 1 < NQ)
        def _():
            pltpu.async_copy(
                x2_hbm.at[src_v.at[q + 1]], rows_v.at[pl.ds(ob, EPQ)], sem)

        pltpu.sync_copy(rows_v.at[pl.ds(b, EPQ)], acc_s.at[dst_v.at[q]],
                        add=True)
        if with_deg:
            @pl.when((q >= c * (NQ // 2)) & (q < (c + 1) * (NQ // 2)))
            def _():
                pltpu.sync_copy(ones_v, deg_s.at[dst_v.at[q]], add=True)
        return carry

    lax.fori_loop(0, NQ, batch, 0)

    plsc.subcore_barrier()

    def wrow(k, carry):
        r = s * RPT + k * CH
        pltpu.sync_copy(acc_s.at[pl.ds(r, CH)], rows_v.at[pl.ds(0, CH)])
        pltpu.sync_copy(rows_v.at[pl.ds(0, CH)],
                        acc_out.at[pl.ds(c * N_PAD + r, CH)])
        if with_deg:
            pltpu.sync_copy(deg_s.at[pl.ds(r, CH)], b16_v)
            pltpu.sync_copy(b16_v, deg_out.at[pl.ds(c * N_PAD + r, CH)])
        return carry

    lax.fori_loop(0, ROW_BLKS, wrow, 0)


def _make_sc_agg(with_deg):
    mesh = plsc.VectorSubcoreMesh(
        core_axis_name="c", subcore_axis_name="s", num_cores=NC, num_subcores=NS)
    out_type = [jax.ShapeDtypeStruct((NC * N_PAD, HD), jnp.bfloat16)]
    scratch = [
        pltpu.VMEM((NQ, EPQ), jnp.int32),
        pltpu.VMEM((NQ, EPQ), jnp.int32),
        pltpu.VMEM((2 * EPQ, HD), jnp.bfloat16),
    ]
    if with_deg:
        out_type.append(jax.ShapeDtypeStruct((NC * N_PAD, 16), jnp.float32))
        scratch += [
            pltpu.VMEM((EPQ, 16), jnp.float32),
            pltpu.VMEM((CH, 16), jnp.float32),
        ]
    scratch += [pltpu.VMEM_SHARED((N_PAD, HD), jnp.bfloat16)]
    if with_deg:
        scratch += [pltpu.VMEM_SHARED((N_PAD, 16), jnp.float32)]
    scratch += [pltpu.SemaphoreType.DMA]
    return pl.kernel(
        functools.partial(_sc_agg_body, with_deg),
        out_type=out_type, mesh=mesh, scratch_types=scratch,
        compiler_params=pltpu.CompilerParams(use_tc_tiling_on_sc=False),
        name="sc_agg_deg" if with_deg else "sc_agg")


_sc_agg_deg = _make_sc_agg(True)
_sc_agg = _make_sc_agg(False)

BLK = 1000
GRID = N // BLK


def _mm1_body(x_ref, w1t_ref, b1_ref, out_ref):
    out_ref[...] = (
        jnp.dot(x_ref[...], w1t_ref[...], preferred_element_type=jnp.float32)
        + b1_ref[...])


def _mm2_body(h_ref, w2t_ref, b2_ref, out_ref):
    h1 = jnp.concatenate([h_ref[0], h_ref[1]], axis=1).astype(jnp.float32)
    out_ref[...] = (
        jnp.dot(h1, w2t_ref[...], preferred_element_type=jnp.float32)
        + b2_ref[...])


def _layer1_body(mm_ref, agg_ref, deg_ref, out_ref):
    agg = jnp.concatenate(
        [agg_ref[0], agg_ref[1]], axis=1).astype(jnp.float32)
    deg = deg_ref[0, :, 0] + deg_ref[1, :, 0]
    dinv = 1.0 / jnp.maximum(deg, 1.0)
    h = jnp.maximum(mm_ref[...] + agg * dinv[:, None], 0.0)
    hb = h.astype(jnp.bfloat16)
    out_ref[0] = hb[:, :HD]
    out_ref[1] = hb[:, HD:]


def _layer2_body(mm_ref, agg_ref, deg_ref, wot_ref, bo_ref,
                 out_ref, sum_s, max_s):
    i = pl.program_id(0)
    agg = jnp.concatenate(
        [agg_ref[0], agg_ref[1]], axis=1).astype(jnp.float32)
    deg = deg_ref[0, :, 0] + deg_ref[1, :, 0]
    dinv = 1.0 / jnp.maximum(deg, 1.0)
    h2 = jnp.maximum(mm_ref[...] + agg * dinv[:, None], 0.0)
    ps = jnp.sum(h2, axis=0, keepdims=True)
    pm = jnp.max(h2, axis=0, keepdims=True)

    @pl.when(i == 0)
    def _():
        sum_s[...] = ps
        max_s[...] = pm

    @pl.when(i > 0)
    def _():
        sum_s[...] = sum_s[...] + ps
        max_s[...] = jnp.maximum(max_s[...], pm)

    @pl.when(i == pl.num_programs(0) - 1)
    def _():
        g = jnp.concatenate([sum_s[...] * (1.0 / N), max_s[...]], axis=1)
        out_ref[...] = (
            jnp.dot(g, wot_ref[...], preferred_element_type=jnp.float32)
            + bo_ref[...])


def _tc_mm1(x, w1t, b1):
    return pl.pallas_call(
        _mm1_body,
        grid=(GRID,),
        in_specs=[
            pl.BlockSpec((BLK, D), lambda i: (i, 0)),
            pl.BlockSpec((D, D), lambda i: (0, 0)),
            pl.BlockSpec((1, D), lambda i: (0, 0)),
        ],
        out_specs=pl.BlockSpec((BLK, D), lambda i: (i, 0)),
        out_shape=jax.ShapeDtypeStruct((N, D), jnp.float32),
    )(x, w1t, b1)


def _tc_mm2(h1s, w2t, b2):
    return pl.pallas_call(
        _mm2_body,
        grid=(GRID,),
        in_specs=[
            pl.BlockSpec((NC, BLK, HD), lambda i: (0, i, 0)),
            pl.BlockSpec((D, D), lambda i: (0, 0)),
            pl.BlockSpec((1, D), lambda i: (0, 0)),
        ],
        out_specs=pl.BlockSpec((BLK, D), lambda i: (i, 0)),
        out_shape=jax.ShapeDtypeStruct((N, D), jnp.float32),
    )(h1s, w2t, b2)


def _tc_layer1(mm, agg_p, deg_p):
    return pl.pallas_call(
        _layer1_body,
        grid=(GRID,),
        in_specs=[
            pl.BlockSpec((BLK, D), lambda i: (i, 0)),
            pl.BlockSpec((NC, BLK, HD), lambda i: (0, i, 0)),
            pl.BlockSpec((NC, BLK, 16), lambda i: (0, i, 0)),
        ],
        out_specs=pl.BlockSpec((NC, BLK, HD), lambda i: (0, i, 0)),
        out_shape=jax.ShapeDtypeStruct((NC, N, HD), jnp.bfloat16),
    )(mm, agg_p, deg_p)


def _tc_layer2(mm, agg_p, deg_p, wot, bo):
    return pl.pallas_call(
        _layer2_body,
        grid=(GRID,),
        in_specs=[
            pl.BlockSpec((BLK, D), lambda i: (i, 0)),
            pl.BlockSpec((NC, BLK, HD), lambda i: (0, i, 0)),
            pl.BlockSpec((NC, BLK, 16), lambda i: (0, i, 0)),
            pl.BlockSpec((2 * D, CLASSES), lambda i: (0, 0)),
            pl.BlockSpec((1, CLASSES), lambda i: (0, 0)),
        ],
        out_specs=pl.BlockSpec((1, CLASSES), lambda i: (0, 0)),
        out_shape=jax.ShapeDtypeStruct((1, CLASSES), jnp.float32),
        scratch_shapes=[
            pltpu.VMEM((1, D), jnp.float32),
            pltpu.VMEM((1, D), jnp.float32),
        ],
    )(mm, agg_p, deg_p, wot, bo)


def kernel(x, edge_index, W1, b1, W2, b2, Wo, bo):
    src = edge_index[0].astype(jnp.int32)
    dst = edge_index[1].astype(jnp.int32)
    pad = E_PAD - E
    src_r = jnp.concatenate([src, jnp.zeros((pad,), jnp.int32)]).reshape(
        NS * NQ, EPQ)
    dst_r = jnp.concatenate([dst, jnp.full((pad,), N, jnp.int32)]).reshape(
        NS * NQ, EPQ)

    x2 = jnp.stack([x[:, :HD], x[:, HD:]], axis=0).reshape(
        NC * N, HD).astype(jnp.bfloat16)

    agg1_flat, deg_flat = _sc_agg_deg(x2, src_r, dst_r)
    mm1 = _tc_mm1(x, W1.T, b1.reshape(1, D))
    agg1_p = agg1_flat.reshape(NC, N_PAD, HD)
    deg_p = deg_flat.reshape(NC, N_PAD, 16)

    h1_split = _tc_layer1(mm1, agg1_p, deg_p)

    (agg2_flat,) = _sc_agg(h1_split.reshape(NC * N, HD), src_r, dst_r)
    mm2 = _tc_mm2(h1_split, W2.T, b2.reshape(1, D))
    agg2_p = agg2_flat.reshape(NC, N_PAD, HD)

    g = _tc_layer2(mm2, agg2_p, deg_p, Wo.T, bo.reshape(1, CLASSES))
    return g.reshape(CLASSES)

# --- scband reference (transcript-rebuilt; emitter-appended) ---
"""Pipeline reference for scband-sage-70403103916590 (READ-ONLY COPY).

The authoritative reference and input builder live on the scoring server;
editing this copy changes nothing except your own understanding.
"""

import jax, jax.numpy as jnp
import numpy as np

N = 10000
D_IN = 128
HID = 128
CLASSES = 40
E = 320000


def setup_inputs(seed: int = 0) -> dict:
    key = jax.random.key(seed)
    ks = jax.random.split(key, 9)
    x = jax.random.normal(ks[0], (N, D_IN), dtype=jnp.float32)
    edge_index = jax.random.randint(ks[1], (2, E), 0, N, dtype=jnp.int64)
    s1 = 1.0 / np.sqrt(D_IN)
    W1 = jax.random.uniform(ks[2], (HID, D_IN), minval=-s1, maxval=s1, dtype=jnp.float32)
    b1 = jax.random.uniform(ks[3], (HID,), minval=-s1, maxval=s1, dtype=jnp.float32)
    s2 = 1.0 / np.sqrt(HID)
    W2 = jax.random.uniform(ks[4], (HID, HID), minval=-s2, maxval=s2, dtype=jnp.float32)
    b2 = jax.random.uniform(ks[5], (HID,), minval=-s2, maxval=s2, dtype=jnp.float32)
    so = 1.0 / np.sqrt(2 * HID)
    Wo = jax.random.uniform(ks[6], (CLASSES, 2 * HID), minval=-so, maxval=so, dtype=jnp.float32)
    bo = jax.random.uniform(ks[7], (CLASSES,), minval=-so, maxval=so, dtype=jnp.float32)
    return {"x": x, "edge_index": edge_index, "W1": W1, "b1": b1, "W2": W2, "b2": b2, "Wo": Wo, "bo": bo}


def _agg(x, edge_index):
    src = edge_index[0]
    dst = edge_index[1]
    agg = jnp.zeros_like(x).at[dst].add(x[src])
    deg = jnp.zeros((x.shape[0],), dtype=x.dtype).at[dst].add(jnp.ones((dst.shape[0],), dtype=x.dtype))
    deg = jnp.clip(deg, 1.0, None)[:, None]
    return agg / deg


def reference(x, edge_index, W1, b1, W2, b2, Wo, bo):
    h = jax.nn.relu(x @ W1.T + b1 + _agg(x, edge_index))
    h = jax.nn.relu(h @ W2.T + b2 + _agg(h, edge_index))
    g = jnp.concatenate([jnp.mean(h, axis=0, keepdims=True), jnp.max(h, axis=0, keepdims=True)], axis=1)
    g = g @ Wo.T + bo
    return jnp.squeeze(g, axis=0)

if __name__ == "__main__":
    import jax
    _d = setup_inputs()
    print(jax.jit(kernel)(*tuple(_d.values())))

</pallas_src>

<mosaic_0001>
#map = affine_map<(d0, d1) -> (0, 0)>
module attributes {stable_mosaic.version = 14 : i64} {
  func.func @sc_agg(%arg0: i32, %arg1: i32, %arg2: memref<20000x64xbf16, #tpu.memory_space<hbm>>, %arg3: memref<640x512xi32, #tpu.memory_space<hbm>>, %arg4: memref<640x512xi32, #tpu.memory_space<hbm>>, %arg5: memref<20480x64xbf16, #tpu.memory_space<hbm>>, %arg6: memref<40x512xi32, #tpu.memory_space<vmem>>, %arg7: memref<40x512xi32, #tpu.memory_space<vmem>>, %arg8: memref<1024x64xbf16, #tpu.memory_space<vmem>>, %arg9: memref<10240x64xbf16, #tpu.memory_space<vmem_shared>>, %arg10: memref<!tpu.dma_semaphore, #tpu.memory_space<semaphore_mem>>) attributes {dimension_semantics = [#tpu.dimension_semantics<core_parallel>, #tpu.dimension_semantics<subcore_parallel>], iteration_bounds = array<i64: 2, 16>, scalar_prefetch = 0 : i64, scratch_operands = 5 : i64, tpu.core_type = #tpu.core_type<sc_vector_subcore>, window_params = [{transform_indices = #map}, {transform_indices = #map}, {transform_indices = #map}, {transform_indices = #map}]} {
    %broadcast_in_dim3A = arith.constant 0.000000e+00 : f32
    %broadcast_in_dim3A_0 = vector.broadcast %broadcast_in_dim3A : f32 to vector<16xf32>
    %broadcast_in_dim3A_1 = arith.constant 1.000000e+00 : f32
    %broadcast_in_dim3A_2 = vector.broadcast %broadcast_in_dim3A_1 : f32 to vector<16xf32>
    %broadcast_in_dim3A_3 = arith.constant 0.000000e+00 : bf16
    %broadcast_in_dim3A_4 = vector.broadcast %broadcast_in_dim3A_3 : bf16 to vector<32xbf16>
    %scan3A = arith.constant 0 : i32
    %scan3A_5 = arith.constant 0 : i32
    %scan3A_6 = arith.constant 128 : i32
    %scan3A_7 = arith.addi %scan3A_5, %scan3A_6 : i32
    %scan3A_8 = arith.constant 1 : i32
    scf.for %scan3A_49 = %scan3A_5 to %scan3A_7 step %scan3A_8  : i32 {
      %swap3A = arith.index_cast %scan3A_49 : i32 to index
      %swap3A_50 = arith.constant 0 : index
      %swap3A_51 = tpu.vector_load %arg8[%swap3A, %swap3A_50] {strides = array<i32>} : memref<1024x64xbf16, #tpu.memory_space<vmem>>, vector<1x32xbf16>,
      %swap3A_52 = vector.shape_cast %swap3A_51 : vector<1x32xbf16> to vector<32xbf16>
      %swap3A_53 = vector.shape_cast %broadcast_in_dim3A_4 : vector<32xbf16> to vector<1x32xbf16>
      tpu.vector_store %arg8[%swap3A, %swap3A_50], %swap3A_53 {strides = array<i32>} : memref<1024x64xbf16, #tpu.memory_space<vmem>>, vector<1x32xbf16>,
      %swap3A_54 = arith.index_cast %scan3A_49 : i32 to index
      %swap3A_55 = arith.constant 32 : index
      %swap3A_56 = tpu.vector_load %arg8[%swap3A_54, %swap3A_55] {strides = array<i32>} : memref<1024x64xbf16, #tpu.memory_space<vmem>>, vector<1x32xbf16>,
      %swap3A_57 = vector.shape_cast %swap3A_56 : vector<1x32xbf16> to vector<32xbf16>
      %swap3A_58 = vector.shape_cast %broadcast_in_dim3A_4 : vector<32xbf16> to vector<1x32xbf16>
      tpu.vector_store %arg8[%swap3A_54, %swap3A_55], %swap3A_58 {strides = array<i32>} : memref<1024x64xbf16, #tpu.memory_space<vmem>>, vector<1x32xbf16>,
    }
    %scan3A_9 = arith.constant 128 : i32
    %scan3A_10 = arith.constant 0 : i32
    %scan3A_11 = arith.constant 0 : i32
    %scan3A_12 = arith.constant 5 : i32
    %scan3A_13 = arith.addi %scan3A_11, %scan3A_12 : i32
    %scan3A_14 = arith.constant 1 : i32
    scf.for %scan3A_49 = %scan3A_11 to %scan3A_13 step %scan3A_14  : i32 {
      %mul3A_50 = arith.constant 640 : i32
      %mul3A_51 = arith.muli %arg1, %mul3A_50 : i32
      %mul3A_52 = arith.constant 128 : i32
      %mul3A_53 = arith.muli %scan3A_49, %mul3A_52 : i32
      %add3A = arith.addi %mul3A_51, %mul3A_53 : i32
      "tpu.region"() ({
        %run_scoped3A = tpu.sem_alloc : memref<!tpu.dma_semaphore, #tpu.memory_space<semaphore_mem>>
        %dma_start3A_54 = arith.constant 0 : i32
        %dma_start3A_55 = arith.constant 0 : i32
        %dma_start3A_56 = tpu.memref_slice %arg8[%dma_start3A_54, %dma_start3A_55] : memref<1024x64xbf16, #tpu.memory_space<vmem>> -> memref<128x64xbf16, #tpu.memory_space<vmem>>
        %dma_start3A_57 = arith.constant 0 : i32
        %dma_start3A_58 = tpu.memref_slice %arg9[%add3A, %dma_start3A_57] : memref<10240x64xbf16, #tpu.memory_space<vmem_shared>> -> memref<128x64xbf16, #tpu.memory_space<vmem_shared>>
        %dma_start3A_59 = arith.constant 0 : i32
        %dma_start3A_60 = tpu.memref_slice %arg9[%add3A, %dma_start3A_59] : memref<10240x64xbf16, #tpu.memory_space<vmem_shared>> -> memref<128x64xbf16, #tpu.memory_space<vmem_shared>>
        %dma_start3A_61 = arith.constant 0 : i32
        %dma_start3A_62 = arith.constant 0 : i32
        %dma_start3A_63 = tpu.memref_slice %arg8[%dma_start3A_61, %dma_start3A_62] : memref<1024x64xbf16, #tpu.memory_space<vmem>> -> memref<128x64xbf16, #tpu.memory_space<vmem>>
        tpu.enqueue_dma source(%dma_start3A_63 : memref<128x64xbf16, #tpu.memory_space<vmem>>) target(%dma_start3A_60 : memref<128x64xbf16, #tpu.memory_space<vmem_shared>>) target_semaphore(%run_scoped3A : memref<!tpu.dma_semaphore, #tpu.memory_space<semaphore_mem>>)
        %dma_wait3A = arith.constant 0 : i32
        %dma_wait3A_64 = arith.constant 0 : i32
        %dma_wait3A_65 = tpu.memref_slice %arg8[%dma_wait3A, %dma_wait3A_64] : memref<1024x64xbf16, #tpu.memory_space<vmem>> -> memref<128x64xbf16, #tpu.memory_space<vmem>>
        %dma_wait3A_66 = arith.constant 0 : i32
        %dma_wait3A_67 = tpu.memref_slice %arg9[%add3A, %dma_wait3A_66] : memref<10240x64xbf16, #tpu.memory_space<vmem_shared>> -> memref<128x64xbf16, #tpu.memory_space<vmem_shared>>
        %dma_wait3A_68 = arith.constant 0 : i32
        %dma_wait3A_69 = tpu.memref_slice %arg9[%add3A, %dma_wait3A_68] : memref<10240x64xbf16, #tpu.memory_space<vmem_shared>> -> memref<128x64xbf16, #tpu.memory_space<vmem_shared>>
        %dma_wait3A_70 = arith.constant 0 : i32
        %dma_wait3A_71 = arith.constant 0 : i32
        %dma_wait3A_72 = tpu.memref_slice %arg8[%dma_wait3A_70, %dma_wait3A_71] : memref<1024x64xbf16, #tpu.memory_space<vmem>> -> memref<128x64xbf16, #tpu.memory_space<vmem>>
        tpu.wait_dma2 semaphore(%run_scoped3A : memref<!tpu.dma_semaphore, #tpu.memory_space<semaphore_mem>>) src(%dma_wait3A_72 : memref<128x64xbf16, #tpu.memory_space<vmem>>) dst(%dma_wait3A_69 : memref<128x64xbf16, #tpu.memory_space<vmem_shared>>)
        tpu.yield
      }) : () -> ()
    }
    %scan3A_15 = arith.constant 5 : i32
    %mul3A = arith.constant 40 : i32
    %mul3A_16 = arith.muli %arg1, %mul3A : i32
    "tpu.region"() ({
      %run_scoped3A = tpu.sem_alloc : memref<!tpu.dma_semaphore, #tpu.memory_space<semaphore_mem>>
      %dma_start3A_49 = arith.constant 0 : i32
      %dma_start3A_50 = tpu.memref_slice %arg3[%mul3A_16, %dma_start3A_49] : memref<640x512xi32, #tpu.memory_space<hbm>> -> memref<40x512xi32, #tpu.memory_space<hbm>>
      %dma_start3A_51 = arith.constant 0 : i32
      %dma_start3A_52 = tpu.memref_slice %arg3[%mul3A_16, %dma_start3A_51] : memref<640x512xi32, #tpu.memory_space<hbm>> -> memref<40x512xi32, #tpu.memory_space<hbm>>
      tpu.enqueue_dma source(%dma_start3A_52 : memref<40x512xi32, #tpu.memory_space<hbm>>) target(%arg6 : memref<40x512xi32, #tpu.memory_space<vmem>>) target_semaphore(%run_scoped3A : memref<!tpu.dma_semaphore, #tpu.memory_space<semaphore_mem>>)
      %dma_wait3A = arith.constant 0 : i32
      %dma_wait3A_53 = tpu.memref_slice %arg3[%mul3A_16, %dma_wait3A] : memref<640x512xi32, #tpu.memory_space<hbm>> -> memref<40x512xi32, #tpu.memory_space<hbm>>
      %dma_wait3A_54 = arith.constant 0 : i32
      %dma_wait3A_55 = tpu.memref_slice %arg3[%mul3A_16, %dma_wait3A_54] : memref<640x512xi32, #tpu.memory_space<hbm>> -> memref<40x512xi32, #tpu.memory_space<hbm>>
      tpu.wait_dma2 semaphore(%run_scoped3A : memref<!tpu.dma_semaphore, #tpu.memory_space<semaphore_mem>>) src(%dma_wait3A_55 : memref<40x512xi32, #tpu.memory_space<hbm>>) dst(%arg6 : memref<40x512xi32, #tpu.memory_space<vmem>>)
      tpu.yield
    }) : () -> ()
    %mul3A_17 = arith.constant 40 : i32
    %mul3A_18 = arith.muli %arg1, %mul3A_17 : i32
    "tpu.region"() ({
      %run_scoped3A = tpu.sem_alloc : memref<!tpu.dma_semaphore, #tpu.memory_space<semaphore_mem>>
      %dma_start3A_49 = arith.constant 0 : i32
      %dma_start3A_50 = tpu.memref_slice %arg4[%mul3A_18, %dma_start3A_49] : memref<640x512xi32, #tpu.memory_space<hbm>> -> memref<40x512xi32, #tpu.memory_space<hbm>>
      %dma_start3A_51 = arith.constant 0 : i32
      %dma_start3A_52 = tpu.memref_slice %arg4[%mul3A_18, %dma_start3A_51] : memref<640x512xi32, #tpu.memory_space<hbm>> -> memref<40x512xi32, #tpu.memory_space<hbm>>
      tpu.enqueue_dma source(%dma_start3A_52 : memref<40x512xi32, #tpu.memory_space<hbm>>) target(%arg7 : memref<40x512xi32, #tpu.memory_space<vmem>>) target_semaphore(%run_scoped3A : memref<!tpu.dma_semaphore, #tpu.memory_space<semaphore_mem>>)
      %dma_wait3A = arith.constant 0 : i32
      %dma_wait3A_53 = tpu.memref_slice %arg4[%mul3A_18, %dma_wait3A] : memref<640x512xi32, #tpu.memory_space<hbm>> -> memref<40x512xi32, #tpu.memory_space<hbm>>
      %dma_wait3A_54 = arith.constant 0 : i32
      %dma_wait3A_55 = tpu.memref_slice %arg4[%mul3A_18, %dma_wait3A_54] : memref<640x512xi32, #tpu.memory_space<hbm>> -> memref<40x512xi32, #tpu.memory_space<hbm>>
      tpu.wait_dma2 semaphore(%run_scoped3A : memref<!tpu.dma_semaphore, #tpu.memory_space<semaphore_mem>>) src(%dma_wait3A_55 : memref<40x512xi32, #tpu.memory_space<hbm>>) dst(%arg7 : memref<40x512xi32, #tpu.memory_space<vmem>>)
      tpu.yield
    }) : () -> ()
    %mul3A_19 = arith.constant 10000 : i32
    %mul3A_20 = arith.muli %arg0, %mul3A_19 : i32
    %scan3A_21 = arith.constant 0 : i32
    %scan3A_22 = arith.constant 0 : i32
    %scan3A_23 = arith.constant 40 : i32
    %scan3A_24 = arith.addi %scan3A_22, %scan3A_23 : i32
    %scan3A_25 = arith.constant 1 : i32
    scf.for %scan3A_49 = %scan3A_22 to %scan3A_24 step %scan3A_25  : i32 {
      %get3A = arith.index_cast %scan3A_49 : i32 to index
      %get3A_50 = arith.constant 0 : index
      %get3A_51 = tpu.vector_load %arg6[%get3A, %get3A_50] {strides = array<i32>} : memref<40x512xi32, #tpu.memory_space<vmem>>, vector<1x16xi32>,
      %get3A_52 = vector.shape_cast %get3A_51 : vector<1x16xi32> to vector<16xi32>
      %add3A = vector.broadcast %mul3A_20 : i32 to vector<16xi32>
      %add3A_53 = arith.addi %get3A_52, %add3A : vector<16xi32>
      %swap3A = arith.index_cast %scan3A_49 : i32 to index
      %swap3A_54 = arith.constant 0 : index
      %swap3A_55 = tpu.vector_load %arg6[%swap3A, %swap3A_54] {strides = array<i32>} : memref<40x512xi32, #tpu.memory_space<vmem>>, vector<1x16xi32>,
      %swap3A_56 = vector.shape_cast %swap3A_55 : vector<1x16xi32> to vector<16xi32>
      %swap3A_57 = vector.shape_cast %add3A_53 : vector<16xi32> to vector<1x16xi32>
      tpu.vector_store %arg6[%swap3A, %swap3A_54], %swap3A_57 {strides = array<i32>} : memref<40x512xi32, #tpu.memory_space<vmem>>, vector<1x16xi32>,
      %get3A_58 = arith.index_cast %scan3A_49 : i32 to index
      %get3A_59 = arith.constant 16 : index
      %get3A_60 = tpu.vector_load %arg6[%get3A_58, %get3A_59] {strides = array<i32>} : memref<40x512xi32, #tpu.memory_space<vmem>>, vector<1x16xi32>,
      %get3A_61 = vector.shape_cast %get3A_60 : vector<1x16xi32> to vector<16xi32>
      %add3A_62 = vector.broadcast %mul3A_20 : i32 to vector<16xi32>
      %add3A_63 = arith.addi %get3A_61, %add3A_62 : vector<16xi32>
      %swap3A_64 = arith.index_cast %scan3A_49 : i32 to index
      %swap3A_65 = arith.constant 16 : index
      %swap3A_66 = tpu.vector_load %arg6[%swap3A_64, %swap3A_65] {strides = array<i32>} : memref<40x512xi32, #tpu.memory_space<vmem>>, vector<1x16xi32>,
      %swap3A_67 = vector.shape_cast %swap3A_66 : vector<1x16xi32> to vector<16xi32>
      %swap3A_68 = vector.shape_cast %add3A_63 : vector<16xi32> to vector<1x16xi32>
      tpu.vector_store %arg6[%swap3A_64, %swap3A_65], %swap3A_68 {strides = array<i32>} : memref<40x512xi32, #tpu.memory_space<vmem>>, vector<1x16xi32>,
      %get3A_69 = arith.index_cast %scan3A_49 : i32 to index
      %get3A_70 = arith.constant 32 : index
      %get3A_71 = tpu.vector_load %arg6[%get3A_69, %get3A_70] {strides = array<i32>} : memref<40x512xi32, #tpu.memory_space<vmem>>, vector<1x16xi32>,
      %get3A_72 = vector.shape_cast %get3A_71 : vector<1x16xi32> to vector<16xi32>
      %add3A_73 = vector.broadcast %mul3A_20 : i32 to vector<16xi32>
      %add3A_74 = arith.addi %get3A_72, %add3A_73 : vector<16xi32>
      %swap3A_75 = arith.index_cast %scan3A_49 : i32 to index
      %swap3A_76 = arith.constant 32 : index
      %swap3A_77 = tpu.vector_load %arg6[%swap3A_75, %swap3A_76] {strides = array<i32>} : memref<40x512xi32, #tpu.memory_space<vmem>>, vector<1x16xi32>,
      %swap3A_78 = vector.shape_cast %swap3A_77 : vector<1x16xi32> to vector<16xi32>
      %swap3A_79 = vector.shape_cast %add3A_74 : vector<16xi32> to vector<1x16xi32>
      tpu.vector_store %arg6[%swap3A_75, %swap3A_76], %swap3A_79 {strides = array<i32>} : memref<40x512xi32, #tpu.memory_space<vmem>>, vector<1x16xi32>,
      %get3A_80 = arith.index_cast %scan3A_49 : i32 to index
      %get3A_81 = arith.constant 48 : index
      %get3A_82 = tpu.vector_load %arg6[%get3A_80, %get3A_81] {strides = array<i32>} : memref<40x512xi32, #tpu.memory_space<vmem>>, vector<1x16xi32>,
      %get3A_83 = vector.shape_cast %get3A_82 : vector<1x16xi32> to vector<16xi32>
      %add3A_84 = vector.broadcast %mul3A_20 : i32 to vector<16xi32>
      %add3A_85 = arith.addi %get3A_83, %add3A_84 : vector<16xi32>
      %swap3A_86 = arith.index_cast %scan3A_49 : i32 to index
      %swap3A_87 = arith.constant 48 : index
      %swap3A_88 = tpu.vector_load %arg6[%swap3A_86, %swap3A_87] {strides = array<i32>} : memref<40x512xi32, #tpu.memory_space<vmem>>, vector<1x16xi32>,
      %swap3A_89 = vector.shape_cast %swap3A_88 : vector<1x16xi32> to vector<16xi32>
      %swap3A_90 = vector.shape_cast %add3A_85 : vector<16xi32> to vector<1x16xi32>
      tpu.vector_store %arg6[%swap3A_86, %swap3A_87], %swap3A_90 {strides = array<i32>} : memref<40x512xi32, #tpu.memory_space<vmem>>, vector<1x16xi32>,
      %get3A_91 = arith.index_cast %scan3A_49 : i32 to index
      %get3A_92 = arith.constant 64 : index
      %get3A_93 = tpu.vector_load %arg6[%get3A_91, %get3A_92] {strides = array<i32>} : memref<40x512xi32, #tpu.memory_space<vmem>>, vector<1x16xi32>,
      %get3A_94 = vector.shape_cast %get3A_93 : vector<1x16xi32> to vector<16xi32>
      %add3A_95 = vector.broadcast %mul3A_20 : i32 to vector<16xi32>
      %add3A_96 = arith.addi %get3A_94, %add3A_95 : vector<16xi32>
      %swap3A_97 = arith.index_cast %scan3A_49 : i32 to index
      %swap3A_98 = arith.constant 64 : index
      %swap3A_99 = tpu.vector_load %arg6[%swap3A_97, %swap3A_98] {strides = array<i32>} : memref<40x512xi32, #tpu.memory_space<vmem>>, vector<1x16xi32>,
      %swap3A_100 = vector.shape_cast %swap3A_99 : vector<1x16xi32> to vector<16xi32>
      %swap3A_101 = vector.shape_cast %add3A_96 : vector<16xi32> to vector<1x16xi32>
      tpu.vector_store %arg6[%swap3A_97, %swap3A_98], %swap3A_101 {strides = array<i32>} : memref<40x512xi32, #tpu.memory_space<vmem>>, vector<1x16xi32>,
      %get3A_102 = arith.index_cast %scan3A_49 : i32 to index
      %get3A_103 = arith.constant 80 : index
      %get3A_104 = tpu.vector_load %arg6[%get3A_102, %get3A_103] {strides = array<i32>} : memref<40x512xi32, #tpu.memory_space<vmem>>, vector<1x16xi32>,
      %get3A_105 = vector.shape_cast %get3A_104 : vector<1x16xi32> to vector<16xi32>
      %add3A_106 = vector.broadcast %mul3A_20 : i32 to vector<16xi32>
      %add3A_107 = arith.addi %get3A_105, %add3A_106 : vector<16xi32>
      %swap3A_108 = arith.index_cast %scan3A_49 : i32 to index
      %swap3A_109 = arith.constant 80 : index
      %swap3A_110 = tpu.vector_load %arg6[%swap3A_108, %swap3A_109] {strides = array<i32>} : memref<40x512xi32, #tpu.memory_space<vmem>>, vector<1x16xi32>,
      %swap3A_111 = vector.shape_cast %swap3A_110 : vector<1x16xi32> to vector<16xi32>
      %swap3A_112 = vector.shape_cast %add3A_107 : vector<16xi32> to vector<1x16xi32>
      tpu.vector_store %arg6[%swap3A_108, %swap3A_109], %swap3A_112 {strides = array<i32>} : memref<40x512xi32, #tpu.memory_space<vmem>>, vector<1x16xi32>,
      %get3A_113 = arith.index_cast %scan3A_49 : i32 to index
      %get3A_114 = arith.constant 96 : index
      %get3A_115 = tpu.vector_load %arg6[%get3A_113, %get3A_114] {strides = array<i32>} : memref<40x512xi32, #tpu.memory_space<vmem>>, vector<1x16xi32>,
      %get3A_116 = vector.shape_cast %get3A_115 : vector<1x16xi32> to vector<16xi32>
      %add3A_117 = vector.broadcast %mul3A_20 : i32 to vector<16xi32>
      %add3A_118 = arith.addi %get3A_116, %add3A_117 : vector<16xi32>
      %swap3A_119 = arith.index_cast %scan3A_49 : i32 to index
      %swap3A_120 = arith.constant 96 : index
      %swap3A_121 = tpu.vector_load %arg6[%swap3A_119, %swap3A_120] {strides = array<i32>} : memref<40x512xi32, #tpu.memory_space<vmem>>, vector<1x16xi32>,
      %swap3A_122 = vector.shape_cast %swap3A_121 : vector<1x16xi32> to vector<16xi32>
      %swap3A_123 = vector.shape_cast %add3A_118 : vector<16xi32> to vector<1x16xi32>
      tpu.vector_store %arg6[%swap3A_119, %swap3A_120], %swap3A_123 {strides = array<i32>} : memref<40x512xi32, #tpu.memory_space<vmem>>, vector<1x16xi32>,
      %get3A_124 = arith.index_cast %scan3A_49 : i32 to index
      %get3A_125 = arith.constant 112 : index
      %get3A_126 = tpu.vector_load %arg6[%get3A_124, %get3A_125] {strides = array<i32>} : memref<40x512xi32, #tpu.memory_space<vmem>>, vector<1x16xi32>,
      %get3A_127 = vector.shape_cast %get3A_126 : vector<1x16xi32> to vector<16xi32>
      %add3A_128 = vector.broadcast %mul3A_20 : i32 to vector<16xi32>
      %add3A_129 = arith.addi %get3A_127, %add3A_128 : vector<16xi32>
      %swap3A_130 = arith.index_cast %scan3A_49 : i32 to index
      %swap3A_131 = arith.constant 112 : index
      %swap3A_132 = tpu.vector_load %arg6[%swap3A_130, %swap3A_131] {strides = array<i32>} : memref<40x512xi32, #tpu.memory_space<vmem>>, vector<1x16xi32>,
      %swap3A_133 = vector.shape_cast %swap3A_132 : vector<1x16xi32> to vector<16xi32>
      %swap3A_134 = vector.shape_cast %add3A_129 : vector<16xi32> to vector<1x16xi32>
      tpu.vector_store %arg6[%swap3A_130, %swap3A_131], %swap3A_134 {strides = array<i32>} : memref<40x512xi32, #tpu.memory_space<vmem>>, vector<1x16xi32>,
      %get3A_135 = arith.index_cast %scan3A_49 : i32 to index
      %get3A_136 = arith.constant 128 : index
      %get3A_137 = tpu.vector_load %arg6[%get3A_135, %get3A_136] {strides = array<i32>} : memref<40x512xi32, #tpu.memory_space<vmem>>, vector<1x16xi32>,
      %get3A_138 = vector.shape_cast %get3A_137 : vector<1x16xi32> to vector<16xi32>
      %add3A_139 = vector.broadcast %mul3A_20 : i32 to vector<16xi32>
      %add3A_140 = arith.addi %get3A_138, %add3A_139 : vector<16xi32>
      %swap3A_141 = arith.index_cast %scan3A_49 : i32 to index
      %swap3A_142 = arith.constant 128 : index
      %swap3A_143 = tpu.vector_load %arg6[%swap3A_141, %swap3A_142] {strides = array<i32>} : memref<40x512xi32, #tpu.memory_space<vmem>>, vector<1x16xi32>,
      %swap3A_144 = vector.shape_cast %swap3A_143 : vector<1x16xi32> to vector<16xi32>
      %swap3A_145 = vector.shape_cast %add3A_140 : vector<16xi32> to vector<1x16xi32>
      tpu.vector_store %arg6[%swap3A_141, %swap3A_142], %swap3A_145 {strides = array<i32>} : memref<40x512xi32, #tpu.memory_space<vmem>>, vector<1x16xi32>,
      %get3A_146 = arith.index_cast %scan3A_49 : i32 to index
      %get3A_147 = arith.constant 144 : index
      %get3A_148 = tpu.vector_load %arg6[%get3A_146, %get3A_147] {strides = array<i32>} : memref<40x512xi32, #tpu.memory_space<vmem>>, vector<1x16xi32>,
      %get3A_149 = vector.shape_cast %get3A_148 : vector<1x16xi32> to vector<16xi32>
      %add3A_150 = vector.broadcast %mul3A_20 : i32 to vector<16xi32>
      %add3A_151 = arith.addi %get3A_149, %add3A_150 : vector<16xi32>
      %swap3A_152 = arith.index_cast %scan3A_49 : i32 to index
      %swap3A_153 = arith.constant 144 : index
      %swap3A_154 = tpu.vector_load %arg6[%swap3A_152, %swap3A_153] {strides = array<i32>} : memref<40x512xi32, #tpu.memory_space<vmem>>, vector<1x16xi32>,
      %swap3A_155 = vector.shape_cast %swap3A_154 : vector<1x16xi32> to vector<16xi32>
      %swap3A_156 = vector.shape_cast %add3A_151 : vector<16xi32> to vector<1x16xi32>
      tpu.vector_store %arg6[%swap3A_152, %swap3A_153], %swap3A_156 {strides = array<i32>} : memref<40x512xi32, #tpu.memory_space<vmem>>, vector<1x16xi32>,
      %get3A_157 = arith.index_cast %scan3A_49 : i32 to index
      %get3A_158 = arith.constant 160 : index
      %get3A_159 = tpu.vector_load %arg6[%get3A_157, %get3A_158] {strides = array<i32>} : memref<40x512xi32, #tpu.memory_space<vmem>>, vector<1x16xi32>,
      %get3A_160 = vector.shape_cast %get3A_159 : vector<1x16xi32> to vector<16xi32>
      %add3A_161 = vector.broadcast %mul3A_20 : i32 to vector<16xi32>
      %add3A_162 = arith.addi %get3A_160, %add3A_161 : vector<16xi32>
      %swap3A_163 = arith.index_cast %scan3A_49 : i32 to index
      %swap3A_164 = arith.constant 160 : index
      %swap3A_165 = tpu.vector_load %arg6[%swap3A_163, %swap3A_164] {strides = array<i32>} : memref<40x512xi32, #tpu.memory_space<vmem>>, vector<1x16xi32>,
      %swap3A_166 = vector.shape_cast %swap3A_165 : vector<1x16xi32> to vector<16xi32>
      %swap3A_167 = vector.shape_cast %add3A_162 : vector<16xi32> to vector<1x16xi32>
      tpu.vector_store %arg6[%swap3A_163, %swap3A_164], %swap3A_167 {strides = array<i32>} : memref<40x512xi32, #tpu.memory_space<vmem>>, vector<1x16xi32>,
      %get3A_168 = arith.index_cast %scan3A_49 : i32 to index
      %get3A_169 = arith.constant 176 : index
      %get3A_170 = tpu.vector_load %arg6[%get3A_168, %get3A_169] {strides = array<i32>} : memref<40x512xi32, #tpu.memory_space<vmem>>, vector<1x16xi32>,
      %get3A_171 = vector.shape_cast %get3A_170 : vector<1x16xi32> to vector<16xi32>
      %add3A_172 = vector.broadcast %mul3A_20 : i32 to vector<16xi32>
      %add3A_173 = arith.addi %get3A_171, %add3A_172 : vector<16xi32>
      %swap3A_174 = arith.index_cast %scan3A_49 : i32 to index
      %swap3A_175 = arith.constant 176 : index
      %swap3A_176 = tpu.vector_load %arg6[%swap3A_174, %swap3A_175] {strides = array<i32>} : memref<40x512xi32, #tpu.memory_space<vmem>>, vector<1x16xi32>,
      %swap3A_177 = vector.shape_cast %swap3A_176 : vector<1x16xi32> to vector<16xi32>
      %swap3A_178 = vector.shape_cast %add3A_173 : vector<16xi32> to vector<1x16xi32>
      tpu.vector_store %arg6[%swap3A_174, %swap3A_175], %swap3A_178 {strides = array<i32>} : memref<40x512xi32, #tpu.memory_space<vmem>>, vector<1x16xi32>,
      %get3A_179 = arith.index_cast %scan3A_49 : i32 to index
      %get3A_180 = arith.constant 192 : index
      %get3A_181 = tpu.vector_load %arg6[%get3A_179, %get3A_180] {strides = array<i32>} : memref<40x512xi32, #tpu.memory_space<vmem>>, vector<1x16xi32>,
      %get3A_182 = vector.shape_cast %get3A_181 : vector<1x16xi32> to vector<16xi32>
      %add3A_183 = vector.broadcast %mul3A_20 : i32 to vector<16xi32>
      %add3A_184 = arith.addi %get3A_182, %add3A_183 : vector<16xi32>
      %swap3A_185 = arith.index_cast %scan3A_49 : i32 to index
      %swap3A_186 = arith.constant 192 : index
      %swap3A_187 = tpu.vector_load %arg6[%swap3A_185, %swap3A_186] {strides = array<i32>} : memref<40x512xi32, #tpu.memory_space<vmem>>, vector<1x16xi32>,
      %swap3A_188 = vector.shape_cast %swap3A_187 : vector<1x16xi32> to vector<16xi32>
      %swap3A_189 = vector.shape_cast %add3A_184 : vector<16xi32> to vector<1x16xi32>
      tpu.vector_store %arg6[%swap3A_185, %swap3A_186], %swap3A_189 {strides = array<i32>} : memref<40x512xi32, #tpu.memory_space<vmem>>, vector<1x16xi32>,
      %get3A_190 = arith.index_cast %scan3A_49 : i32 to index
      %get3A_191 = arith.constant 208 : index
      %get3A_192 = tpu.vector_load %arg6[%get3A_190, %get3A_191] {strides = array<i32>} : memref<40x512xi32, #tpu.memory_space<vmem>>, vector<1x16xi32>,
      %get3A_193 = vector.shape_cast %get3A_192 : vector<1x16xi32> to vector<16xi32>
      %add3A_194 = vector.broadcast %mul3A_20 : i32 to vector<16xi32>
      %add3A_195 = arith.addi %get3A_193, %add3A_194 : vector<16xi32>
      %swap3A_196 = arith.index_cast %scan3A_49 : i32 to index
      %swap3A_197 = arith.constant 208 : index
      %swap3A_198 = tpu.vector_load %arg6[%swap3A_196, %swap3A_197] {strides = array<i32>} : memref<40x512xi32, #tpu.memory_space<vmem>>, vector<1x16xi32>,
      %swap3A_199 = vector.shape_cast %swap3A_198 : vector<1x16xi32> to vector<16xi32>
      %swap3A_200 = vector.shape_cast %add3A_195 : vector<16xi32> to vector<1x16xi32>
      tpu.vector_store %arg6[%swap3A_196, %swap3A_197], %swap3A_200 {strides = array<i32>} : memref<40x512xi32, #tpu.memory_space<vmem>>, vector<1x16xi32>,
      %get3A_201 = arith.index_cast %scan3A_49 : i32 to index
      %get3A_202 = arith.constant 224 : index
      %get3A_203 = tpu.vector_load %arg6[%get3A_201, %get3A_202] {strides = array<i32>} : memref<40x512xi32, #tpu.memory_space<vmem>>, vector<1x16xi32>,
      %get3A_204 = vector.shape_cast %get3A_203 : vector<1x16xi32> to vector<16xi32>
      %add3A_205 = vector.broadcast %mul3A_20 : i32 to vector<16xi32>
      %add3A_206 = arith.addi %get3A_204, %add3A_205 : vector<16xi32>
      %swap3A_207 = arith.index_cast %scan3A_49 : i32 to index
      %swap3A_208 = arith.constant 224 : index
      %swap3A_209 = tpu.vector_load %arg6[%swap3A_207, %swap3A_208] {strides = array<i32>} : memref<40x512xi32, #tpu.memory_space<vmem>>, vector<1x16xi32>,
      %swap3A_210 = vector.shape_cast %swap3A_209 : vector<1x16xi32> to vector<16xi32>
      %swap3A_211 = vector.shape_cast %add3A_206 : vector<16xi32> to vector<1x16xi32>
      tpu.vector_store %arg6[%swap3A_207, %swap3A_208], %swap3A_211 {strides = array<i32>} : memref<40x512xi32, #tpu.memory_space<vmem>>, vector<1x16xi32>,
      %get3A_212 = arith.index_cast %scan3A_49 : i32 to index
      %get3A_213 = arith.constant 240 : index
      %get3A_214 = tpu.vector_load %arg6[%get3A_212, %get3A_213] {strides = array<i32>} : memref<40x512xi32, #tpu.memory_space<vmem>>, vector<1x16xi32>,
      %get3A_215 = vector.shape_cast %get3A_214 : vector<1x16xi32> to vector<16xi32>
      %add3A_216 = vector.broadcast %mul3A_20 : i32 to vector<16xi32>
      %add3A_217 = arith.addi %get3A_215, %add3A_216 : vector<16xi32>
      %swap3A_218 = arith.index_cast %scan3A_49 : i32 to index
      %swap3A_219 = arith.constant 240 : index
      %swap3A_220 = tpu.vector_load %arg6[%swap3A_218, %swap3A_219] {strides = array<i32>} : memref<40x512xi32, #tpu.memory_space<vmem>>, vector<1x16xi32>,
      %swap3A_221 = vector.shape_cast %swap3A_220 : vector<1x16xi32> to vector<16xi32>
      %swap3A_222 = vector.shape_cast %add3A_217 : vector<16xi32> to vector<1x16xi32>
      tpu.vector_store %arg6[%swap3A_218, %swap3A_219], %swap3A_222 {strides = array<i32>} : memref<40x512xi32, #tpu.memory_space<vmem>>, vector<1x16xi32>,
      %get3A_223 = arith.index_cast %scan3A_49 : i32 to index
      %get3A_224 = arith.constant 256 : index
      %get3A_225 = tpu.vector_load %arg6[%get3A_223, %get3A_224] {strides = array<i32>} : memref<40x512xi32, #tpu.memory_space<vmem>>, vector<1x16xi32>,
      %get3A_226 = vector.shape_cast %get3A_225 : vector<1x16xi32> to vector<16xi32>
      %add3A_227 = vector.broadcast %mul3A_20 : i32 to vector<16xi32>
      %add3A_228 = arith.addi %get3A_226, %add3A_227 : vector<16xi32>
      %swap3A_229 = arith.index_cast %scan3A_49 : i32 to index
      %swap3A_230 = arith.constant 256 : index
      %swap3A_231 = tpu.vector_load %arg6[%swap3A_229, %swap3A_230] {strides = array<i32>} : memref<40x512xi32, #tpu.memory_space<vmem>>, vector<1x16xi32>,
      %swap3A_232 = vector.shape_cast %swap3A_231 : vector<1x16xi32> to vector<16xi32>
      %swap3A_233 = vector.shape_cast %add3A_228 : vector<16xi32> to vector<1x16xi32>
      tpu.vector_store %arg6[%swap3A_229, %swap3A_230], %swap3A_233 {strides = array<i32>} : memref<40x512xi32, #tpu.memory_space<vmem>>, vector<1x16xi32>,
      %get3A_234 = arith.index_cast %scan3A_49 : i32 to index
      %get3A_235 = arith.constant 272 : index
      %get3A_236 = tpu.vector_load %arg6[%get3A_234, %get3A_235] {strides = array<i32>} : memref<40x512xi32, #tpu.memory_space<vmem>>, vector<1x16xi32>,
      %get3A_237 = vector.shape_cast %get3A_236 : vector<1x16xi32> to vector<16xi32>
      %add3A_238 = vector.broadcast %mul3A_20 : i32 to vector<16xi32>
      %add3A_239 = arith.addi %get3A_237, %add3A_238 : vector<16xi32>
      %swap3A_240 = arith.index_cast %scan3A_49 : i32 to index
      %swap3A_241 = arith.constant 272 : index
      %swap3A_242 = tpu.vector_load %arg6[%swap3A_240, %swap3A_241] {strides = array<i32>} : memref<40x512xi32, #tpu.memory_space<vmem>>, vector<1x16xi32>,
      %swap3A_243 = vector.shape_cast %swap3A_242 : vector<1x16xi32> to vector<16xi32>
      %swap3A_244 = vector.shape_cast %add3A_239 : vector<16xi32> to vector<1x16xi32>
      tpu.vector_store %arg6[%swap3A_240, %swap3A_241], %swap3A_244 {strides = array<i32>} : memref<40x512xi32, #tpu.memory_space<vmem>>, vector<1x16xi32>,
      %get3A_245 = arith.index_cast %scan3A_49 : i32 to index
      %get3A_246 = arith.constant 288 : index
      %get3A_247 = tpu.vector_load %arg6[%get3A_245, %get3A_246] {strides = array<i32>} : memref<40x512xi32, #tpu.memory_space<vmem>>, vector<1x16xi32>,
      %get3A_248 = vector.shape_cast %get3A_247 : vector<1x16xi32> to vector<16xi32>
      %add3A_249 = vector.broadcast %mul3A_20 : i32 to vector<16xi32>
      %add3A_250 = arith.addi %get3A_248, %add3A_249 : vector<16xi32>
      %swap3A_251 = arith.index_cast %scan3A_49 : i32 to index
      %swap3A_252 = arith.constant 288 : index
      %swap3A_253 = tpu.vector_load %arg6[%swap3A_251, %swap3A_252] {strides = array<i32>} : memref<40x512xi32, #tpu.memory_space<vmem>>, vector<1x16xi32>,
      %swap3A_254 = vector.shape_cast %swap3A_253 : vector<1x16xi32> to vector<16xi32>
      %swap3A_255 = vector.shape_cast %add3A_250 : vector<16xi32> to vector<1x16xi32>
      tpu.vector_store %arg6[%swap3A_251, %swap3A_252], %swap3A_255 {strides = array<i32>} : memref<40x512xi32, #tpu.memory_space<vmem>>, vector<1x16xi32>,
      %get3A_256 = arith.index_cast %scan3A_49 : i32 to index
      %get3A_257 = arith.constant 304 : index
      %get3A_258 = tpu.vector_load %arg6[%get3A_256, %get3A_257] {strides = array<i32>} : memref<40x512xi32, #tpu.memory_space<vmem>>, vector<1x16xi32>,
      %get3A_259 = vector.shape_cast %get3A_258 : vector<1x16xi32> to vector<16xi32>
      %add3A_260 = vector.broadcast %mul3A_20 : i32 to vector<16xi32>
      %add3A_261 = arith.addi %get3A_259, %add3A_260 : vector<16xi32>
      %swap3A_262 = arith.index_cast %scan3A_49 : i32 to index
      %swap3A_263 = arith.constant 304 : index
      %swap3A_264 = tpu.vector_load %arg6[%swap3A_262, %swap3A_263] {strides = array<i32>} : memref<40x512xi32, #tpu.memory_space<vmem>>, vector<1x16xi32>,
      %swap3A_265 = vector.shape_cast %swap3A_264 : vector<1x16xi32> to vector<16xi32>
      %swap3A_266 = vector.shape_cast %add3A_261 : vector<16xi32> to vector<1x16xi32>
      tpu.vector_store %arg6[%swap3A_262, %swap3A_263], %swap3A_266 {strides = array<i32>} : memref<40x512xi32, #tpu.memory_space<vmem>>, vector<1x16xi32>,
      %get3A_267 = arith.index_cast %scan3A_49 : i32 to index
      %get3A_268 = arith.constant 320 : index
      %get3A_269 = tpu.vector_load %arg6[%get3A_267, %get3A_268] {strides = array<i32>} : memref<40x512xi32, #tpu.memory_space<vmem>>, vector<1x16xi32>,
      %get3A_270 = vector.shape_cast %get3A_269 : vector<1x16xi32> to vector<16xi32>
      %add3A_271 = vector.broadcast %mul3A_20 : i32 to vector<16xi32>
      %add3A_272 = arith.addi %get3A_270, %add3A_271 : vector<16xi32>
      %swap3A_273 = arith.index_cast %scan3A_49 : i32 to index
      %swap3A_274 = arith.constant 320 : index
      %swap3A_275 = tpu.vector_load %arg6[%swap3A_273, %swap3A_274] {strides = array<i32>} : memref<40x512xi32, #tpu.memory_space<vmem>>, vector<1x16xi32>,
      %swap3A_276 = vector.shape_cast %swap3A_275 : vector<1x16xi32> to vector<16xi32>
      %swap3A_277 = vector.shape_cast %add3A_272 : vector<16xi32> to vector<1x16xi32>
      tpu.vector_store %arg6[%swap3A_273, %swap3A_274], %swap3A_277 {strides = array<i32>} : memref<40x512xi32, #tpu.memory_space<vmem>>, vector<1x16xi32>,
      %get3A_278 = arith.index_cast %scan3A_49 : i32 to index
      %get3A_279 = arith.constant 336 : index
      %get3A_280 = tpu.vector_load %arg6[%get3A_278, %get3A_279] {strides = array<i32>} : memref<40x512xi32, #tpu.memory_space<vmem>>, vector<1x16xi32>,
      %get3A_281 = vector.shape_cast %get3A_280 : vector<1x16xi32> to vector<16xi32>
      %add3A_282 = vector.broadcast %mul3A_20 : i32 to vector<16xi32>
      %add3A_283 = arith.addi %get3A_281, %add3A_282 : vector<16xi32>
      %swap3A_284 = arith.index_cast %scan3A_49 : i32 to index
      %swap3A_285 = arith.constant 336 : index
      %swap3A_286 = tpu.vector_load %arg6[%swap3A_284, %swap3A_285] {strides = array<i32>} : memref<40x512xi32, #tpu.memory_space<vmem>>, vector<1x16xi32>,
      %swap3A_287 = vector.shape_cast %swap3A_286 : vector<1x16xi32> to vector<16xi32>
      %swap3A_288 = vector.shape_cast %add3A_283 : vector<16xi32> to vector<1x16xi32>
      tpu.vector_store %arg6[%swap3A_284, %swap3A_285], %swap3A_288 {strides = array<i32>} : memref<40x512xi32, #tpu.memory_space<vmem>>, vector<1x16xi32>,
      %get3A_289 = arith.index_cast %scan3A_49 : i32 to index
      %get3A_290 = arith.constant 352 : index
      %get3A_291 = tpu.vector_load %arg6[%get3A_289, %get3A_290] {strides = array<i32>} : memref<40x512xi32, #tpu.memory_space<vmem>>, vector<1x16xi32>,
      %get3A_292 = vector.shape_cast %get3A_291 : vector<1x16xi32> to vector<16xi32>
      %add3A_293 = vector.broadcast %mul3A_20 : i32 to vector<16xi32>
      %add3A_294 = arith.addi %get3A_292, %add3A_293 : vector<16xi32>
      %swap3A_295 = arith.index_cast %scan3A_49 : i32 to index
      %swap3A_296 = arith.constant 352 : index
      %swap3A_297 = tpu.vector_load %arg6[%swap3A_295, %swap3A_296] {strides = array<i32>} : memref<40x512xi32, #tpu.memory_space<vmem>>, vector<1x16xi32>,
      %swap3A_298 = vector.shape_cast %swap3A_297 : vector<1x16xi32> to vector<16xi32>
      %swap3A_299 = vector.shape_cast %add3A_294 : vector<16xi32> to vector<1x16xi32>
      tpu.vector_store %arg6[%swap3A_295, %swap3A_296], %swap3A_299 {strides = array<i32>} : memref<40x512xi32, #tpu.memory_space<vmem>>, vector<1x16xi32>,
      %get3A_300 = arith.index_cast %scan3A_49 : i32 to index
      %get3A_301 = arith.constant 368 : index
      %get3A_302 = tpu.vector_load %arg6[%get3A_300, %get3A_301] {strides = array<i32>} : memref<40x512xi32, #tpu.memory_space<vmem>>, vector<1x16xi32>,
      %get3A_303 = vector.shape_cast %get3A_302 : vector<1x16xi32> to vector<16xi32>
      %add3A_304 = vector.broadcast %mul3A_20 : i32 to vector<16xi32>
      %add3A_305 = arith.addi %get3A_303, %add3A_304 : vector<16xi32>
      %swap3A_306 = arith.index_cast %scan3A_49 : i32 to index
      %swap3A_307 = arith.constant 368 : index
      %swap3A_308 = tpu.vector_load %arg6[%swap3A_306, %swap3A_307] {strides = array<i32>} : memref<40x512xi32, #tpu.memory_space<vmem>>, vector<1x16xi32>,
      %swap3A_309 = vector.shape_cast %swap3A_308 : vector<1x16xi32> to vector<16xi32>
      %swap3A_310 = vector.shape_cast %add3A_305 : vector<16xi32> to vector<1x16xi32>
      tpu.vector_store %arg6[%swap3A_306, %swap3A_307], %swap3A_310 {strides = array<i32>} : memref<40x512xi32, #tpu.memory_space<vmem>>, vector<1x16xi32>,
      %get3A_311 = arith.index_cast %scan3A_49 : i32 to index
      %get3A_312 = arith.constant 384 : index
      %get3A_313 = tpu.vector_load %arg6[%get3A_311, %get3A_312] {strides = array<i32>} : memref<40x512xi32, #tpu.memory_space<vmem>>, vector<1x16xi32>,
      %get3A_314 = vector.shape_cast %get3A_313 : vector<1x16xi32> to vector<16xi32>
      %add3A_315 = vector.broadcast %mul3A_20 : i32 to vector<16xi32>
      %add3A_316 = arith.addi %get3A_314, %add3A_315 : vector<16xi32>
      %swap3A_317 = arith.index_cast %scan3A_49 : i32 to index
      %swap3A_318 = arith.constant 384 : index
      %swap3A_319 = tpu.vector_load %arg6[%swap3A_317, %swap3A_318] {strides = array<i32>} : memref<40x512xi32, #tpu.memory_space<vmem>>, vector<1x16xi32>,
      %swap3A_320 = vector.shape_cast %swap3A_319 : vector<1x16xi32> to vector<16xi32>
      %swap3A_321 = vector.shape_cast %add3A_316 : vector<16xi32> to vector<1x16xi32>
      tpu.vector_store %arg6[%swap3A_317, %swap3A_318], %swap3A_321 {strides = array<i32>} : memref<40x512xi32, #tpu.memory_space<vmem>>, vector<1x16xi32>,
      %get3A_322 = arith.index_cast %scan3A_49 : i32 to index
      %get3A_323 = arith.constant 400 : index
      %get3A_324 = tpu.vector_load %arg6[%get3A_322, %get3A_323] {strides = array<i32>} : memref<40x512xi32, #tpu.memory_space<vmem>>, vector<1x16xi32>,
      %get3A_325 = vector.shape_cast %get3A_324 : vector<1x16xi32> to vector<16xi32>
      %add3A_326 = vector.broadcast %mul3A_20 : i32 to vector<16xi32>
      %add3A_327 = arith.addi %get3A_325, %add3A_326 : vector<16xi32>
      %swap3A_328 = arith.index_cast %scan3A_49 : i32 to index
      %swap3A_329 = arith.constant 400 : index
      %swap3A_330 = tpu.vector_load %arg6[%swap3A_328, %swap3A_329] {strides = array<i32>} : memref<40x512xi32, #tpu.memory_space<vmem>>, vector<1x16xi32>,
      %swap3A_331 = vector.shape_cast %swap3A_330 : vector<1x16xi32> to vector<16xi32>
      %swap3A_332 = vector.shape_cast %add3A_327 : vector<16xi32> to vector<1x16xi32>
      tpu.vector_store %arg6[%swap3A_328, %swap3A_329], %swap3A_332 {strides = array<i32>} : memref<40x512xi32, #tpu.memory_space<vmem>>, vector<1x16xi32>,
      %get3A_333 = arith.index_cast %scan3A_49 : i32 to index
      %get3A_334 = arith.constant 416 : index
      %get3A_335 = tpu.vector_load %arg6[%get3A_333, %get3A_334] {strides = array<i32>} : memref<40x512xi32, #tpu.memory_space<vmem>>, vector<1x16xi32>,
      %get3A_336 = vector.shape_cast %get3A_335 : vector<1x16xi32> to vector<16xi32>
      %add3A_337 = vector.broadcast %mul3A_20 : i32 to vector<16xi32>
      %add3A_338 = arith.addi %get3A_336, %add3A_337 : vector<16xi32>
      %swap3A_339 = arith.index_cast %scan3A_49 : i32 to index
      %swap3A_340 = arith.constant 416 : index
      %swap3A_341 = tpu.vector_load %arg6[%swap3A_339, %swap3A_340] {strides = array<i32>} : memref<40x512xi32, #tpu.memory_space<vmem>>, vector<1x16xi32>,
      %swap3A_342 = vector.shape_cast %swap3A_341 : vector<1x16xi32> to vector<16xi32>
      %swap3A_343 = vector.shape_cast %add3A_338 : vector<16xi32> to vector<1x16xi32>
      tpu.vector_store %arg6[%swap3A_339, %swap3A_340], %swap3A_343 {strides = array<i32>} : memref<40x512xi32, #tpu.memory_space<vmem>>, vector<1x16xi32>,
      %get3A_344 = arith.index_cast %scan3A_49 : i32 to index
      %get3A_345 = arith.constant 432 : index
      %get3A_346 = tpu.vector_load %arg6[%get3A_344, %get3A_345] {strides = array<i32>} : memref<40x512xi32, #tpu.memory_space<vmem>>, vector<1x16xi32>,
      %get3A_347 = vector.shape_cast %get3A_346 : vector<1x16xi32> to vector<16xi32>
      %add3A_348 = vector.broadcast %mul3A_20 : i32 to vector<16xi32>
      %add3A_349 = arith.addi %get3A_347, %add3A_348 : vector<16xi32>
      %swap3A_350 = arith.index_cast %scan3A_49 : i32 to index
      %swap3A_351 = arith.constant 432 : index
      %swap3A_352 = tpu.vector_load %arg6[%swap3A_350, %swap3A_351] {strides = array<i32>} : memref<40x512xi32, #tpu.memory_space<vmem>>, vector<1x16xi32>,
      %swap3A_353 = vector.shape_cast %swap3A_352 : vector<1x16xi32> to vector<16xi32>
      %swap3A_354 = vector.shape_cast %add3A_349 : vector<16xi32> to vector<1x16xi32>
      tpu.vector_store %arg6[%swap3A_350, %swap3A_351], %swap3A_354 {strides = array<i32>} : memref<40x512xi32, #tpu.memory_space<vmem>>, vector<1x16xi32>,
      %get3A_355 = arith.index_cast %scan3A_49 : i32 to index
      %get3A_356 = arith.constant 448 : index
      %get3A_357 = tpu.vector_load %arg6[%get3A_355, %get3A_356] {strides = array<i32>} : memref<40x512xi32, #tpu.memory_space<vmem>>, vector<1x16xi32>,
      %get3A_358 = vector.shape_cast %get3A_357 : vector<1x16xi32> to vector<16xi32>
      %add3A_359 = vector.broadcast %mul3A_20 : i32 to vector<16xi32>
      %add3A_360 = arith.addi %get3A_358, %add3A_359 : vector<16xi32>
      %swap3A_361 = arith.index_cast %scan3A_49 : i32 to index
      %swap3A_362 = arith.constant 448 : index
      %swap3A_363 = tpu.vector_load %arg6[%swap3A_361, %swap3A_362] {strides = array<i32>} : memref<40x512xi32, #tpu.memory_space<vmem>>, vector<1x16xi32>,
      %swap3A_364 = vector.shape_cast %swap3A_363 : vector<1x16xi32> to vector<16xi32>
      %swap3A_365 = vector.shape_cast %add3A_360 : vector<16xi32> to vector<1x16xi32>
      tpu.vector_store %arg6[%swap3A_361, %swap3A_362], %swap3A_365 {strides = array<i32>} : memref<40x512xi32, #tpu.memory_space<vmem>>, vector<1x16xi32>,
      %get3A_366 = arith.index_cast %scan3A_49 : i32 to index
      %get3A_367 = arith.constant 464 : index
      %get3A_368 = tpu.vector_load %arg6[%get3A_366, %get3A_367] {strides = array<i32>} : memref<40x512xi32, #tpu.memory_space<vmem>>, vector<1x16xi32>,
      %get3A_369 = vector.shape_cast %get3A_368 : vector<1x16xi32> to vector<16xi32>
      %add3A_370 = vector.broadcast %mul3A_20 : i32 to vector<16xi32>
      %add3A_371 = arith.addi %get3A_369, %add3A_370 : vector<16xi32>
      %swap3A_372 = arith.index_cast %scan3A_49 : i32 to index
      %swap3A_373 = arith.constant 464 : index
      %swap3A_374 = tpu.vector_load %arg6[%swap3A_372, %swap3A_373] {strides = array<i32>} : memref<40x512xi32, #tpu.memory_space<vmem>>, vector<1x16xi32>,
      %swap3A_375 = vector.shape_cast %swap3A_374 : vector<1x16xi32> to vector<16xi32>
      %swap3A_376 = vector.shape_cast %add3A_371 : vector<16xi32> to vector<1x16xi32>
      tpu.vector_store %arg6[%swap3A_372, %swap3A_373], %swap3A_376 {strides = array<i32>} : memref<40x512xi32, #tpu.memory_space<vmem>>, vector<1x16xi32>,
      %get3A_377 = arith.index_cast %scan3A_49 : i32 to index
      %get3A_378 = arith.constant 480 : index
      %get3A_379 = tpu.vector_load %arg6[%get3A_377, %get3A_378] {strides = array<i32>} : memref<40x512xi32, #tpu.memory_space<vmem>>, vector<1x16xi32>,
      %get3A_380 = vector.shape_cast %get3A_379 : vector<1x16xi32> to vector<16xi32>
      %add3A_381 = vector.broadcast %mul3A_20 : i32 to vector<16xi32>
      %add3A_382 = arith.addi %get3A_380, %add3A_381 : vector<16xi32>
      %swap3A_383 = arith.index_cast %scan3A_49 : i32 to index
      %swap3A_384 = arith.constant 480 : index
      %swap3A_385 = tpu.vector_load %arg6[%swap3A_383, %swap3A_384] {strides = array<i32>} : memref<40x512xi32, #tpu.memory_space<vmem>>, vector<1x16xi32>,
      %swap3A_386 = vector.shape_cast %swap3A_385 : vector<1x16xi32> to vector<16xi32>
      %swap3A_387 = vector.shape_cast %add3A_382 : vector<16xi32> to vector<1x16xi32>
      tpu.vector_store %arg6[%swap3A_383, %swap3A_384], %swap3A_387 {strides = array<i32>} : memref<40x512xi32, #tpu.memory_space<vmem>>, vector<1x16xi32>,
      %get3A_388 = arith.index_cast %scan3A_49 : i32 to index
      %get3A_389 = arith.constant 496 : index
      %get3A_390 = tpu.vector_load %arg6[%get3A_388, %get3A_389] {strides = array<i32>} : memref<40x512xi32, #tpu.memory_space<vmem>>, vector<1x16xi32>,
      %get3A_391 = vector.shape_cast %get3A_390 : vector<1x16xi32> to vector<16xi32>
      %add3A_392 = vector.broadcast %mul3A_20 : i32 to vector<16xi32>
      %add3A_393 = arith.addi %get3A_391, %add3A_392 : vector<16xi32>
      %swap3A_394 = arith.index_cast %scan3A_49 : i32 to index
      %swap3A_395 = arith.constant 496 : index
      %swap3A_396 = tpu.vector_load %arg6[%swap3A_394, %swap3A_395] {strides = array<i32>} : memref<40x512xi32, #tpu.memory_space<vmem>>, vector<1x16xi32>,
      %swap3A_397 = vector.shape_cast %swap3A_396 : vector<1x16xi32> to vector<16xi32>
      %swap3A_398 = vector.shape_cast %add3A_393 : vector<16xi32> to vector<1x16xi32>
      tpu.vector_store %arg6[%swap3A_394, %swap3A_395], %swap3A_398 {strides = array<i32>} : memref<40x512xi32, #tpu.memory_space<vmem>>, vector<1x16xi32>,
    }
    %scan3A_26 = arith.constant 40 : i32
    %barrier3A = arith.constant 0 : index
    tpu.barrier barrier_id(%barrier3A)
    %dma_start3A = arith.constant 0 : i32
    %dma_start3A_27 = arith.constant 0 : i32
    %dma_start3A_28 = arith.constant 0 : i32
    %dma_start3A_29 = tpu.memref_slice %arg8[%dma_start3A_27, %dma_start3A_28] : memref<1024x64xbf16, #tpu.memory_space<vmem>> -> memref<512x64xbf16, #tpu.memory_space<vmem>>
    %dma_start3A_30 = arith.constant 0 : i32
    %dma_start3A_31 = tpu.memref_slice %arg6[%dma_start3A, %dma_start3A_30] : memref<40x512xi32, #tpu.memory_space<vmem>> -> memref<1x512xi32, #tpu.memory_space<vmem>>
    %dma_start3A_32 = tpu.memref_squeeze %dma_start3A_31 : memref<1x512xi32, #tpu.memory_space<vmem>> -> memref<512xi32, #tpu.memory_space<vmem>>
    %dma_start3A_33 = arith.constant 0 : i32
    %dma_start3A_34 = arith.constant 0 : i32
    %dma_start3A_35 = tpu.memref_slice %arg2[%dma_start3A_33, %dma_start3A_34] : memref<20000x64xbf16, #tpu.memory_space<hbm>> -> memref<20000x64xbf16, #tpu.memory_space<hbm>>
    tpu.enqueue_indirect_dma source(%dma_start3A_35 : memref<20000x64xbf16, #tpu.memory_space<hbm>>) target(%dma_start3A_29 : memref<512x64xbf16, #tpu.memory_space<vmem>>) offsets(%dma_start3A_32 : memref<512xi32, #tpu.memory_space<vmem>>) semaphore(%arg10 : memref<!tpu.dma_semaphore, #tpu.memory_space<semaphore_mem>>)
    %scan3A_36 = arith.constant 0 : i32
    %scan3A_37 = arith.constant 0 : i32
    %scan3A_38 = arith.constant 40 : i32
    %scan3A_39 = arith.addi %scan3A_37, %scan3A_38 : i32
    %scan3A_40 = arith.constant 1 : i32
    scf.for %scan3A_49 = %scan3A_37 to %scan3A_39 step %scan3A_40  : i32 {
      %rem3A = arith.constant 2 : i32
      %rem3A_50 = arith.remsi %scan3A_49, %rem3A : i32
      %mul3A_51 = arith.constant 512 : i32
      %mul3A_52 = arith.muli %rem3A_50, %mul3A_51 : i32
      %add3A = arith.constant 1 : i32
      %add3A_53 = arith.addi %scan3A_49, %add3A : i32
      %rem3A_54 = arith.constant 2 : i32
      %rem3A_55 = arith.remsi %add3A_53, %rem3A_54 : i32
      %mul3A_56 = arith.constant 512 : i32
      %mul3A_57 = arith.muli %rem3A_55, %mul3A_56 : i32
      %dma_wait3A = arith.constant 0 : i32
      %dma_wait3A_58 = tpu.memref_slice %arg8[%mul3A_52, %dma_wait3A] : memref<1024x64xbf16, #tpu.memory_space<vmem>> -> memref<512x64xbf16, #tpu.memory_space<vmem>>
      %dma_wait3A_59 = arith.constant 0 : i32
      %dma_wait3A_60 = arith.constant 0 : i32
      %dma_wait3A_61 = tpu.memref_slice %arg2[%dma_wait3A_59, %dma_wait3A_60] : memref<20000x64xbf16, #tpu.memory_space<hbm>> -> memref<512x64xbf16, #tpu.memory_space<hbm>>
      %dma_wait3A_62 = arith.constant 0 : i32
      %dma_wait3A_63 = tpu.memref_slice %arg8[%mul3A_52, %dma_wait3A_62] : memref<1024x64xbf16, #tpu.memory_space<vmem>> -> memref<512x64xbf16, #tpu.memory_space<vmem>>
      %dma_wait3A_64 = arith.constant 0 : i32
      %dma_wait3A_65 = arith.constant 0 : i32
      %dma_wait3A_66 = tpu.memref_slice %arg2[%dma_wait3A_64, %dma_wait3A_65] : memref<20000x64xbf16, #tpu.memory_space<hbm>> -> memref<512x64xbf16, #tpu.memory_space<hbm>>
      tpu.wait_dma2 semaphore(%arg10 : memref<!tpu.dma_semaphore, #tpu.memory_space<semaphore_mem>>) src(%dma_wait3A_66 : memref<512x64xbf16, #tpu.memory_space<hbm>>) dst(%dma_wait3A_63 : memref<512x64xbf16, #tpu.memory_space<vmem>>)
      %add3A_67 = arith.constant 1 : i32
      %add3A_68 = arith.addi %scan3A_49, %add3A_67 : i32
      %lt3A = arith.constant 40 : i32
      %lt3A_69 = arith.cmpi slt, %add3A_68, %lt3A : i32
      %convert_element_type3A = arith.extui %lt3A_69 : i1 to i32
      %cond3A = arith.constant 0 : i32
      %cond3A_70 = arith.cmpi ne, %convert_element_type3A, %cond3A : i32
      scf.if %cond3A_70 {
        %add3A_71 = arith.constant 1 : i32
        %add3A_72 = arith.addi %scan3A_49, %add3A_71 : i32
        %dma_start3A_73 = arith.constant 0 : i32
        %dma_start3A_74 = tpu.memref_slice %arg8[%mul3A_57, %dma_start3A_73] : memref<1024x64xbf16, #tpu.memory_space<vmem>> -> memref<512x64xbf16, #tpu.memory_space<vmem>>
        %dma_start3A_75 = arith.constant 0 : i32
        %dma_start3A_76 = tpu.memref_slice %arg6[%add3A_72, %dma_start3A_75] : memref<40x512xi32, #tpu.memory_space<vmem>> -> memref<1x512xi32, #tpu.memory_space<vmem>>
        %dma_start3A_77 = tpu.memref_squeeze %dma_start3A_76 : memref<1x512xi32, #tpu.memory_space<vmem>> -> memref<512xi32, #tpu.memory_space<vmem>>
        %dma_start3A_78 = arith.constant 0 : i32
        %dma_start3A_79 = arith.constant 0 : i32
        %dma_start3A_80 = tpu.memref_slice %arg2[%dma_start3A_78, %dma_start3A_79] : memref<20000x64xbf16, #tpu.memory_space<hbm>> -> memref<20000x64xbf16, #tpu.memory_space<hbm>>
        tpu.enqueue_indirect_dma source(%dma_start3A_80 : memref<20000x64xbf16, #tpu.memory_space<hbm>>) target(%dma_start3A_74 : memref<512x64xbf16, #tpu.memory_space<vmem>>) offsets(%dma_start3A_77 : memref<512xi32, #tpu.memory_space<vmem>>) semaphore(%arg10 : memref<!tpu.dma_semaphore, #tpu.memory_space<semaphore_mem>>)
      } else {
      }
      "tpu.region"() ({
        %run_scoped3A = tpu.sem_alloc : memref<!tpu.dma_semaphore, #tpu.memory_space<semaphore_mem>>
        %dma_start3A_71 = arith.constant 0 : i32
        %dma_start3A_72 = tpu.memref_slice %arg8[%mul3A_52, %dma_start3A_71] : memref<1024x64xbf16, #tpu.memory_space<vmem>> -> memref<512x64xbf16, #tpu.memory_space<vmem>>
        %dma_start3A_73 = arith.constant 0 : i32
        %dma_start3A_74 = tpu.memref_slice %arg7[%scan3A_49, %dma_start3A_73] : memref<40x512xi32, #tpu.memory_space<vmem>> -> memref<1x512xi32, #tpu.memory_space<vmem>>
        %dma_start3A_75 = tpu.memref_squeeze %dma_start3A_74 : memref<1x512xi32, #tpu.memory_space<vmem>> -> memref<512xi32, #tpu.memory_space<vmem>>
        %dma_start3A_76 = arith.constant 0 : i32
        %dma_start3A_77 = arith.constant 0 : i32
        %dma_start3A_78 = tpu.memref_slice %arg9[%dma_start3A_76, %dma_start3A_77] : memref<10240x64xbf16, #tpu.memory_space<vmem_shared>> -> memref<10240x64xbf16, #tpu.memory_space<vmem_shared>>
        tpu.enqueue_indirect_dma source(%dma_start3A_72 : memref<512x64xbf16, #tpu.memory_space<vmem>>) target(%dma_start3A_78 : memref<10240x64xbf16, #tpu.memory_space<vmem_shared>>) offsets(%dma_start3A_75 : memref<512xi32, #tpu.memory_space<vmem>>) semaphore(%run_scoped3A : memref<!tpu.dma_semaphore, #tpu.memory_space<semaphore_mem>>) {add = true}
        %dma_wait3A_79 = arith.constant 0 : i32
        %dma_wait3A_80 = tpu.memref_slice %arg8[%mul3A_52, %dma_wait3A_79] : memref<1024x64xbf16, #tpu.memory_space<vmem>> -> memref<512x64xbf16, #tpu.memory_space<vmem>>
        %dma_wait3A_81 = arith.constant 0 : i32
        %dma_wait3A_82 = tpu.memref_slice %arg7[%scan3A_49, %dma_wait3A_81] : memref<40x512xi32, #tpu.memory_space<vmem>> -> memref<1x512xi32, #tpu.memory_space<vmem>>
        %dma_wait3A_83 = tpu.memref_squeeze %dma_wait3A_82 : memref<1x512xi32, #tpu.memory_space<vmem>> -> memref<512xi32, #tpu.memory_space<vmem>>
        %dma_wait3A_84 = arith.constant 0 : i32
        %dma_wait3A_85 = arith.constant 0 : i32
        %dma_wait3A_86 = tpu.memref_slice %arg9[%dma_wait3A_84, %dma_wait3A_85] : memref<10240x64xbf16, #tpu.memory_space<vmem_shared>> -> memref<10240x64xbf16, #tpu.memory_space<vmem_shared>>
        tpu.wait_indirect_dma semaphore(%run_scoped3A : memref<!tpu.dma_semaphore, #tpu.memory_space<semaphore_mem>>) src(%dma_wait3A_80 : memref<512x64xbf16, #tpu.memory_space<vmem>>) dst(%dma_wait3A_86 : memref<10240x64xbf16, #tpu.memory_space<vmem_shared>>)
        tpu.yield
      }) : () -> ()
    }
    %scan3A_41 = arith.constant 40 : i32
    %barrier3A_42 = arith.constant 0 : index
    tpu.barrier barrier_id(%barrier3A_42)
    %scan3A_43 = arith.constant 0 : i32
    %scan3A_44 = arith.constant 0 : i32
    %scan3A_45 = arith.constant 5 : i32
    %scan3A_46 = arith.addi %scan3A_44, %scan3A_45 : i32
    %scan3A_47 = arith.constant 1 : i32
    scf.for %scan3A_49 = %scan3A_44 to %scan3A_46 step %scan3A_47  : i32 {
      %mul3A_50 = arith.constant 640 : i32
      %mul3A_51 = arith.muli %arg1, %mul3A_50 : i32
      %mul3A_52 = arith.constant 128 : i32
      %mul3A_53 = arith.muli %scan3A_49, %mul3A_52 : i32
      %add3A = arith.addi %mul3A_51, %mul3A_53 : i32
      "tpu.region"() ({
        %run_scoped3A = tpu.sem_alloc : memref<!tpu.dma_semaphore, #tpu.memory_space<semaphore_mem>>
        %dma_start3A_57 = arith.constant 0 : i32
        %dma_start3A_58 = arith.constant 0 : i32
        %dma_start3A_59 = tpu.memref_slice %arg8[%dma_start3A_57, %dma_start3A_58] : memref<1024x64xbf16, #tpu.memory_space<vmem>> -> memref<128x64xbf16, #tpu.memory_space<vmem>>
        %dma_start3A_60 = arith.constant 0 : i32
        %dma_start3A_61 = tpu.memref_slice %arg9[%add3A, %dma_start3A_60] : memref<10240x64xbf16, #tpu.memory_space<vmem_shared>> -> memref<128x64xbf16, #tpu.memory_space<vmem_shared>>
        %dma_start3A_62 = arith.constant 0 : i32
        %dma_start3A_63 = arith.constant 0 : i32
        %dma_start3A_64 = tpu.memref_slice %arg8[%dma_start3A_62, %dma_start3A_63] : memref<1024x64xbf16, #tpu.memory_space<vmem>> -> memref<128x64xbf16, #tpu.memory_space<vmem>>
        %dma_start3A_65 = arith.constant 0 : i32
        %dma_start3A_66 = tpu.memref_slice %arg9[%add3A, %dma_start3A_65] : memref<10240x64xbf16, #tpu.memory_space<vmem_shared>> -> memref<128x64xbf16, #tpu.memory_space<vmem_shared>>
        tpu.enqueue_dma source(%dma_start3A_66 : memref<128x64xbf16, #tpu.memory_space<vmem_shared>>) target(%dma_start3A_64 : memref<128x64xbf16, #tpu.memory_space<vmem>>) target_semaphore(%run_scoped3A : memref<!tpu.dma_semaphore, #tpu.memory_space<semaphore_mem>>)
        %dma_wait3A = arith.constant 0 : i32
        %dma_wait3A_67 = arith.constant 0 : i32
        %dma_wait3A_68 = tpu.memref_slice %arg8[%dma_wait3A, %dma_wait3A_67] : memref<1024x64xbf16, #tpu.memory_space<vmem>> -> memref<128x64xbf16, #tpu.memory_space<vmem>>
        %dma_wait3A_69 = arith.constant 0 : i32
        %dma_wait3A_70 = tpu.memref_slice %arg9[%add3A, %dma_wait3A_69] : memref<10240x64xbf16, #tpu.memory_space<vmem_shared>> -> memref<128x64xbf16, #tpu.memory_space<vmem_shared>>
        %dma_wait3A_71 = arith.constant 0 : i32
        %dma_wait3A_72 = arith.constant 0 : i32
        %dma_wait3A_73 = tpu.memref_slice %arg8[%dma_wait3A_71, %dma_wait3A_72] : memref<1024x64xbf16, #tpu.memory_space<vmem>> -> memref<128x64xbf16, #tpu.memory_space<vmem>>
        %dma_wait3A_74 = arith.constant 0 : i32
        %dma_wait3A_75 = tpu.memref_slice %arg9[%add3A, %dma_wait3A_74] : memref<10240x64xbf16, #tpu.memory_space<vmem_shared>> -> memref<128x64xbf16, #tpu.memory_space<vmem_shared>>
        tpu.wait_dma2 semaphore(%run_scoped3A : memref<!tpu.dma_semaphore, #tpu.memory_space<semaphore_mem>>) src(%dma_wait3A_75 : memref<128x64xbf16, #tpu.memory_space<vmem_shared>>) dst(%dma_wait3A_73 : memref<128x64xbf16, #tpu.memory_space<vmem>>)
        tpu.yield
      }) : () -> ()
      %mul3A_54 = arith.constant 10240 : i32
      %mul3A_55 = arith.muli %arg0, %mul3A_54 : i32
      %add3A_56 = arith.addi %mul3A_55, %add3A : i32
      "tpu.region"() ({
        %run_scoped3A = tpu.sem_alloc : memref<!tpu.dma_semaphore, #tpu.memory_space<semaphore_mem>>
        %dma_start3A_57 = arith.constant 0 : i32
        %dma_start3A_58 = arith.constant 0 : i32
        %dma_start3A_59 = tpu.memref_slice %arg8[%dma_start3A_57, %dma_start3A_58] : memref<1024x64xbf16, #tpu.memory_space<vmem>> -> memref<128x64xbf16, #tpu.memory_space<vmem>>
        %dma_start3A_60 = arith.constant 0 : i32
        %dma_start3A_61 = tpu.memref_slice %arg5[%add3A_56, %dma_start3A_60] : memref<20480x64xbf16, #tpu.memory_space<hbm>> -> memref<128x64xbf16, #tpu.memory_space<hbm>>
        %dma_start3A_62 = arith.constant 0 : i32
        %dma_start3A_63 = tpu.memref_slice %arg5[%add3A_56, %dma_start3A_62] : memref<20480x64xbf16, #tpu.memory_space<hbm>> -> memref<128x64xbf16, #tpu.memory_space<hbm>>
        %dma_start3A_64 = arith.constant 0 : i32
        %dma_start3A_65 = arith.constant 0 : i32
        %dma_start3A_66 = tpu.memref_slice %arg8[%dma_start3A_64, %dma_start3A_65] : memref<1024x64xbf16, #tpu.memory_space<vmem>> -> memref<128x64xbf16, #tpu.memory_space<vmem>>
        tpu.enqueue_dma source(%dma_start3A_66 : memref<128x64xbf16, #tpu.memory_space<vmem>>) target(%dma_start3A_63 : memref<128x64xbf16, #tpu.memory_space<hbm>>) target_semaphore(%run_scoped3A : memref<!tpu.dma_semaphore, #tpu.memory_space<semaphore_mem>>)
        %dma_wait3A = arith.constant 0 : i32
        %dma_wait3A_67 = arith.constant 0 : i32
        %dma_wait3A_68 = tpu.memref_slice %arg8[%dma_wait3A, %dma_wait3A_67] : memref<1024x64xbf16, #tpu.memory_space<vmem>> -> memref<128x64xbf16, #tpu.memory_space<vmem>>
        %dma_wait3A_69 = arith.constant 0 : i32
        %dma_wait3A_70 = tpu.memref_slice %arg5[%add3A_56, %dma_wait3A_69] : memref<20480x64xbf16, #tpu.memory_space<hbm>> -> memref<128x64xbf16, #tpu.memory_space<hbm>>
        %dma_wait3A_71 = arith.constant 0 : i32
        %dma_wait3A_72 = tpu.memref_slice %arg5[%add3A_56, %dma_wait3A_71] : memref<20480x64xbf16, #tpu.memory_space<hbm>> -> memref<128x64xbf16, #tpu.memory_space<hbm>>
        %dma_wait3A_73 = arith.constant 0 : i32
        %dma_wait3A_74 = arith.constant 0 : i32
        %dma_wait3A_75 = tpu.memref_slice %arg8[%dma_wait3A_73, %dma_wait3A_74] : memref<1024x64xbf16, #tpu.memory_space<vmem>> -> memref<128x64xbf16, #tpu.memory_space<vmem>>
        tpu.wait_dma2 semaphore(%run_scoped3A : memref<!tpu.dma_semaphore, #tpu.memory_space<semaphore_mem>>) src(%dma_wait3A_75 : memref<128x64xbf16, #tpu.memory_space<vmem>>) dst(%dma_wait3A_72 : memref<128x64xbf16, #tpu.memory_space<hbm>>)
        tpu.yield
      }) : () -> ()
    }
    %scan3A_48 = arith.constant 5 : i32
    return
  }
}

#map = affine_map<(d0, d1) -> (0, 0)>
module attributes {stable_mosaic.version = 14 : i64} {
  func.func @sc_agg_deg(%arg0: i32, %arg1: i32, %arg2: memref<20000x64xbf16, #tpu.memory_space<hbm>>, %arg3: memref<640x512xi32, #tpu.memory_space<hbm>>, %arg4: memref<640x512xi32, #tpu.memory_space<hbm>>, %arg5: memref<20480x64xbf16, #tpu.memory_space<hbm>>, %arg6: memref<20480x16xf32, #tpu.memory_space<hbm>>, %arg7: memref<40x512xi32, #tpu.memory_space<vmem>>, %arg8: memref<40x512xi32, #tpu.memory_space<vmem>>, %arg9: memref<1024x64xbf16, #tpu.memory_space<vmem>>, %arg10: memref<512x16xf32, #tpu.memory_space<vmem>>, %arg11: memref<128x16xf32, #tpu.memory_space<vmem>>, %arg12: memref<10240x64xbf16, #tpu.memory_space<vmem_shared>>, %arg13: memref<10240x16xf32, #tpu.memory_space<vmem_shared>>, %arg14: memref<!tpu.dma_semaphore, #tpu.memory_space<semaphore_mem>>) attributes {dimension_semantics = [#tpu.dimension_semantics<core_parallel>, #tpu.dimension_semantics<subcore_parallel>], iteration_bounds = array<i64: 2, 16>, scalar_prefetch = 0 : i64, scratch_operands = 8 : i64, tpu.core_type = #tpu.core_type<sc_vector_subcore>, window_params = [{transform_indices = #map}, {transform_indices = #map}, {transform_indices = #map}, {transform_indices = #map}, {transform_indices = #map}]} {
    %broadcast_in_dim3A = arith.constant 0.000000e+00 : f32
    %broadcast_in_dim3A_0 = vector.broadcast %broadcast_in_dim3A : f32 to vector<16xf32>
    %broadcast_in_dim3A_1 = arith.constant 1.000000e+00 : f32
    %broadcast_in_dim3A_2 = vector.broadcast %broadcast_in_dim3A_1 : f32 to vector<16xf32>
    %broadcast_in_dim3A_3 = arith.constant 0.000000e+00 : bf16
    %broadcast_in_dim3A_4 = vector.broadcast %broadcast_in_dim3A_3 : bf16 to vector<32xbf16>
    %scan3A = arith.constant 0 : i32
    %scan3A_5 = arith.constant 0 : i32
    %scan3A_6 = arith.constant 128 : i32
    %scan3A_7 = arith.addi %scan3A_5, %scan3A_6 : i32
    %scan3A_8 = arith.constant 1 : i32
    scf.for %scan3A_55 = %scan3A_5 to %scan3A_7 step %scan3A_8  : i32 {
      %swap3A = arith.index_cast %scan3A_55 : i32 to index
      %swap3A_56 = arith.constant 0 : index
      %swap3A_57 = tpu.vector_load %arg9[%swap3A, %swap3A_56] {strides = array<i32>} : memref<1024x64xbf16, #tpu.memory_space<vmem>>, vector<1x32xbf16>,
      %swap3A_58 = vector.shape_cast %swap3A_57 : vector<1x32xbf16> to vector<32xbf16>
      %swap3A_59 = vector.shape_cast %broadcast_in_dim3A_4 : vector<32xbf16> to vector<1x32xbf16>
      tpu.vector_store %arg9[%swap3A, %swap3A_56], %swap3A_59 {strides = array<i32>} : memref<1024x64xbf16, #tpu.memory_space<vmem>>, vector<1x32xbf16>,
      %swap3A_60 = arith.index_cast %scan3A_55 : i32 to index
      %swap3A_61 = arith.constant 32 : index
      %swap3A_62 = tpu.vector_load %arg9[%swap3A_60, %swap3A_61] {strides = array<i32>} : memref<1024x64xbf16, #tpu.memory_space<vmem>>, vector<1x32xbf16>,
      %swap3A_63 = vector.shape_cast %swap3A_62 : vector<1x32xbf16> to vector<32xbf16>
      %swap3A_64 = vector.shape_cast %broadcast_in_dim3A_4 : vector<32xbf16> to vector<1x32xbf16>
      tpu.vector_store %arg9[%swap3A_60, %swap3A_61], %swap3A_64 {strides = array<i32>} : memref<1024x64xbf16, #tpu.memory_space<vmem>>, vector<1x32xbf16>,
      %swap3A_65 = arith.index_cast %scan3A_55 : i32 to index
      %swap3A_66 = arith.constant 0 : index
      %swap3A_67 = tpu.vector_load %arg11[%swap3A_65, %swap3A_66] {strides = array<i32>} : memref<128x16xf32, #tpu.memory_space<vmem>>, vector<1x16xf32>,
      %swap3A_68 = vector.shape_cast %swap3A_67 : vector<1x16xf32> to vector<16xf32>
      %swap3A_69 = vector.shape_cast %broadcast_in_dim3A_0 : vector<16xf32> to vector<1x16xf32>
      tpu.vector_store %arg11[%swap3A_65, %swap3A_66], %swap3A_69 {strides = array<i32>} : memref<128x16xf32, #tpu.memory_space<vmem>>, vector<1x16xf32>,
    }
    %scan3A_9 = arith.constant 128 : i32
    %scan3A_10 = arith.constant 0 : i32
    %scan3A_11 = arith.constant 0 : i32
    %scan3A_12 = arith.constant 512 : i32
    %scan3A_13 = arith.addi %scan3A_11, %scan3A_12 : i32
    %scan3A_14 = arith.constant 1 : i32
    scf.for %scan3A_55 = %scan3A_11 to %scan3A_13 step %scan3A_14  : i32 {
      %swap3A = arith.index_cast %scan3A_55 : i32 to index
      %swap3A_56 = arith.constant 0 : index
      %swap3A_57 = tpu.vector_load %arg10[%swap3A, %swap3A_56] {strides = array<i32>} : memref<512x16xf32, #tpu.memory_space<vmem>>, vector<1x16xf32>,
      %swap3A_58 = vector.shape_cast %swap3A_57 : vector<1x16xf32> to vector<16xf32>
      %swap3A_59 = vector.shape_cast %broadcast_in_dim3A_2 : vector<16xf32> to vector<1x16xf32>
      tpu.vector_store %arg10[%swap3A, %swap3A_56], %swap3A_59 {strides = array<i32>} : memref<512x16xf32, #tpu.memory_space<vmem>>, vector<1x16xf32>,
    }
    %scan3A_15 = arith.constant 512 : i32
    %scan3A_16 = arith.constant 0 : i32
    %scan3A_17 = arith.constant 0 : i32
    %scan3A_18 = arith.constant 5 : i32
    %scan3A_19 = arith.addi %scan3A_17, %scan3A_18 : i32
    %scan3A_20 = arith.constant 1 : i32
    scf.for %scan3A_55 = %scan3A_17 to %scan3A_19 step %scan3A_20  : i32 {
      %mul3A_56 = arith.constant 640 : i32
      %mul3A_57 = arith.muli %arg1, %mul3A_56 : i32
      %mul3A_58 = arith.constant 128 : i32
      %mul3A_59 = arith.muli %scan3A_55, %mul3A_58 : i32
      %add3A = arith.addi %mul3A_57, %mul3A_59 : i32
      "tpu.region"() ({
        %run_scoped3A = tpu.sem_alloc : memref<!tpu.dma_semaphore, #tpu.memory_space<semaphore_mem>>
        %dma_start3A_60 = arith.constant 0 : i32
        %dma_start3A_61 = arith.constant 0 : i32
        %dma_start3A_62 = tpu.memref_slice %arg9[%dma_start3A_60, %dma_start3A_61] : memref<1024x64xbf16, #tpu.memory_space<vmem>> -> memref<128x64xbf16, #tpu.memory_space<vmem>>
        %dma_start3A_63 = arith.constant 0 : i32
        %dma_start3A_64 = tpu.memref_slice %arg12[%add3A, %dma_start3A_63] : memref<10240x64xbf16, #tpu.memory_space<vmem_shared>> -> memref<128x64xbf16, #tpu.memory_space<vmem_shared>>
        %dma_start3A_65 = arith.constant 0 : i32
        %dma_start3A_66 = tpu.memref_slice %arg12[%add3A, %dma_start3A_65] : memref<10240x64xbf16, #tpu.memory_space<vmem_shared>> -> memref<128x64xbf16, #tpu.memory_space<vmem_shared>>
        %dma_start3A_67 = arith.constant 0 : i32
        %dma_start3A_68 = arith.constant 0 : i32
        %dma_start3A_69 = tpu.memref_slice %arg9[%dma_start3A_67, %dma_start3A_68] : memref<1024x64xbf16, #tpu.memory_space<vmem>> -> memref<128x64xbf16, #tpu.memory_space<vmem>>
        tpu.enqueue_dma source(%dma_start3A_69 : memref<128x64xbf16, #tpu.memory_space<vmem>>) target(%dma_start3A_66 : memref<128x64xbf16, #tpu.memory_space<vmem_shared>>) target_semaphore(%run_scoped3A : memref<!tpu.dma_semaphore, #tpu.memory_space<semaphore_mem>>)
        %dma_wait3A = arith.constant 0 : i32
        %dma_wait3A_70 = arith.constant 0 : i32
        %dma_wait3A_71 = tpu.memref_slice %arg9[%dma_wait3A, %dma_wait3A_70] : memref<1024x64xbf16, #tpu.memory_space<vmem>> -> memref<128x64xbf16, #tpu.memory_space<vmem>>
        %dma_wait3A_72 = arith.constant 0 : i32
        %dma_wait3A_73 = tpu.memref_slice %arg12[%add3A, %dma_wait3A_72] : memref<10240x64xbf16, #tpu.memory_space<vmem_shared>> -> memref<128x64xbf16, #tpu.memory_space<vmem_shared>>
        %dma_wait3A_74 = arith.constant 0 : i32
        %dma_wait3A_75 = tpu.memref_slice %arg12[%add3A, %dma_wait3A_74] : memref<10240x64xbf16, #tpu.memory_space<vmem_shared>> -> memref<128x64xbf16, #tpu.memory_space<vmem_shared>>
        %dma_wait3A_76 = arith.constant 0 : i32
        %dma_wait3A_77 = arith.constant 0 : i32
        %dma_wait3A_78 = tpu.memref_slice %arg9[%dma_wait3A_76, %dma_wait3A_77] : memref<1024x64xbf16, #tpu.memory_space<vmem>> -> memref<128x64xbf16, #tpu.memory_space<vmem>>
        tpu.wait_dma2 semaphore(%run_scoped3A : memref<!tpu.dma_semaphore, #tpu.memory_space<semaphore_mem>>) src(%dma_wait3A_78 : memref<128x64xbf16, #tpu.memory_space<vmem>>) dst(%dma_wait3A_75 : memref<128x64xbf16, #tpu.memory_space<vmem_shared>>)
        tpu.yield
      }) : () -> ()
      "tpu.region"() ({
        %run_scoped3A = tpu.sem_alloc : memref<!tpu.dma_semaphore, #tpu.memory_space<semaphore_mem>>
        %dma_start3A_60 = arith.constant 0 : i32
        %dma_start3A_61 = tpu.memref_slice %arg13[%add3A, %dma_start3A_60] : memref<10240x16xf32, #tpu.memory_space<vmem_shared>> -> memref<128x16xf32, #tpu.memory_space<vmem_shared>>
        %dma_start3A_62 = arith.constant 0 : i32
        %dma_start3A_63 = tpu.memref_slice %arg13[%add3A, %dma_start3A_62] : memref<10240x16xf32, #tpu.memory_space<vmem_shared>> -> memref<128x16xf32, #tpu.memory_space<vmem_shared>>
        tpu.enqueue_dma source(%arg11 : memref<128x16xf32, #tpu.memory_space<vmem>>) target(%dma_start3A_63 : memref<128x16xf32, #tpu.memory_space<vmem_shared>>) target_semaphore(%run_scoped3A : memref<!tpu.dma_semaphore, #tpu.memory_space<semaphore_mem>>)
        %dma_wait3A = arith.constant 0 : i32
        %dma_wait3A_64 = tpu.memref_slice %arg13[%add3A, %dma_wait3A] : memref<10240x16xf32, #tpu.memory_space<vmem_shared>> -> memref<128x16xf32, #tpu.memory_space<vmem_shared>>
        %dma_wait3A_65 = arith.constant 0 : i32
        %dma_wait3A_66 = tpu.memref_slice %arg13[%add3A, %dma_wait3A_65] : memref<10240x16xf32, #tpu.memory_space<vmem_shared>> -> memref<128x16xf32, #tpu.memory_space<vmem_shared>>
        tpu.wait_dma2 semaphore(%run_scoped3A : memref<!tpu.dma_semaphore, #tpu.memory_space<semaphore_mem>>) src(%arg11 : memref<128x16xf32, #tpu.memory_space<vmem>>) dst(%dma_wait3A_66 : memref<128x16xf32, #tpu.memory_space<vmem_shared>>)
        tpu.yield
      }) : () -> ()
    }
    %scan3A_21 = arith.constant 5 : i32
    %mul3A = arith.constant 40 : i32
    %mul3A_22 = arith.muli %arg1, %mul3A : i32
    "tpu.region"() ({
      %run_scoped3A = tpu.sem_alloc : memref<!tpu.dma_semaphore, #tpu.memory_space<semaphore_mem>>
      %dma_start3A_55 = arith.constant 0 : i32
      %dma_start3A_56 = tpu.memref_slice %arg3[%mul3A_22, %dma_start3A_55] : memref<640x512xi32, #tpu.memory_space<hbm>> -> memref<40x512xi32, #tpu.memory_space<hbm>>
      %dma_start3A_57 = arith.constant 0 : i32
      %dma_start3A_58 = tpu.memref_slice %arg3[%mul3A_22, %dma_start3A_57] : memref<640x512xi32, #tpu.memory_space<hbm>> -> memref<40x512xi32, #tpu.memory_space<hbm>>
      tpu.enqueue_dma source(%dma_start3A_58 : memref<40x512xi32, #tpu.memory_space<hbm>>) target(%arg7 : memref<40x512xi32, #tpu.memory_space<vmem>>) target_semaphore(%run_scoped3A : memref<!tpu.dma_semaphore, #tpu.memory_space<semaphore_mem>>)
      %dma_wait3A = arith.constant 0 : i32
      %dma_wait3A_59 = tpu.memref_slice %arg3[%mul3A_22, %dma_wait3A] : memref<640x512xi32, #tpu.memory_space<hbm>> -> memref<40x512xi32, #tpu.memory_space<hbm>>
      %dma_wait3A_60 = arith.constant 0 : i32
      %dma_wait3A_61 = tpu.memref_slice %arg3[%mul3A_22, %dma_wait3A_60] : memref<640x512xi32, #tpu.memory_space<hbm>> -> memref<40x512xi32, #tpu.memory_space<hbm>>
      tpu.wait_dma2 semaphore(%run_scoped3A : memref<!tpu.dma_semaphore, #tpu.memory_space<semaphore_mem>>) src(%dma_wait3A_61 : memref<40x512xi32, #tpu.memory_space<hbm>>) dst(%arg7 : memref<40x512xi32, #tpu.memory_space<vmem>>)
      tpu.yield
    }) : () -> ()
    %mul3A_23 = arith.constant 40 : i32
    %mul3A_24 = arith.muli %arg1, %mul3A_23 : i32
    "tpu.region"() ({
      %run_scoped3A = tpu.sem_alloc : memref<!tpu.dma_semaphore, #tpu.memory_space<semaphore_mem>>
      %dma_start3A_55 = arith.constant 0 : i32
      %dma_start3A_56 = tpu.memref_slice %arg4[%mul3A_24, %dma_start3A_55] : memref<640x512xi32, #tpu.memory_space<hbm>> -> memref<40x512xi32, #tpu.memory_space<hbm>>
      %dma_start3A_57 = arith.constant 0 : i32
      %dma_start3A_58 = tpu.memref_slice %arg4[%mul3A_24, %dma_start3A_57] : memref<640x512xi32, #tpu.memory_space<hbm>> -> memref<40x512xi32, #tpu.memory_space<hbm>>
      tpu.enqueue_dma source(%dma_start3A_58 : memref<40x512xi32, #tpu.memory_space<hbm>>) target(%arg8 : memref<40x512xi32, #tpu.memory_space<vmem>>) target_semaphore(%run_scoped3A : memref<!tpu.dma_semaphore, #tpu.memory_space<semaphore_mem>>)
      %dma_wait3A = arith.constant 0 : i32
      %dma_wait3A_59 = tpu.memref_slice %arg4[%mul3A_24, %dma_wait3A] : memref<640x512xi32, #tpu.memory_space<hbm>> -> memref<40x512xi32, #tpu.memory_space<hbm>>
      %dma_wait3A_60 = arith.constant 0 : i32
      %dma_wait3A_61 = tpu.memref_slice %arg4[%mul3A_24, %dma_wait3A_60] : memref<640x512xi32, #tpu.memory_space<hbm>> -> memref<40x512xi32, #tpu.memory_space<hbm>>
      tpu.wait_dma2 semaphore(%run_scoped3A : memref<!tpu.dma_semaphore, #tpu.memory_space<semaphore_mem>>) src(%dma_wait3A_61 : memref<40x512xi32, #tpu.memory_space<hbm>>) dst(%arg8 : memref<40x512xi32, #tpu.memory_space<vmem>>)
      tpu.yield
    }) : () -> ()
    %mul3A_25 = arith.constant 10000 : i32
    %mul3A_26 = arith.muli %arg0, %mul3A_25 : i32
    %scan3A_27 = arith.constant 0 : i32
    %scan3A_28 = arith.constant 0 : i32
    %scan3A_29 = arith.constant 40 : i32
    %scan3A_30 = arith.addi %scan3A_28, %scan3A_29 : i32
    %scan3A_31 = arith.constant 1 : i32
    scf.for %scan3A_55 = %scan3A_28 to %scan3A_30 step %scan3A_31  : i32 {
      %get3A = arith.index_cast %scan3A_55 : i32 to index
      %get3A_56 = arith.constant 0 : index
      %get3A_57 = tpu.vector_load %arg7[%get3A, %get3A_56] {strides = array<i32>} : memref<40x512xi32, #tpu.memory_space<vmem>>, vector<1x16xi32>,
      %get3A_58 = vector.shape_cast %get3A_57 : vector<1x16xi32> to vector<16xi32>
      %add3A = vector.broadcast %mul3A_26 : i32 to vector<16xi32>
      %add3A_59 = arith.addi %get3A_58, %add3A : vector<16xi32>
      %swap3A = arith.index_cast %scan3A_55 : i32 to index
      %swap3A_60 = arith.constant 0 : index
      %swap3A_61 = tpu.vector_load %arg7[%swap3A, %swap3A_60] {strides = array<i32>} : memref<40x512xi32, #tpu.memory_space<vmem>>, vector<1x16xi32>,
      %swap3A_62 = vector.shape_cast %swap3A_61 : vector<1x16xi32> to vector<16xi32>
      %swap3A_63 = vector.shape_cast %add3A_59 : vector<16xi32> to vector<1x16xi32>
      tpu.vector_store %arg7[%swap3A, %swap3A_60], %swap3A_63 {strides = array<i32>} : memref<40x512xi32, #tpu.memory_space<vmem>>, vector<1x16xi32>,
      %get3A_64 = arith.index_cast %scan3A_55 : i32 to index
      %get3A_65 = arith.constant 16 : index
      %get3A_66 = tpu.vector_load %arg7[%get3A_64, %get3A_65] {strides = array<i32>} : memref<40x512xi32, #tpu.memory_space<vmem>>, vector<1x16xi32>,
      %get3A_67 = vector.shape_cast %get3A_66 : vector<1x16xi32> to vector<16xi32>
      %add3A_68 = vector.broadcast %mul3A_26 : i32 to vector<16xi32>
      %add3A_69 = arith.addi %get3A_67, %add3A_68 : vector<16xi32>
      %swap3A_70 = arith.index_cast %scan3A_55 : i32 to index
      %swap3A_71 = arith.constant 16 : index
      %swap3A_72 = tpu.vector_load %arg7[%swap3A_70, %swap3A_71] {strides = array<i32>} : memref<40x512xi32, #tpu.memory_space<vmem>>, vector<1x16xi32>,
      %swap3A_73 = vector.shape_cast %swap3A_72 : vector<1x16xi32> to vector<16xi32>
      %swap3A_74 = vector.shape_cast %add3A_69 : vector<16xi32> to vector<1x16xi32>
      tpu.vector_store %arg7[%swap3A_70, %swap3A_71], %swap3A_74 {strides = array<i32>} : memref<40x512xi32, #tpu.memory_space<vmem>>, vector<1x16xi32>,
      %get3A_75 = arith.index_cast %scan3A_55 : i32 to index
      %get3A_76 = arith.constant 32 : index
      %get3A_77 = tpu.vector_load %arg7[%get3A_75, %get3A_76] {strides = array<i32>} : memref<40x512xi32, #tpu.memory_space<vmem>>, vector<1x16xi32>,
      %get3A_78 = vector.shape_cast %get3A_77 : vector<1x16xi32> to vector<16xi32>
      %add3A_79 = vector.broadcast %mul3A_26 : i32 to vector<16xi32>
      %add3A_80 = arith.addi %get3A_78, %add3A_79 : vector<16xi32>
      %swap3A_81 = arith.index_cast %scan3A_55 : i32 to index
      %swap3A_82 = arith.constant 32 : index
      %swap3A_83 = tpu.vector_load %arg7[%swap3A_81, %swap3A_82] {strides = array<i32>} : memref<40x512xi32, #tpu.memory_space<vmem>>, vector<1x16xi32>,
      %swap3A_84 = vector.shape_cast %swap3A_83 : vector<1x16xi32> to vector<16xi32>
      %swap3A_85 = vector.shape_cast %add3A_80 : vector<16xi32> to vector<1x16xi32>
      tpu.vector_store %arg7[%swap3A_81, %swap3A_82], %swap3A_85 {strides = array<i32>} : memref<40x512xi32, #tpu.memory_space<vmem>>, vector<1x16xi32>,
      %get3A_86 = arith.index_cast %scan3A_55 : i32 to index
      %get3A_87 = arith.constant 48 : index
      %get3A_88 = tpu.vector_load %arg7[%get3A_86, %get3A_87] {strides = array<i32>} : memref<40x512xi32, #tpu.memory_space<vmem>>, vector<1x16xi32>,
      %get3A_89 = vector.shape_cast %get3A_88 : vector<1x16xi32> to vector<16xi32>
      %add3A_90 = vector.broadcast %mul3A_26 : i32 to vector<16xi32>
      %add3A_91 = arith.addi %get3A_89, %add3A_90 : vector<16xi32>
      %swap3A_92 = arith.index_cast %scan3A_55 : i32 to index
      %swap3A_93 = arith.constant 48 : index
      %swap3A_94 = tpu.vector_load %arg7[%swap3A_92, %swap3A_93] {strides = array<i32>} : memref<40x512xi32, #tpu.memory_space<vmem>>, vector<1x16xi32>,
      %swap3A_95 = vector.shape_cast %swap3A_94 : vector<1x16xi32> to vector<16xi32>
      %swap3A_96 = vector.shape_cast %add3A_91 : vector<16xi32> to vector<1x16xi32>
      tpu.vector_store %arg7[%swap3A_92, %swap3A_93], %swap3A_96 {strides = array<i32>} : memref<40x512xi32, #tpu.memory_space<vmem>>, vector<1x16xi32>,
      %get3A_97 = arith.index_cast %scan3A_55 : i32 to index
      %get3A_98 = arith.constant 64 : index
      %get3A_99 = tpu.vector_load %arg7[%get3A_97, %get3A_98] {strides = array<i32>} : memref<40x512xi32, #tpu.memory_space<vmem>>, vector<1x16xi32>,
      %get3A_100 = vector.shape_cast %get3A_99 : vector<1x16xi32> to vector<16xi32>
      %add3A_101 = vector.broadcast %mul3A_26 : i32 to vector<16xi32>
      %add3A_102 = arith.addi %get3A_100, %add3A_101 : vector<16xi32>
      %swap3A_103 = arith.index_cast %scan3A_55 : i32 to index
      %swap3A_104 = arith.constant 64 : index
      %swap3A_105 = tpu.vector_load %arg7[%swap3A_103, %swap3A_104] {strides = array<i32>} : memref<40x512xi32, #tpu.memory_space<vmem>>, vector<1x16xi32>,
      %swap3A_106 = vector.shape_cast %swap3A_105 : vector<1x16xi32> to vector<16xi32>
      %swap3A_107 = vector.shape_cast %add3A_102 : vector<16xi32> to vector<1x16xi32>
      tpu.vector_store %arg7[%swap3A_103, %swap3A_104], %swap3A_107 {strides = array<i32>} : memref<40x512xi32, #tpu.memory_space<vmem>>, vector<1x16xi32>,
      %get3A_108 = arith.index_cast %scan3A_55 : i32 to index
      %get3A_109 = arith.constant 80 : index
      %get3A_110 = tpu.vector_load %arg7[%get3A_108, %get3A_109] {strides = array<i32>} : memref<40x512xi32, #tpu.memory_space<vmem>>, vector<1x16xi32>,
      %get3A_111 = vector.shape_cast %get3A_110 : vector<1x16xi32> to vector<16xi32>
      %add3A_112 = vector.broadcast %mul3A_26 : i32 to vector<16xi32>
      %add3A_113 = arith.addi %get3A_111, %add3A_112 : vector<16xi32>
      %swap3A_114 = arith.index_cast %scan3A_55 : i32 to index
      %swap3A_115 = arith.constant 80 : index
      %swap3A_116 = tpu.vector_load %arg7[%swap3A_114, %swap3A_115] {strides = array<i32>} : memref<40x512xi32, #tpu.memory_space<vmem>>, vector<1x16xi32>,
      %swap3A_117 = vector.shape_cast %swap3A_116 : vector<1x16xi32> to vector<16xi32>
      %swap3A_118 = vector.shape_cast %add3A_113 : vector<16xi32> to vector<1x16xi32>
      tpu.vector_store %arg7[%swap3A_114, %swap3A_115], %swap3A_118 {strides = array<i32>} : memref<40x512xi32, #tpu.memory_space<vmem>>, vector<1x16xi32>,
      %get3A_119 = arith.index_cast %scan3A_55 : i32 to index
      %get3A_120 = arith.constant 96 : index
      %get3A_121 = tpu.vector_load %arg7[%get3A_119, %get3A_120] {strides = array<i32>} : memref<40x512xi32, #tpu.memory_space<vmem>>, vector<1x16xi32>,
      %get3A_122 = vector.shape_cast %get3A_121 : vector<1x16xi32> to vector<16xi32>
      %add3A_123 = vector.broadcast %mul3A_26 : i32 to vector<16xi32>
      %add3A_124 = arith.addi %get3A_122, %add3A_123 : vector<16xi32>
      %swap3A_125 = arith.index_cast %scan3A_55 : i32 to index
      %swap3A_126 = arith.constant 96 : index
      %swap3A_127 = tpu.vector_load %arg7[%swap3A_125, %swap3A_126] {strides = array<i32>} : memref<40x512xi32, #tpu.memory_space<vmem>>, vector<1x16xi32>,
      %swap3A_128 = vector.shape_cast %swap3A_127 : vector<1x16xi32> to vector<16xi32>
      %swap3A_129 = vector.shape_cast %add3A_124 : vector<16xi32> to vector<1x16xi32>
      tpu.vector_store %arg7[%swap3A_125, %swap3A_126], %swap3A_129 {strides = array<i32>} : memref<40x512xi32, #tpu.memory_space<vmem>>, vector<1x16xi32>,
      %get3A_130 = arith.index_cast %scan3A_55 : i32 to index
      %get3A_131 = arith.constant 112 : index
      %get3A_132 = tpu.vector_load %arg7[%get3A_130, %get3A_131] {strides = array<i32>} : memref<40x512xi32, #tpu.memory_space<vmem>>, vector<1x16xi32>,
      %get3A_133 = vector.shape_cast %get3A_132 : vector<1x16xi32> to vector<16xi32>
      %add3A_134 = vector.broadcast %mul3A_26 : i32 to vector<16xi32>
      %add3A_135 = arith.addi %get3A_133, %add3A_134 : vector<16xi32>
      %swap3A_136 = arith.index_cast %scan3A_55 : i32 to index
      %swap3A_137 = arith.constant 112 : index
      %swap3A_138 = tpu.vector_load %arg7[%swap3A_136, %swap3A_137] {strides = array<i32>} : memref<40x512xi32, #tpu.memory_space<vmem>>, vector<1x16xi32>,
      %swap3A_139 = vector.shape_cast %swap3A_138 : vector<1x16xi32> to vector<16xi32>
      %swap3A_140 = vector.shape_cast %add3A_135 : vector<16xi32> to vector<1x16xi32>
      tpu.vector_store %arg7[%swap3A_136, %swap3A_137], %swap3A_140 {strides = array<i32>} : memref<40x512xi32, #tpu.memory_space<vmem>>, vector<1x16xi32>,
      %get3A_141 = arith.index_cast %scan3A_55 : i32 to index
      %get3A_142 = arith.constant 128 : index
      %get3A_143 = tpu.vector_load %arg7[%get3A_141, %get3A_142] {strides = array<i32>} : memref<40x512xi32, #tpu.memory_space<vmem>>, vector<1x16xi32>,
      %get3A_144 = vector.shape_cast %get3A_143 : vector<1x16xi32> to vector<16xi32>
      %add3A_145 = vector.broadcast %mul3A_26 : i32 to vector<16xi32>
      %add3A_146 = arith.addi %get3A_144, %add3A_145 : vector<16xi32>
      %swap3A_147 = arith.index_cast %scan3A_55 : i32 to index
      %swap3A_148 = arith.constant 128 : index
      %swap3A_149 = tpu.vector_load %arg7[%swap3A_147, %swap3A_148] {strides = array<i32>} : memref<40x512xi32, #tpu.memory_space<vmem>>, vector<1x16xi32>,
      %swap3A_150 = vector.shape_cast %swap3A_149 : vector<1x16xi32> to vector<16xi32>
      %swap3A_151 = vector.shape_cast %add3A_146 : vector<16xi32> to vector<1x16xi32>
      tpu.vector_store %arg7[%swap3A_147, %swap3A_148], %swap3A_151 {strides = array<i32>} : memref<40x512xi32, #tpu.memory_space<vmem>>, vector<1x16xi32>,
      %get3A_152 = arith.index_cast %scan3A_55 : i32 to index
      %get3A_153 = arith.constant 144 : index
      %get3A_154 = tpu.vector_load %arg7[%get3A_152, %get3A_153] {strides = array<i32>} : memref<40x512xi32, #tpu.memory_space<vmem>>, vector<1x16xi32>,
      %get3A_155 = vector.shape_cast %get3A_154 : vector<1x16xi32> to vector<16xi32>
      %add3A_156 = vector.broadcast %mul3A_26 : i32 to vector<16xi32>
      %add3A_157 = arith.addi %get3A_155, %add3A_156 : vector<16xi32>
      %swap3A_158 = arith.index_cast %scan3A_55 : i32 to index
      %swap3A_159 = arith.constant 144 : index
      %swap3A_160 = tpu.vector_load %arg7[%swap3A_158, %swap3A_159] {strides = array<i32>} : memref<40x512xi32, #tpu.memory_space<vmem>>, vector<1x16xi32>,
      %swap3A_161 = vector.shape_cast %swap3A_160 : vector<1x16xi32> to vector<16xi32>
      %swap3A_162 = vector.shape_cast %add3A_157 : vector<16xi32> to vector<1x16xi32>
      tpu.vector_store %arg7[%swap3A_158, %swap3A_159], %swap3A_162 {strides = array<i32>} : memref<40x512xi32, #tpu.memory_space<vmem>>, vector<1x16xi32>,
      %get3A_163 = arith.index_cast %scan3A_55 : i32 to index
      %get3A_164 = arith.constant 160 : index
      %get3A_165 = tpu.vector_load %arg7[%get3A_163, %get3A_164] {strides = array<i32>} : memref<40x512xi32, #tpu.memory_space<vmem>>, vector<1x16xi32>,
      %get3A_166 = vector.shape_cast %get3A_165 : vector<1x16xi32> to vector<16xi32>
      %add3A_167 = vector.broadcast %mul3A_26 : i32 to vector<16xi32>
      %add3A_168 = arith.addi %get3A_166, %add3A_167 : vector<16xi32>
      %swap3A_169 = arith.index_cast %scan3A_55 : i32 to index
      %swap3A_170 = arith.constant 160 : index
      %swap3A_171 = tpu.vector_load %arg7[%swap3A_169, %swap3A_170] {strides = array<i32>} : memref<40x512xi32, #tpu.memory_space<vmem>>, vector<1x16xi32>,
      %swap3A_172 = vector.shape_cast %swap3A_171 : vector<1x16xi32> to vector<16xi32>
      %swap3A_173 = vector.shape_cast %add3A_168 : vector<16xi32> to vector<1x16xi32>
      tpu.vector_store %arg7[%swap3A_169, %swap3A_170], %swap3A_173 {strides = array<i32>} : memref<40x512xi32, #tpu.memory_space<vmem>>, vector<1x16xi32>,
      %get3A_174 = arith.index_cast %scan3A_55 : i32 to index
      %get3A_175 = arith.constant 176 : index
      %get3A_176 = tpu.vector_load %arg7[%get3A_174, %get3A_175] {strides = array<i32>} : memref<40x512xi32, #tpu.memory_space<vmem>>, vector<1x16xi32>,
      %get3A_177 = vector.shape_cast %get3A_176 : vector<1x16xi32> to vector<16xi32>
      %add3A_178 = vector.broadcast %mul3A_26 : i32 to vector<16xi32>
      %add3A_179 = arith.addi %get3A_177, %add3A_178 : vector<16xi32>
      %swap3A_180 = arith.index_cast %scan3A_55 : i32 to index
      %swap3A_181 = arith.constant 176 : index
      %swap3A_182 = tpu.vector_load %arg7[%swap3A_180, %swap3A_181] {strides = array<i32>} : memref<40x512xi32, #tpu.memory_space<vmem>>, vector<1x16xi32>,
      %swap3A_183 = vector.shape_cast %swap3A_182 : vector<1x16xi32> to vector<16xi32>
      %swap3A_184 = vector.shape_cast %add3A_179 : vector<16xi32> to vector<1x16xi32>
      tpu.vector_store %arg7[%swap3A_180, %swap3A_181], %swap3A_184 {strides = array<i32>} : memref<40x512xi32, #tpu.memory_space<vmem>>, vector<1x16xi32>,
      %get3A_185 = arith.index_cast %scan3A_55 : i32 to index
      %get3A_186 = arith.constant 192 : index
      %get3A_187 = tpu.vector_load %arg7[%get3A_185, %get3A_186] {strides = array<i32>} : memref<40x512xi32, #tpu.memory_space<vmem>>, vector<1x16xi32>,
      %get3A_188 = vector.shape_cast %get3A_187 : vector<1x16xi32> to vector<16xi32>
      %add3A_189 = vector.broadcast %mul3A_26 : i32 to vector<16xi32>
      %add3A_190 = arith.addi %get3A_188, %add3A_189 : vector<16xi32>
      %swap3A_191 = arith.index_cast %scan3A_55 : i32 to index
      %swap3A_192 = arith.constant 192 : index
      %swap3A_193 = tpu.vector_load %arg7[%swap3A_191, %swap3A_192] {strides = array<i32>} : memref<40x512xi32, #tpu.memory_space<vmem>>, vector<1x16xi32>,
      %swap3A_194 = vector.shape_cast %swap3A_193 : vector<1x16xi32> to vector<16xi32>
      %swap3A_195 = vector.shape_cast %add3A_190 : vector<16xi32> to vector<1x16xi32>
      tpu.vector_store %arg7[%swap3A_191, %swap3A_192], %swap3A_195 {strides = array<i32>} : memref<40x512xi32, #tpu.memory_space<vmem>>, vector<1x16xi32>,
      %get3A_196 = arith.index_cast %scan3A_55 : i32 to index
      %get3A_197 = arith.constant 208 : index
      %get3A_198 = tpu.vector_load %arg7[%get3A_196, %get3A_197] {strides = array<i32>} : memref<40x512xi32, #tpu.memory_space<vmem>>, vector<1x16xi32>,
      %get3A_199 = vector.shape_cast %get3A_198 : vector<1x16xi32> to vector<16xi32>
      %add3A_200 = vector.broadcast %mul3A_26 : i32 to vector<16xi32>
      %add3A_201 = arith.addi %get3A_199, %add3A_200 : vector<16xi32>
      %swap3A_202 = arith.index_cast %scan3A_55 : i32 to index
      %swap3A_203 = arith.constant 208 : index
      %swap3A_204 = tpu.vector_load %arg7[%swap3A_202, %swap3A_203] {strides = array<i32>} : memref<40x512xi32, #tpu.memory_space<vmem>>, vector<1x16xi32>,
      %swap3A_205 = vector.shape_cast %swap3A_204 : vector<1x16xi32> to vector<16xi32>
      %swap3A_206 = vector.shape_cast %add3A_201 : vector<16xi32> to vector<1x16xi32>
      tpu.vector_store %arg7[%swap3A_202, %swap3A_203], %swap3A_206 {strides = array<i32>} : memref<40x512xi32, #tpu.memory_space<vmem>>, vector<1x16xi32>,
      %get3A_207 = arith.index_cast %scan3A_55 : i32 to index
      %get3A_208 = arith.constant 224 : index
      %get3A_209 = tpu.vector_load %arg7[%get3A_207, %get3A_208] {strides = array<i32>} : memref<40x512xi32, #tpu.memory_space<vmem>>, vector<1x16xi32>,
      %get3A_210 = vector.shape_cast %get3A_209 : vector<1x16xi32> to vector<16xi32>
      %add3A_211 = vector.broadcast %mul3A_26 : i32 to vector<16xi32>
      %add3A_212 = arith.addi %get3A_210, %add3A_211 : vector<16xi32>
      %swap3A_213 = arith.index_cast %scan3A_55 : i32 to index
      %swap3A_214 = arith.constant 224 : index
      %swap3A_215 = tpu.vector_load %arg7[%swap3A_213, %swap3A_214] {strides = array<i32>} : memref<40x512xi32, #tpu.memory_space<vmem>>, vector<1x16xi32>,
      %swap3A_216 = vector.shape_cast %swap3A_215 : vector<1x16xi32> to vector<16xi32>
      %swap3A_217 = vector.shape_cast %add3A_212 : vector<16xi32> to vector<1x16xi32>
      tpu.vector_store %arg7[%swap3A_213, %swap3A_214], %swap3A_217 {strides = array<i32>} : memref<40x512xi32, #tpu.memory_space<vmem>>, vector<1x16xi32>,
      %get3A_218 = arith.index_cast %scan3A_55 : i32 to index
      %get3A_219 = arith.constant 240 : index
      %get3A_220 = tpu.vector_load %arg7[%get3A_218, %get3A_219] {strides = array<i32>} : memref<40x512xi32, #tpu.memory_space<vmem>>, vector<1x16xi32>,
      %get3A_221 = vector.shape_cast %get3A_220 : vector<1x16xi32> to vector<16xi32>
      %add3A_222 = vector.broadcast %mul3A_26 : i32 to vector<16xi32>
      %add3A_223 = arith.addi %get3A_221, %add3A_222 : vector<16xi32>
      %swap3A_224 = arith.index_cast %scan3A_55 : i32 to index
      %swap3A_225 = arith.constant 240 : index
      %swap3A_226 = tpu.vector_load %arg7[%swap3A_224, %swap3A_225] {strides = array<i32>} : memref<40x512xi32, #tpu.memory_space<vmem>>, vector<1x16xi32>,
      %swap3A_227 = vector.shape_cast %swap3A_226 : vector<1x16xi32> to vector<16xi32>
      %swap3A_228 = vector.shape_cast %add3A_223 : vector<16xi32> to vector<1x16xi32>
      tpu.vector_store %arg7[%swap3A_224, %swap3A_225], %swap3A_228 {strides = array<i32>} : memref<40x512xi32, #tpu.memory_space<vmem>>, vector<1x16xi32>,
      %get3A_229 = arith.index_cast %scan3A_55 : i32 to index
      %get3A_230 = arith.constant 256 : index
      %get3A_231 = tpu.vector_load %arg7[%get3A_229, %get3A_230] {strides = array<i32>} : memref<40x512xi32, #tpu.memory_space<vmem>>, vector<1x16xi32>,
      %get3A_232 = vector.shape_cast %get3A_231 : vector<1x16xi32> to vector<16xi32>
      %add3A_233 = vector.broadcast %mul3A_26 : i32 to vector<16xi32>
      %add3A_234 = arith.addi %get3A_232, %add3A_233 : vector<16xi32>
      %swap3A_235 = arith.index_cast %scan3A_55 : i32 to index
      %swap3A_236 = arith.constant 256 : index
      %swap3A_237 = tpu.vector_load %arg7[%swap3A_235, %swap3A_236] {strides = array<i32>} : memref<40x512xi32, #tpu.memory_space<vmem>>, vector<1x16xi32>,
      %swap3A_238 = vector.shape_cast %swap3A_237 : vector<1x16xi32> to vector<16xi32>
      %swap3A_239 = vector.shape_cast %add3A_234 : vector<16xi32> to vector<1x16xi32>
      tpu.vector_store %arg7[%swap3A_235, %swap3A_236], %swap3A_239 {strides = array<i32>} : memref<40x512xi32, #tpu.memory_space<vmem>>, vector<1x16xi32>,
      %get3A_240 = arith.index_cast %scan3A_55 : i32 to index
      %get3A_241 = arith.constant 272 : index
      %get3A_242 = tpu.vector_load %arg7[%get3A_240, %get3A_241] {strides = array<i32>} : memref<40x512xi32, #tpu.memory_space<vmem>>, vector<1x16xi32>,
      %get3A_243 = vector.shape_cast %get3A_242 : vector<1x16xi32> to vector<16xi32>
      %add3A_244 = vector.broadcast %mul3A_26 : i32 to vector<16xi32>
      %add3A_245 = arith.addi %get3A_243, %add3A_244 : vector<16xi32>
      %swap3A_246 = arith.index_cast %scan3A_55 : i32 to index
      %swap3A_247 = arith.constant 272 : index
      %swap3A_248 = tpu.vector_load %arg7[%swap3A_246, %swap3A_247] {strides = array<i32>} : memref<40x512xi32, #tpu.memory_space<vmem>>, vector<1x16xi32>,
      %swap3A_249 = vector.shape_cast %swap3A_248 : vector<1x16xi32> to vector<16xi32>
      %swap3A_250 = vector.shape_cast %add3A_245 : vector<16xi32> to vector<1x16xi32>
      tpu.vector_store %arg7[%swap3A_246, %swap3A_247], %swap3A_250 {strides = array<i32>} : memref<40x512xi32, #tpu.memory_space<vmem>>, vector<1x16xi32>,
      %get3A_251 = arith.index_cast %scan3A_55 : i32 to index
      %get3A_252 = arith.constant 288 : index
      %get3A_253 = tpu.vector_load %arg7[%get3A_251, %get3A_252] {strides = array<i32>} : memref<40x512xi32, #tpu.memory_space<vmem>>, vector<1x16xi32>,
      %get3A_254 = vector.shape_cast %get3A_253 : vector<1x16xi32> to vector<16xi32>
      %add3A_255 = vector.broadcast %mul3A_26 : i32 to vector<16xi32>
      %add3A_256 = arith.addi %get3A_254, %add3A_255 : vector<16xi32>
      %swap3A_257 = arith.index_cast %scan3A_55 : i32 to index
      %swap3A_258 = arith.constant 288 : index
      %swap3A_259 = tpu.vector_load %arg7[%swap3A_257, %swap3A_258] {strides = array<i32>} : memref<40x512xi32, #tpu.memory_space<vmem>>, vector<1x16xi32>,
      %swap3A_260 = vector.shape_cast %swap3A_259 : vector<1x16xi32> to vector<16xi32>
      %swap3A_261 = vector.shape_cast %add3A_256 : vector<16xi32> to vector<1x16xi32>
      tpu.vector_store %arg7[%swap3A_257, %swap3A_258], %swap3A_261 {strides = array<i32>} : memref<40x512xi32, #tpu.memory_space<vmem>>, vector<1x16xi32>,
      %get3A_262 = arith.index_cast %scan3A_55 : i32 to index
      %get3A_263 = arith.constant 304 : index
      %get3A_264 = tpu.vector_load %arg7[%get3A_262, %get3A_263] {strides = array<i32>} : memref<40x512xi32, #tpu.memory_space<vmem>>, vector<1x16xi32>,
      %get3A_265 = vector.shape_cast %get3A_264 : vector<1x16xi32> to vector<16xi32>
      %add3A_266 = vector.broadcast %mul3A_26 : i32 to vector<16xi32>
      %add3A_267 = arith.addi %get3A_265, %add3A_266 : vector<16xi32>
      %swap3A_268 = arith.index_cast %scan3A_55 : i32 to index
      %swap3A_269 = arith.constant 304 : index
      %swap3A_270 = tpu.vector_load %arg7[%swap3A_268, %swap3A_269] {strides = array<i32>} : memref<40x512xi32, #tpu.memory_space<vmem>>, vector<1x16xi32>,
      %swap3A_271 = vector.shape_cast %swap3A_270 : vector<1x16xi32> to vector<16xi32>
      %swap3A_272 = vector.shape_cast %add3A_267 : vector<16xi32> to vector<1x16xi32>
      tpu.vector_store %arg7[%swap3A_268, %swap3A_269], %swap3A_272 {strides = array<i32>} : memref<40x512xi32, #tpu.memory_space<vmem>>, vector<1x16xi32>,
      %get3A_273 = arith.index_cast %scan3A_55 : i32 to index
      %get3A_274 = arith.constant 320 : index
      %get3A_275 = tpu.vector_load %arg7[%get3A_273, %get3A_274] {strides = array<i32>} : memref<40x512xi32, #tpu.memory_space<vmem>>, vector<1x16xi32>,
      %get3A_276 = vector.shape_cast %get3A_275 : vector<1x16xi32> to vector<16xi32>
      %add3A_277 = vector.broadcast %mul3A_26 : i32 to vector<16xi32>
      %add3A_278 = arith.addi %get3A_276, %add3A_277 : vector<16xi32>
      %swap3A_279 = arith.index_cast %scan3A_55 : i32 to index
      %swap3A_280 = arith.constant 320 : index
      %swap3A_281 = tpu.vector_load %arg7[%swap3A_279, %swap3A_280] {strides = array<i32>} : memref<40x512xi32, #tpu.memory_space<vmem>>, vector<1x16xi32>,
      %swap3A_282 = vector.shape_cast %swap3A_281 : vector<1x16xi32> to vector<16xi32>
      %swap3A_283 = vector.shape_cast %add3A_278 : vector<16xi32> to vector<1x16xi32>
      tpu.vector_store %arg7[%swap3A_279, %swap3A_280], %swap3A_283 {strides = array<i32>} : memref<40x512xi32, #tpu.memory_space<vmem>>, vector<1x16xi32>,
      %get3A_284 = arith.index_cast %scan3A_55 : i32 to index
      %get3A_285 = arith.constant 336 : index
      %get3A_286 = tpu.vector_load %arg7[%get3A_284, %get3A_285] {strides = array<i32>} : memref<40x512xi32, #tpu.memory_space<vmem>>, vector<1x16xi32>,
      %get3A_287 = vector.shape_cast %get3A_286 : vector<1x16xi32> to vector<16xi32>
      %add3A_288 = vector.broadcast %mul3A_26 : i32 to vector<16xi32>
      %add3A_289 = arith.addi %get3A_287, %add3A_288 : vector<16xi32>
      %swap3A_290 = arith.index_cast %scan3A_55 : i32 to index
      %swap3A_291 = arith.constant 336 : index
      %swap3A_292 = tpu.vector_load %arg7[%swap3A_290, %swap3A_291] {strides = array<i32>} : memref<40x512xi32, #tpu.memory_space<vmem>>, vector<1x16xi32>,
      %swap3A_293 = vector.shape_cast %swap3A_292 : vector<1x16xi32> to vector<16xi32>
      %swap3A_294 = vector.shape_cast %add3A_289 : vector<16xi32> to vector<1x16xi32>
      tpu.vector_store %arg7[%swap3A_290, %swap3A_291], %swap3A_294 {strides = array<i32>} : memref<40x512xi32, #tpu.memory_space<vmem>>, vector<1x16xi32>,
      %get3A_295 = arith.index_cast %scan3A_55 : i32 to index
      %get3A_296 = arith.constant 352 : index
      %get3A_297 = tpu.vector_load %arg7[%get3A_295, %get3A_296] {strides = array<i32>} : memref<40x512xi32, #tpu.memory_space<vmem>>, vector<1x16xi32>,
      %get3A_298 = vector.shape_cast %get3A_297 : vector<1x16xi32> to vector<16xi32>
      %add3A_299 = vector.broadcast %mul3A_26 : i32 to vector<16xi32>
      %add3A_300 = arith.addi %get3A_298, %add3A_299 : vector<16xi32>
      %swap3A_301 = arith.index_cast %scan3A_55 : i32 to index
      %swap3A_302 = arith.constant 352 : index
      %swap3A_303 = tpu.vector_load %arg7[%swap3A_301, %swap3A_302] {strides = array<i32>} : memref<40x512xi32, #tpu.memory_space<vmem>>, vector<1x16xi32>,
      %swap3A_304 = vector.shape_cast %swap3A_303 : vector<1x16xi32> to vector<16xi32>
      %swap3A_305 = vector.shape_cast %add3A_300 : vector<16xi32> to vector<1x16xi32>
      tpu.vector_store %arg7[%swap3A_301, %swap3A_302], %swap3A_305 {strides = array<i32>} : memref<40x512xi32, #tpu.memory_space<vmem>>, vector<1x16xi32>,
      %get3A_306 = arith.index_cast %scan3A_55 : i32 to index
      %get3A_307 = arith.constant 368 : index
      %get3A_308 = tpu.vector_load %arg7[%get3A_306, %get3A_307] {strides = array<i32>} : memref<40x512xi32, #tpu.memory_space<vmem>>, vector<1x16xi32>,
      %get3A_309 = vector.shape_cast %get3A_308 : vector<1x16xi32> to vector<16xi32>
      %add3A_310 = vector.broadcast %mul3A_26 : i32 to vector<16xi32>
      %add3A_311 = arith.addi %get3A_309, %add3A_310 : vector<16xi32>
      %swap3A_312 = arith.index_cast %scan3A_55 : i32 to index
      %swap3A_313 = arith.constant 368 : index
      %swap3A_314 = tpu.vector_load %arg7[%swap3A_312, %swap3A_313] {strides = array<i32>} : memref<40x512xi32, #tpu.memory_space<vmem>>, vector<1x16xi32>,
      %swap3A_315 = vector.shape_cast %swap3A_314 : vector<1x16xi32> to vector<16xi32>
      %swap3A_316 = vector.shape_cast %add3A_311 : vector<16xi32> to vector<1x16xi32>
      tpu.vector_store %arg7[%swap3A_312, %swap3A_313], %swap3A_316 {strides = array<i32>} : memref<40x512xi32, #tpu.memory_space<vmem>>, vector<1x16xi32>,
      %get3A_317 = arith.index_cast %scan3A_55 : i32 to index
      %get3A_318 = arith.constant 384 : index
      %get3A_319 = tpu.vector_load %arg7[%get3A_317, %get3A_318] {strides = array<i32>} : memref<40x512xi32, #tpu.memory_space<vmem>>, vector<1x16xi32>,
      %get3A_320 = vector.shape_cast %get3A_319 : vector<1x16xi32> to vector<16xi32>
      %add3A_321 = vector.broadcast %mul3A_26 : i32 to vector<16xi32>
      %add3A_322 = arith.addi %get3A_320, %add3A_321 : vector<16xi32>
      %swap3A_323 = arith.index_cast %scan3A_55 : i32 to index
      %swap3A_324 = arith.constant 384 : index
      %swap3A_325 = tpu.vector_load %arg7[%swap3A_323, %swap3A_324] {strides = array<i32>} : memref<40x512xi32, #tpu.memory_space<vmem>>, vector<1x16xi32>,
      %swap3A_326 = vector.shape_cast %swap3A_325 : vector<1x16xi32> to vector<16xi32>
      %swap3A_327 = vector.shape_cast %add3A_322 : vector<16xi32> to vector<1x16xi32>
      tpu.vector_store %arg7[%swap3A_323, %swap3A_324], %swap3A_327 {strides = array<i32>} : memref<40x512xi32, #tpu.memory_space<vmem>>, vector<1x16xi32>,
      %get3A_328 = arith.index_cast %scan3A_55 : i32 to index
      %get3A_329 = arith.constant 400 : index
      %get3A_330 = tpu.vector_load %arg7[%get3A_328, %get3A_329] {strides = array<i32>} : memref<40x512xi32, #tpu.memory_space<vmem>>, vector<1x16xi32>,
      %get3A_331 = vector.shape_cast %get3A_330 : vector<1x16xi32> to vector<16xi32>
      %add3A_332 = vector.broadcast %mul3A_26 : i32 to vector<16xi32>
      %add3A_333 = arith.addi %get3A_331, %add3A_332 : vector<16xi32>
      %swap3A_334 = arith.index_cast %scan3A_55 : i32 to index
      %swap3A_335 = arith.constant 400 : index
      %swap3A_336 = tpu.vector_load %arg7[%swap3A_334, %swap3A_335] {strides = array<i32>} : memref<40x512xi32, #tpu.memory_space<vmem>>, vector<1x16xi32>,
      %swap3A_337 = vector.shape_cast %swap3A_336 : vector<1x16xi32> to vector<16xi32>
      %swap3A_338 = vector.shape_cast %add3A_333 : vector<16xi32> to vector<1x16xi32>
      tpu.vector_store %arg7[%swap3A_334, %swap3A_335], %swap3A_338 {strides = array<i32>} : memref<40x512xi32, #tpu.memory_space<vmem>>, vector<1x16xi32>,
      %get3A_339 = arith.index_cast %scan3A_55 : i32 to index
      %get3A_340 = arith.constant 416 : index
      %get3A_341 = tpu.vector_load %arg7[%get3A_339, %get3A_340] {strides = array<i32>} : memref<40x512xi32, #tpu.memory_space<vmem>>, vector<1x16xi32>,
      %get3A_342 = vector.shape_cast %get3A_341 : vector<1x16xi32> to vector<16xi32>
      %add3A_343 = vector.broadcast %mul3A_26 : i32 to vector<16xi32>
      %add3A_344 = arith.addi %get3A_342, %add3A_343 : vector<16xi32>
      %swap3A_345 = arith.index_cast %scan3A_55 : i32 to index
      %swap3A_346 = arith.constant 416 : index
      %swap3A_347 = tpu.vector_load %arg7[%swap3A_345, %swap3A_346] {strides = array<i32>} : memref<40x512xi32, #tpu.memory_space<vmem>>, vector<1x16xi32>,
      %swap3A_348 = vector.shape_cast %swap3A_347 : vector<1x16xi32> to vector<16xi32>
      %swap3A_349 = vector.shape_cast %add3A_344 : vector<16xi32> to vector<1x16xi32>
      tpu.vector_store %arg7[%swap3A_345, %swap3A_346], %swap3A_349 {strides = array<i32>} : memref<40x512xi32, #tpu.memory_space<vmem>>, vector<1x16xi32>,
      %get3A_350 = arith.index_cast %scan3A_55 : i32 to index
      %get3A_351 = arith.constant 432 : index
      %get3A_352 = tpu.vector_load %arg7[%get3A_350, %get3A_351] {strides = array<i32>} : memref<40x512xi32, #tpu.memory_space<vmem>>, vector<1x16xi32>,
      %get3A_353 = vector.shape_cast %get3A_352 : vector<1x16xi32> to vector<16xi32>
      %add3A_354 = vector.broadcast %mul3A_26 : i32 to vector<16xi32>
      %add3A_355 = arith.addi %get3A_353, %add3A_354 : vector<16xi32>
      %swap3A_356 = arith.index_cast %scan3A_55 : i32 to index
      %swap3A_357 = arith.constant 432 : index
      %swap3A_358 = tpu.vector_load %arg7[%swap3A_356, %swap3A_357] {strides = array<i32>} : memref<40x512xi32, #tpu.memory_space<vmem>>, vector<1x16xi32>,
      %swap3A_359 = vector.shape_cast %swap3A_358 : vector<1x16xi32> to vector<16xi32>
      %swap3A_360 = vector.shape_cast %add3A_355 : vector<16xi32> to vector<1x16xi32>
      tpu.vector_store %arg7[%swap3A_356, %swap3A_357], %swap3A_360 {strides = array<i32>} : memref<40x512xi32, #tpu.memory_space<vmem>>, vector<1x16xi32>,
      %get3A_361 = arith.index_cast %scan3A_55 : i32 to index
      %get3A_362 = arith.constant 448 : index
      %get3A_363 = tpu.vector_load %arg7[%get3A_361, %get3A_362] {strides = array<i32>} : memref<40x512xi32, #tpu.memory_space<vmem>>, vector<1x16xi32>,
      %get3A_364 = vector.shape_cast %get3A_363 : vector<1x16xi32> to vector<16xi32>
      %add3A_365 = vector.broadcast %mul3A_26 : i32 to vector<16xi32>
      %add3A_366 = arith.addi %get3A_364, %add3A_365 : vector<16xi32>
      %swap3A_367 = arith.index_cast %scan3A_55 : i32 to index
      %swap3A_368 = arith.constant 448 : index
      %swap3A_369 = tpu.vector_load %arg7[%swap3A_367, %swap3A_368] {strides = array<i32>} : memref<40x512xi32, #tpu.memory_space<vmem>>, vector<1x16xi32>,
      %swap3A_370 = vector.shape_cast %swap3A_369 : vector<1x16xi32> to vector<16xi32>
      %swap3A_371 = vector.shape_cast %add3A_366 : vector<16xi32> to vector<1x16xi32>
      tpu.vector_store %arg7[%swap3A_367, %swap3A_368], %swap3A_371 {strides = array<i32>} : memref<40x512xi32, #tpu.memory_space<vmem>>, vector<1x16xi32>,
      %get3A_372 = arith.index_cast %scan3A_55 : i32 to index
      %get3A_373 = arith.constant 464 : index
      %get3A_374 = tpu.vector_load %arg7[%get3A_372, %get3A_373] {strides = array<i32>} : memref<40x512xi32, #tpu.memory_space<vmem>>, vector<1x16xi32>,
      %get3A_375 = vector.shape_cast %get3A_374 : vector<1x16xi32> to vector<16xi32>
      %add3A_376 = vector.broadcast %mul3A_26 : i32 to vector<16xi32>
      %add3A_377 = arith.addi %get3A_375, %add3A_376 : vector<16xi32>
      %swap3A_378 = arith.index_cast %scan3A_55 : i32 to index
      %swap3A_379 = arith.constant 464 : index
      %swap3A_380 = tpu.vector_load %arg7[%swap3A_378, %swap3A_379] {strides = array<i32>} : memref<40x512xi32, #tpu.memory_space<vmem>>, vector<1x16xi32>,
      %swap3A_381 = vector.shape_cast %swap3A_380 : vector<1x16xi32> to vector<16xi32>
      %swap3A_382 = vector.shape_cast %add3A_377 : vector<16xi32> to vector<1x16xi32>
      tpu.vector_store %arg7[%swap3A_378, %swap3A_379], %swap3A_382 {strides = array<i32>} : memref<40x512xi32, #tpu.memory_space<vmem>>, vector<1x16xi32>,
      %get3A_383 = arith.index_cast %scan3A_55 : i32 to index
      %get3A_384 = arith.constant 480 : index
      %get3A_385 = tpu.vector_load %arg7[%get3A_383, %get3A_384] {strides = array<i32>} : memref<40x512xi32, #tpu.memory_space<vmem>>, vector<1x16xi32>,
      %get3A_386 = vector.shape_cast %get3A_385 : vector<1x16xi32> to vector<16xi32>
      %add3A_387 = vector.broadcast %mul3A_26 : i32 to vector<16xi32>
      %add3A_388 = arith.addi %get3A_386, %add3A_387 : vector<16xi32>
      %swap3A_389 = arith.index_cast %scan3A_55 : i32 to index
      %swap3A_390 = arith.constant 480 : index
      %swap3A_391 = tpu.vector_load %arg7[%swap3A_389, %swap3A_390] {strides = array<i32>} : memref<40x512xi32, #tpu.memory_space<vmem>>, vector<1x16xi32>,
      %swap3A_392 = vector.shape_cast %swap3A_391 : vector<1x16xi32> to vector<16xi32>
      %swap3A_393 = vector.shape_cast %add3A_388 : vector<16xi32> to vector<1x16xi32>
      tpu.vector_store %arg7[%swap3A_389, %swap3A_390], %swap3A_393 {strides = array<i32>} : memref<40x512xi32, #tpu.memory_space<vmem>>, vector<1x16xi32>,
      %get3A_394 = arith.index_cast %scan3A_55 : i32 to index
      %get3A_395 = arith.constant 496 : index
      %get3A_396 = tpu.vector_load %arg7[%get3A_394, %get3A_395] {strides = array<i32>} : memref<40x512xi32, #tpu.memory_space<vmem>>, vector<1x16xi32>,
      %get3A_397 = vector.shape_cast %get3A_396 : vector<1x16xi32> to vector<16xi32>
      %add3A_398 = vector.broadcast %mul3A_26 : i32 to vector<16xi32>
      %add3A_399 = arith.addi %get3A_397, %add3A_398 : vector<16xi32>
      %swap3A_400 = arith.index_cast %scan3A_55 : i32 to index
      %swap3A_401 = arith.constant 496 : index
      %swap3A_402 = tpu.vector_load %arg7[%swap3A_400, %swap3A_401] {strides = array<i32>} : memref<40x512xi32, #tpu.memory_space<vmem>>, vector<1x16xi32>,
      %swap3A_403 = vector.shape_cast %swap3A_402 : vector<1x16xi32> to vector<16xi32>
      %swap3A_404 = vector.shape_cast %add3A_399 : vector<16xi32> to vector<1x16xi32>
      tpu.vector_store %arg7[%swap3A_400, %swap3A_401], %swap3A_404 {strides = array<i32>} : memref<40x512xi32, #tpu.memory_space<vmem>>, vector<1x16xi32>,
    }
    %scan3A_32 = arith.constant 40 : i32
    %barrier3A = arith.constant 0 : index
    tpu.barrier barrier_id(%barrier3A)
    %dma_start3A = arith.constant 0 : i32
    %dma_start3A_33 = arith.constant 0 : i32
    %dma_start3A_34 = arith.constant 0 : i32
    %dma_start3A_35 = tpu.memref_slice %arg9[%dma_start3A_33, %dma_start3A_34] : memref<1024x64xbf16, #tpu.memory_space<vmem>> -> memref<512x64xbf16, #tpu.memory_space<vmem>>
    %dma_start3A_36 = arith.constant 0 : i32
    %dma_start3A_37 = tpu.memref_slice %arg7[%dma_start3A, %dma_start3A_36] : memref<40x512xi32, #tpu.memory_space<vmem>> -> memref<1x512xi32, #tpu.memory_space<vmem>>
    %dma_start3A_38 = tpu.memref_squeeze %dma_start3A_37 : memref<1x512xi32, #tpu.memory_space<vmem>> -> memref<512xi32, #tpu.memory_space<vmem>>
    %dma_start3A_39 = arith.constant 0 : i32
    %dma_start3A_40 = arith.constant 0 : i32
    %dma_start3A_41 = tpu.memref_slice %arg2[%dma_start3A_39, %dma_start3A_40] : memref<20000x64xbf16, #tpu.memory_space<hbm>> -> memref<20000x64xbf16, #tpu.memory_space<hbm>>
    tpu.enqueue_indirect_dma source(%dma_start3A_41 : memref<20000x64xbf16, #tpu.memory_space<hbm>>) target(%dma_start3A_35 : memref<512x64xbf16, #tpu.memory_space<vmem>>) offsets(%dma_start3A_38 : memref<512xi32, #tpu.memory_space<vmem>>) semaphore(%arg14 : memref<!tpu.dma_semaphore, #tpu.memory_space<semaphore_mem>>)
    %scan3A_42 = arith.constant 0 : i32
    %scan3A_43 = arith.constant 0 : i32
    %scan3A_44 = arith.constant 40 : i32
    %scan3A_45 = arith.addi %scan3A_43, %scan3A_44 : i32
    %scan3A_46 = arith.constant 1 : i32
    scf.for %scan3A_55 = %scan3A_43 to %scan3A_45 step %scan3A_46  : i32 {
      %rem3A = arith.constant 2 : i32
      %rem3A_56 = arith.remsi %scan3A_55, %rem3A : i32
      %mul3A_57 = arith.constant 512 : i32
      %mul3A_58 = arith.muli %rem3A_56, %mul3A_57 : i32
      %add3A = arith.constant 1 : i32
      %add3A_59 = arith.addi %scan3A_55, %add3A : i32
      %rem3A_60 = arith.constant 2 : i32
      %rem3A_61 = arith.remsi %add3A_59, %rem3A_60 : i32
      %mul3A_62 = arith.constant 512 : i32
      %mul3A_63 = arith.muli %rem3A_61, %mul3A_62 : i32
      %dma_wait3A = arith.constant 0 : i32
      %dma_wait3A_64 = tpu.memref_slice %arg9[%mul3A_58, %dma_wait3A] : memref<1024x64xbf16, #tpu.memory_space<vmem>> -> memref<512x64xbf16, #tpu.memory_space<vmem>>
      %dma_wait3A_65 = arith.constant 0 : i32
      %dma_wait3A_66 = arith.constant 0 : i32
      %dma_wait3A_67 = tpu.memref_slice %arg2[%dma_wait3A_65, %dma_wait3A_66] : memref<20000x64xbf16, #tpu.memory_space<hbm>> -> memref<512x64xbf16, #tpu.memory_space<hbm>>
      %dma_wait3A_68 = arith.constant 0 : i32
      %dma_wait3A_69 = tpu.memref_slice %arg9[%mul3A_58, %dma_wait3A_68] : memref<1024x64xbf16, #tpu.memory_space<vmem>> -> memref<512x64xbf16, #tpu.memory_space<vmem>>
      %dma_wait3A_70 = arith.constant 0 : i32
      %dma_wait3A_71 = arith.constant 0 : i32
      %dma_wait3A_72 = tpu.memref_slice %arg2[%dma_wait3A_70, %dma_wait3A_71] : memref<20000x64xbf16, #tpu.memory_space<hbm>> -> memref<512x64xbf16, #tpu.memory_space<hbm>>
      tpu.wait_dma2 semaphore(%arg14 : memref<!tpu.dma_semaphore, #tpu.memory_space<semaphore_mem>>) src(%dma_wait3A_72 : memref<512x64xbf16, #tpu.memory_space<hbm>>) dst(%dma_wait3A_69 : memref<512x64xbf16, #tpu.memory_space<vmem>>)
      %add3A_73 = arith.constant 1 : i32
      %add3A_74 = arith.addi %scan3A_55, %add3A_73 : i32
      %lt3A = arith.constant 40 : i32
      %lt3A_75 = arith.cmpi slt, %add3A_74, %lt3A : i32
      %convert_element_type3A = arith.extui %lt3A_75 : i1 to i32
      %cond3A = arith.constant 0 : i32
      %cond3A_76 = arith.cmpi ne, %convert_element_type3A, %cond3A : i32
      scf.if %cond3A_76 {
        %add3A_87 = arith.constant 1 : i32
        %add3A_88 = arith.addi %scan3A_55, %add3A_87 : i32
        %dma_start3A_89 = arith.constant 0 : i32
        %dma_start3A_90 = tpu.memref_slice %arg9[%mul3A_63, %dma_start3A_89] : memref<1024x64xbf16, #tpu.memory_space<vmem>> -> memref<512x64xbf16, #tpu.memory_space<vmem>>
        %dma_start3A_91 = arith.constant 0 : i32
        %dma_start3A_92 = tpu.memref_slice %arg7[%add3A_88, %dma_start3A_91] : memref<40x512xi32, #tpu.memory_space<vmem>> -> memref<1x512xi32, #tpu.memory_space<vmem>>
        %dma_start3A_93 = tpu.memref_squeeze %dma_start3A_92 : memref<1x512xi32, #tpu.memory_space<vmem>> -> memref<512xi32, #tpu.memory_space<vmem>>
        %dma_start3A_94 = arith.constant 0 : i32
        %dma_start3A_95 = arith.constant 0 : i32
        %dma_start3A_96 = tpu.memref_slice %arg2[%dma_start3A_94, %dma_start3A_95] : memref<20000x64xbf16, #tpu.memory_space<hbm>> -> memref<20000x64xbf16, #tpu.memory_space<hbm>>
        tpu.enqueue_indirect_dma source(%dma_start3A_96 : memref<20000x64xbf16, #tpu.memory_space<hbm>>) target(%dma_start3A_90 : memref<512x64xbf16, #tpu.memory_space<vmem>>) offsets(%dma_start3A_93 : memref<512xi32, #tpu.memory_space<vmem>>) semaphore(%arg14 : memref<!tpu.dma_semaphore, #tpu.memory_space<semaphore_mem>>)
      } else {
      }
      "tpu.region"() ({
        %run_scoped3A = tpu.sem_alloc : memref<!tpu.dma_semaphore, #tpu.memory_space<semaphore_mem>>
        %dma_start3A_87 = arith.constant 0 : i32
        %dma_start3A_88 = tpu.memref_slice %arg9[%mul3A_58, %dma_start3A_87] : memref<1024x64xbf16, #tpu.memory_space<vmem>> -> memref<512x64xbf16, #tpu.memory_space<vmem>>
        %dma_start3A_89 = arith.constant 0 : i32
        %dma_start3A_90 = tpu.memref_slice %arg8[%scan3A_55, %dma_start3A_89] : memref<40x512xi32, #tpu.memory_space<vmem>> -> memref<1x512xi32, #tpu.memory_space<vmem>>
        %dma_start3A_91 = tpu.memref_squeeze %dma_start3A_90 : memref<1x512xi32, #tpu.memory_space<vmem>> -> memref<512xi32, #tpu.memory_space<vmem>>
        %dma_start3A_92 = arith.constant 0 : i32
        %dma_start3A_93 = arith.constant 0 : i32
        %dma_start3A_94 = tpu.memref_slice %arg12[%dma_start3A_92, %dma_start3A_93] : memref<10240x64xbf16, #tpu.memory_space<vmem_shared>> -> memref<10240x64xbf16, #tpu.memory_space<vmem_shared>>
        tpu.enqueue_indirect_dma source(%dma_start3A_88 : memref<512x64xbf16, #tpu.memory_space<vmem>>) target(%dma_start3A_94 : memref<10240x64xbf16, #tpu.memory_space<vmem_shared>>) offsets(%dma_start3A_91 : memref<512xi32, #tpu.memory_space<vmem>>) semaphore(%run_scoped3A : memref<!tpu.dma_semaphore, #tpu.memory_space<semaphore_mem>>) {add = true}
        %dma_wait3A_95 = arith.constant 0 : i32
        %dma_wait3A_96 = tpu.memref_slice %arg9[%mul3A_58, %dma_wait3A_95] : memref<1024x64xbf16, #tpu.memory_space<vmem>> -> memref<512x64xbf16, #tpu.memory_space<vmem>>
        %dma_wait3A_97 = arith.constant 0 : i32
        %dma_wait3A_98 = tpu.memref_slice %arg8[%scan3A_55, %dma_wait3A_97] : memref<40x512xi32, #tpu.memory_space<vmem>> -> memref<1x512xi32, #tpu.memory_space<vmem>>
        %dma_wait3A_99 = tpu.memref_squeeze %dma_wait3A_98 : memref<1x512xi32, #tpu.memory_space<vmem>> -> memref<512xi32, #tpu.memory_space<vmem>>
        %dma_wait3A_100 = arith.constant 0 : i32
        %dma_wait3A_101 = arith.constant 0 : i32
        %dma_wait3A_102 = tpu.memref_slice %arg12[%dma_wait3A_100, %dma_wait3A_101] : memref<10240x64xbf16, #tpu.memory_space<vmem_shared>> -> memref<10240x64xbf16, #tpu.memory_space<vmem_shared>>
        tpu.wait_indirect_dma semaphore(%run_scoped3A : memref<!tpu.dma_semaphore, #tpu.memory_space<semaphore_mem>>) src(%dma_wait3A_96 : memref<512x64xbf16, #tpu.memory_space<vmem>>) dst(%dma_wait3A_102 : memref<10240x64xbf16, #tpu.memory_space<vmem_shared>>)
        tpu.yield
      }) : () -> ()
      %mul3A_77 = arith.constant 20 : i32
      %mul3A_78 = arith.muli %arg0, %mul3A_77 : i32
      %ge3A = arith.cmpi sge, %scan3A_55, %mul3A_78 : i32
      %add3A_79 = arith.constant 1 : i32
      %add3A_80 = arith.addi %arg0, %add3A_79 : i32
      %mul3A_81 = arith.constant 20 : i32
      %mul3A_82 = arith.muli %add3A_80, %mul3A_81 : i32
      %lt3A_83 = arith.cmpi slt, %scan3A_55, %mul3A_82 : i32
      %and3A = arith.andi %ge3A, %lt3A_83 : i1
      %convert_element_type3A_84 = arith.extui %and3A : i1 to i32
      %cond3A_85 = arith.constant 0 : i32
      %cond3A_86 = arith.cmpi ne, %convert_element_type3A_84, %cond3A_85 : i32
      scf.if %cond3A_86 {
        "tpu.region"() ({
          %run_scoped3A = tpu.sem_alloc : memref<!tpu.dma_semaphore, #tpu.memory_space<semaphore_mem>>
          %dma_start3A_87 = arith.constant 0 : i32
          %dma_start3A_88 = tpu.memref_slice %arg8[%scan3A_55, %dma_start3A_87] : memref<40x512xi32, #tpu.memory_space<vmem>> -> memref<1x512xi32, #tpu.memory_space<vmem>>
          %dma_start3A_89 = tpu.memref_squeeze %dma_start3A_88 : memref<1x512xi32, #tpu.memory_space<vmem>> -> memref<512xi32, #tpu.memory_space<vmem>>
          %dma_start3A_90 = arith.constant 0 : i32
          %dma_start3A_91 = arith.constant 0 : i32
          %dma_start3A_92 = tpu.memref_slice %arg13[%dma_start3A_90, %dma_start3A_91] : memref<10240x16xf32, #tpu.memory_space<vmem_shared>> -> memref<10240x16xf32, #tpu.memory_space<vmem_shared>>
          tpu.enqueue_indirect_dma source(%arg10 : memref<512x16xf32, #tpu.memory_space<vmem>>) target(%dma_start3A_92 : memref<10240x16xf32, #tpu.memory_space<vmem_shared>>) offsets(%dma_start3A_89 : memref<512xi32, #tpu.memory_space<vmem>>) semaphore(%run_scoped3A : memref<!tpu.dma_semaphore, #tpu.memory_space<semaphore_mem>>) {add = true}
          %dma_wait3A_93 = arith.constant 0 : i32
          %dma_wait3A_94 = tpu.memref_slice %arg8[%scan3A_55, %dma_wait3A_93] : memref<40x512xi32, #tpu.memory_space<vmem>> -> memref<1x512xi32, #tpu.memory_space<vmem>>
          %dma_wait3A_95 = tpu.memref_squeeze %dma_wait3A_94 : memref<1x512xi32, #tpu.memory_space<vmem>> -> memref<512xi32, #tpu.memory_space<vmem>>
          %dma_wait3A_96 = arith.constant 0 : i32
          %dma_wait3A_97 = arith.constant 0 : i32
          %dma_wait3A_98 = tpu.memref_slice %arg13[%dma_wait3A_96, %dma_wait3A_97] : memref<10240x16xf32, #tpu.memory_space<vmem_shared>> -> memref<10240x16xf32, #tpu.memory_space<vmem_shared>>
          tpu.wait_indirect_dma semaphore(%run_scoped3A : memref<!tpu.dma_semaphore, #tpu.memory_space<semaphore_mem>>) src(%arg10 : memref<512x16xf32, #tpu.memory_space<vmem>>) dst(%dma_wait3A_98 : memref<10240x16xf32, #tpu.memory_space<vmem_shared>>)
          tpu.yield
        }) : () -> ()
      } else {
      }
    }
    %scan3A_47 = arith.constant 40 : i32
    %barrier3A_48 = arith.constant 0 : index
    tpu.barrier barrier_id(%barrier3A_48)
    %scan3A_49 = arith.constant 0 : i32
    %scan3A_50 = arith.constant 0 : i32
    %scan3A_51 = arith.constant 5 : i32
    %scan3A_52 = arith.addi %scan3A_50, %scan3A_51 : i32
    %scan3A_53 = arith.constant 1 : i32
    scf.for %scan3A_55 = %scan3A_50 to %scan3A_52 step %scan3A_53  : i32 {
      %mul3A_56 = arith.constant 640 : i32
      %mul3A_57 = arith.muli %arg1, %mul3A_56 : i32
      %mul3A_58 = arith.constant 128 : i32
      %mul3A_59 = arith.muli %scan3A_55, %mul3A_58 : i32
      %add3A = arith.addi %mul3A_57, %mul3A_59 : i32
      "tpu.region"() ({
        %run_scoped3A = tpu.sem_alloc : memref<!tpu.dma_semaphore, #tpu.memory_space<semaphore_mem>>
        %dma_start3A_66 = arith.constant 0 : i32
        %dma_start3A_67 = arith.constant 0 : i32
        %dma_start3A_68 = tpu.memref_slice %arg9[%dma_start3A_66, %dma_start3A_67] : memref<1024x64xbf16, #tpu.memory_space<vmem>> -> memref<128x64xbf16, #tpu.memory_space<vmem>>
        %dma_start3A_69 = arith.constant 0 : i32
        %dma_start3A_70 = tpu.memref_slice %arg12[%add3A, %dma_start3A_69] : memref<10240x64xbf16, #tpu.memory_space<vmem_shared>> -> memref<128x64xbf16, #tpu.memory_space<vmem_shared>>
        %dma_start3A_71 = arith.constant 0 : i32
        %dma_start3A_72 = arith.constant 0 : i32
        %dma_start3A_73 = tpu.memref_slice %arg9[%dma_start3A_71, %dma_start3A_72] : memref<1024x64xbf16, #tpu.memory_space<vmem>> -> memref<128x64xbf16, #tpu.memory_space<vmem>>
        %dma_start3A_74 = arith.constant 0 : i32
        %dma_start3A_75 = tpu.memref_slice %arg12[%add3A, %dma_start3A_74] : memref<10240x64xbf16, #tpu.memory_space<vmem_shared>> -> memref<128x64xbf16, #tpu.memory_space<vmem_shared>>
        tpu.enqueue_dma source(%dma_start3A_75 : memref<128x64xbf16, #tpu.memory_space<vmem_shared>>) target(%dma_start3A_73 : memref<128x64xbf16, #tpu.memory_space<vmem>>) target_semaphore(%run_scoped3A : memref<!tpu.dma_semaphore, #tpu.memory_space<semaphore_mem>>)
        %dma_wait3A = arith.constant 0 : i32
        %dma_wait3A_76 = arith.constant 0 : i32
        %dma_wait3A_77 = tpu.memref_slice %arg9[%dma_wait3A, %dma_wait3A_76] : memref<1024x64xbf16, #tpu.memory_space<vmem>> -> memref<128x64xbf16, #tpu.memory_space<vmem>>
        %dma_wait3A_78 = arith.constant 0 : i32
        %dma_wait3A_79 = tpu.memref_slice %arg12[%add3A, %dma_wait3A_78] : memref<10240x64xbf16, #tpu.memory_space<vmem_shared>> -> memref<128x64xbf16, #tpu.memory_space<vmem_shared>>
        %dma_wait3A_80 = arith.constant 0 : i32
        %dma_wait3A_81 = arith.constant 0 : i32
        %dma_wait3A_82 = tpu.memref_slice %arg9[%dma_wait3A_80, %dma_wait3A_81] : memref<1024x64xbf16, #tpu.memory_space<vmem>> -> memref<128x64xbf16, #tpu.memory_space<vmem>>
        %dma_wait3A_83 = arith.constant 0 : i32
        %dma_wait3A_84 = tpu.memref_slice %arg12[%add3A, %dma_wait3A_83] : memref<10240x64xbf16, #tpu.memory_space<vmem_shared>> -> memref<128x64xbf16, #tpu.memory_space<vmem_shared>>
        tpu.wait_dma2 semaphore(%run_scoped3A : memref<!tpu.dma_semaphore, #tpu.memory_space<semaphore_mem>>) src(%dma_wait3A_84 : memref<128x64xbf16, #tpu.memory_space<vmem_shared>>) dst(%dma_wait3A_82 : memref<128x64xbf16, #tpu.memory_space<vmem>>)
        tpu.yield
      }) : () -> ()
      %mul3A_60 = arith.constant 10240 : i32
      %mul3A_61 = arith.muli %arg0, %mul3A_60 : i32
      %add3A_62 = arith.addi %mul3A_61, %add3A : i32
      "tpu.region"() ({
        %run_scoped3A = tpu.sem_alloc : memref<!tpu.dma_semaphore, #tpu.memory_space<semaphore_mem>>
        %dma_start3A_66 = arith.constant 0 : i32
        %dma_start3A_67 = arith.constant 0 : i32
        %dma_start3A_68 = tpu.memref_slice %arg9[%dma_start3A_66, %dma_start3A_67] : memref<1024x64xbf16, #tpu.memory_space<vmem>> -> memref<128x64xbf16, #tpu.memory_space<vmem>>
        %dma_start3A_69 = arith.constant 0 : i32
        %dma_start3A_70 = tpu.memref_slice %arg5[%add3A_62, %dma_start3A_69] : memref<20480x64xbf16, #tpu.memory_space<hbm>> -> memref<128x64xbf16, #tpu.memory_space<hbm>>
        %dma_start3A_71 = arith.constant 0 : i32
        %dma_start3A_72 = tpu.memref_slice %arg5[%add3A_62, %dma_start3A_71] : memref<20480x64xbf16, #tpu.memory_space<hbm>> -> memref<128x64xbf16, #tpu.memory_space<hbm>>
        %dma_start3A_73 = arith.constant 0 : i32
        %dma_start3A_74 = arith.constant 0 : i32
        %dma_start3A_75 = tpu.memref_slice %arg9[%dma_start3A_73, %dma_start3A_74] : memref<1024x64xbf16, #tpu.memory_space<vmem>> -> memref<128x64xbf16, #tpu.memory_space<vmem>>
        tpu.enqueue_dma source(%dma_start3A_75 : memref<128x64xbf16, #tpu.memory_space<vmem>>) target(%dma_start3A_72 : memref<128x64xbf16, #tpu.memory_space<hbm>>) target_semaphore(%run_scoped3A : memref<!tpu.dma_semaphore, #tpu.memory_space<semaphore_mem>>)
        %dma_wait3A = arith.constant 0 : i32
        %dma_wait3A_76 = arith.constant 0 : i32
        %dma_wait3A_77 = tpu.memref_slice %arg9[%dma_wait3A, %dma_wait3A_76] : memref<1024x64xbf16, #tpu.memory_space<vmem>> -> memref<128x64xbf16, #tpu.memory_space<vmem>>
        %dma_wait3A_78 = arith.constant 0 : i32
        %dma_wait3A_79 = tpu.memref_slice %arg5[%add3A_62, %dma_wait3A_78] : memref<20480x64xbf16, #tpu.memory_space<hbm>> -> memref<128x64xbf16, #tpu.memory_space<hbm>>
        %dma_wait3A_80 = arith.constant 0 : i32
        %dma_wait3A_81 = tpu.memref_slice %arg5[%add3A_62, %dma_wait3A_80] : memref<20480x64xbf16, #tpu.memory_space<hbm>> -> memref<128x64xbf16, #tpu.memory_space<hbm>>
        %dma_wait3A_82 = arith.constant 0 : i32
        %dma_wait3A_83 = arith.constant 0 : i32
        %dma_wait3A_84 = tpu.memref_slice %arg9[%dma_wait3A_82, %dma_wait3A_83] : memref<1024x64xbf16, #tpu.memory_space<vmem>> -> memref<128x64xbf16, #tpu.memory_space<vmem>>
        tpu.wait_dma2 semaphore(%run_scoped3A : memref<!tpu.dma_semaphore, #tpu.memory_space<semaphore_mem>>) src(%dma_wait3A_84 : memref<128x64xbf16, #tpu.memory_space<vmem>>) dst(%dma_wait3A_81 : memref<128x64xbf16, #tpu.memory_space<hbm>>)
        tpu.yield
      }) : () -> ()
      "tpu.region"() ({
        %run_scoped3A = tpu.sem_alloc : memref<!tpu.dma_semaphore, #tpu.memory_space<semaphore_mem>>
        %dma_start3A_66 = arith.constant 0 : i32
        %dma_start3A_67 = tpu.memref_slice %arg13[%add3A, %dma_start3A_66] : memref<10240x16xf32, #tpu.memory_space<vmem_shared>> -> memref<128x16xf32, #tpu.memory_space<vmem_shared>>
        %dma_start3A_68 = arith.constant 0 : i32
        %dma_start3A_69 = tpu.memref_slice %arg13[%add3A, %dma_start3A_68] : memref<10240x16xf32, #tpu.memory_space<vmem_shared>> -> memref<128x16xf32, #tpu.memory_space<vmem_shared>>
        tpu.enqueue_dma source(%dma_start3A_69 : memref<128x16xf32, #tpu.memory_space<vmem_shared>>) target(%arg11 : memref<128x16xf32, #tpu.memory_space<vmem>>) target_semaphore(%run_scoped3A : memref<!tpu.dma_semaphore, #tpu.memory_space<semaphore_mem>>)
        %dma_wait3A = arith.constant 0 : i32
        %dma_wait3A_70 = tpu.memref_slice %arg13[%add3A, %dma_wait3A] : memref<10240x16xf32, #tpu.memory_space<vmem_shared>> -> memref<128x16xf32, #tpu.memory_space<vmem_shared>>
        %dma_wait3A_71 = arith.constant 0 : i32
        %dma_wait3A_72 = tpu.memref_slice %arg13[%add3A, %dma_wait3A_71] : memref<10240x16xf32, #tpu.memory_space<vmem_shared>> -> memref<128x16xf32, #tpu.memory_space<vmem_shared>>
        tpu.wait_dma2 semaphore(%run_scoped3A : memref<!tpu.dma_semaphore, #tpu.memory_space<semaphore_mem>>) src(%dma_wait3A_72 : memref<128x16xf32, #tpu.memory_space<vmem_shared>>) dst(%arg11 : memref<128x16xf32, #tpu.memory_space<vmem>>)
        tpu.yield
      }) : () -> ()
      %mul3A_63 = arith.constant 10240 : i32
      %mul3A_64 = arith.muli %arg0, %mul3A_63 : i32
      %add3A_65 = arith.addi %mul3A_64, %add3A : i32
      "tpu.region"() ({
        %run_scoped3A = tpu.sem_alloc : memref<!tpu.dma_semaphore, #tpu.memory_space<semaphore_mem>>
        %dma_start3A_66 = arith.constant 0 : i32
        %dma_start3A_67 = tpu.memref_slice %arg6[%add3A_65, %dma_start3A_66] : memref<20480x16xf32, #tpu.memory_space<hbm>> -> memref<128x16xf32, #tpu.memory_space<hbm>>
        %dma_start3A_68 = arith.constant 0 : i32
        %dma_start3A_69 = tpu.memref_slice %arg6[%add3A_65, %dma_start3A_68] : memref<20480x16xf32, #tpu.memory_space<hbm>> -> memref<128x16xf32, #tpu.memory_space<hbm>>
        tpu.enqueue_dma source(%arg11 : memref<128x16xf32, #tpu.memory_space<vmem>>) target(%dma_start3A_69 : memref<128x16xf32, #tpu.memory_space<hbm>>) target_semaphore(%run_scoped3A : memref<!tpu.dma_semaphore, #tpu.memory_space<semaphore_mem>>)
        %dma_wait3A = arith.constant 0 : i32
        %dma_wait3A_70 = tpu.memref_slice %arg6[%add3A_65, %dma_wait3A] : memref<20480x16xf32, #tpu.memory_space<hbm>> -> memref<128x16xf32, #tpu.memory_space<hbm>>
        %dma_wait3A_71 = arith.constant 0 : i32
        %dma_wait3A_72 = tpu.memref_slice %arg6[%add3A_65, %dma_wait3A_71] : memref<20480x16xf32, #tpu.memory_space<hbm>> -> memref<128x16xf32, #tpu.memory_space<hbm>>
        tpu.wait_dma2 semaphore(%run_scoped3A : memref<!tpu.dma_semaphore, #tpu.memory_space<semaphore_mem>>) src(%arg11 : memref<128x16xf32, #tpu.memory_space<vmem>>) dst(%dma_wait3A_72 : memref<128x16xf32, #tpu.memory_space<hbm>>)
        tpu.yield
      }) : () -> ()
    }
    %scan3A_54 = arith.constant 5 : i32
    return
  }
}

module attributes {stable_mosaic.version = 14 : i64} {
  func.func @_mm1_body(%arg0: i32, %arg1: memref<1000x128xf32, #tpu.memory_space<vmem>>, %arg2: memref<128x128xf32, #tpu.memory_space<vmem>>, %arg3: memref<1x128xf32, #tpu.memory_space<vmem>>, %arg4: memref<1000x128xf32, #tpu.memory_space<vmem>>) attributes {dimension_semantics = [#tpu.dimension_semantics<arbitrary>], iteration_bounds = array<i64: 10>, scalar_prefetch = 0 : i64, scratch_operands = 0 : i64, tpu.core_type = #tpu.core_type<tc>, window_params = [{transform_indices = @transform_0, window_bounds = array<i64: 1000, 128>}, {pipeline_mode = #tpu.pipeline_mode<synchronous>, transform_indices = @transform_1, window_bounds = array<i64: 128, 128>}, {pipeline_mode = #tpu.pipeline_mode<synchronous>, transform_indices = @transform_2, window_bounds = array<i64: 1, 128>}, {transform_indices = @transform_3, window_bounds = array<i64: 1000, 128>}]} {
    %get3A = arith.constant 0 : index
    %get3A_0 = arith.constant 0 : index
    %get3A_1 = vector.load %arg1[%get3A, %get3A_0] : memref<1000x128xf32, #tpu.memory_space<vmem>>, vector<1000x128xf32>
    %get3A_2 = arith.constant 0 : index
    %get3A_3 = arith.constant 0 : index
    %get3A_4 = vector.load %arg2[%get3A_2, %get3A_3] : memref<128x128xf32, #tpu.memory_space<vmem>>, vector<128x128xf32>
    %dot_general3A = arith.constant dense<0.000000e+00> : vector<1000x128xf32>
    %dot_general3A_5 = tpu.matmul %get3A_1, %get3A_4, %dot_general3A {dimension_numbers = #tpu.dot_dimension_numbers<[1], [0], [0], [1], [0, 0, 1, 1], [], []>, transpose_lhs_hint = false} : vector<1000x128xf32>, vector<128x128xf32>, vector<1000x128xf32> -> vector<1000x128xf32>
    %get3A_6 = arith.constant 0 : index
    %get3A_7 = arith.constant 0 : index
    %get3A_8 = vector.load %arg3[%get3A_6, %get3A_7] : memref<1x128xf32, #tpu.memory_space<vmem>>, vector<1x128xf32>
    %add3A = vector.broadcast %get3A_8 : vector<1x128xf32> to vector<1000x128xf32>
    %add3A_9 = arith.addf %dot_general3A_5, %add3A : vector<1000x128xf32>
    %swap3A = arith.constant 0 : index
    %swap3A_10 = arith.constant 0 : index
    %swap3A_11 = vector.load %arg4[%swap3A, %swap3A_10] : memref<1000x128xf32, #tpu.memory_space<vmem>>, vector<1000x128xf32>
    tpu.vector_store %arg4[%swap3A, %swap3A_10], %add3A_9 {strides = array<i32>} : memref<1000x128xf32, #tpu.memory_space<vmem>>, vector<1000x128xf32>,
    return
  }
  func.func @transform_0(%arg0: i32) -> (i32, i32) {
    %c0_i32 = arith.constant 0 : i32
    %c0_i32_0 = arith.constant 0 : i32
    return %arg0, %c0_i32 : i32, i32
  }
  func.func @transform_1(%arg0: i32) -> (i32, i32) {
    %c0_i32 = arith.constant 0 : i32
    %c0_i32_0 = arith.constant 0 : i32
    %c0_i32_1 = arith.constant 0 : i32
    return %c0_i32, %c0_i32_0 : i32, i32
  }
  func.func @transform_2(%arg0: i32) -> (i32, i32) {
    %c0_i32 = arith.constant 0 : i32
    %c0_i32_0 = arith.constant 0 : i32
    %c0_i32_1 = arith.constant 0 : i32
    return %c0_i32, %c0_i32_0 : i32, i32
  }
  func.func @transform_3(%arg0: i32) -> (i32, i32) {
    %c0_i32 = arith.constant 0 : i32
    %c0_i32_0 = arith.constant 0 : i32
    return %arg0, %c0_i32 : i32, i32
  }
}

module attributes {stable_mosaic.version = 14 : i64} {
  func.func @_layer1_body(%arg0: i32, %arg1: memref<1000x128xf32, #tpu.memory_space<vmem>>, %arg2: memref<2x1000x64xbf16, #tpu.memory_space<vmem>>, %arg3: memref<2x1000x16xf32, #tpu.memory_space<vmem>>, %arg4: memref<2x1000x64xbf16, #tpu.memory_space<vmem>>) attributes {dimension_semantics = [#tpu.dimension_semantics<arbitrary>], iteration_bounds = array<i64: 10>, scalar_prefetch = 0 : i64, scratch_operands = 0 : i64, tpu.core_type = #tpu.core_type<tc>, window_params = [{transform_indices = @transform_0, window_bounds = array<i64: 1000, 128>}, {transform_indices = @transform_1, window_bounds = array<i64: 2, 1000, 64>}, {transform_indices = @transform_2, window_bounds = array<i64: 2, 1000, 16>}, {transform_indices = @transform_3, window_bounds = array<i64: 2, 1000, 64>}]} {
    %get3A = arith.constant 0 : index
    %get3A_0 = arith.constant 0 : index
    %get3A_1 = arith.constant 0 : index
    %get3A_2 = vector.load %arg2[%get3A, %get3A_0, %get3A_1] : memref<2x1000x64xbf16, #tpu.memory_space<vmem>>, vector<1x1000x64xbf16>
    %get3A_3 = vector.shape_cast %get3A_2 : vector<1x1000x64xbf16> to vector<1000x64xbf16>
    %get3A_4 = arith.constant 1 : index
    %get3A_5 = arith.constant 0 : index
    %get3A_6 = arith.constant 0 : index
    %get3A_7 = vector.load %arg2[%get3A_4, %get3A_5, %get3A_6] : memref<2x1000x64xbf16, #tpu.memory_space<vmem>>, vector<1x1000x64xbf16>
    %get3A_8 = vector.shape_cast %get3A_7 : vector<1x1000x64xbf16> to vector<1000x64xbf16>
    %concatenate3A = tpu.concatenate %get3A_3, %get3A_8 in 1 : vector<1000x64xbf16>, vector<1000x64xbf16> -> vector<1000x128xbf16>
    %convert_element_type3A = arith.extf %concatenate3A : vector<1000x128xbf16> to vector<1000x128xf32>
    %get3A_9 = arith.constant 0 : index
    %get3A_10 = arith.constant 0 : index
    %get3A_11 = arith.constant 0 : index
    %get3A_12 = vector.load %arg3[%get3A_9, %get3A_10, %get3A_11] : memref<2x1000x16xf32, #tpu.memory_space<vmem>>, vector<1x1000x1xf32>
    %get3A_13 = vector.shape_cast %get3A_12 : vector<1x1000x1xf32> to vector<1000xf32>
    %get3A_14 = arith.constant 1 : index
    %get3A_15 = arith.constant 0 : index
    %get3A_16 = arith.constant 0 : index
    %get3A_17 = vector.load %arg3[%get3A_14, %get3A_15, %get3A_16] : memref<2x1000x16xf32, #tpu.memory_space<vmem>>, vector<1x1000x1xf32>
    %get3A_18 = vector.shape_cast %get3A_17 : vector<1x1000x1xf32> to vector<1000xf32>
    %add3A = arith.addf %get3A_13, %get3A_18 : vector<1000xf32>
    %max3A = arith.constant 1.000000e+00 : f32
    %max3A_19 = vector.broadcast %max3A : f32 to vector<1000xf32>
    %max3A_20 = arith.maximumf %add3A, %max3A_19 : vector<1000xf32>
    %div3A = arith.constant 1.000000e+00 : f32
    %div3A_21 = vector.broadcast %div3A : f32 to vector<1000xf32>
    %div3A_22 = arith.divf %div3A_21, %max3A_20 : vector<1000xf32>
    %get3A_23 = arith.constant 0 : index
    %get3A_24 = arith.constant 0 : index
    %get3A_25 = vector.load %arg1[%get3A_23, %get3A_24] : memref<1000x128xf32, #tpu.memory_space<vmem>>, vector<1000x128xf32>
    %broadcast_in_dim3A = vector.shape_cast %div3A_22 : vector<1000xf32> to vector<1000x1xf32>
    %mul3A = vector.broadcast %broadcast_in_dim3A : vector<1000x1xf32> to vector<1000x128xf32>
    %mul3A_26 = arith.mulf %convert_element_type3A, %mul3A : vector<1000x128xf32>
    %add3A_27 = arith.addf %get3A_25, %mul3A_26 : vector<1000x128xf32>
    %max3A_28 = arith.constant 0.000000e+00 : f32
    %max3A_29 = vector.broadcast %max3A_28 : f32 to vector<1000x128xf32>
    %max3A_30 = arith.maximumf %add3A_27, %max3A_29 : vector<1000x128xf32>
    %convert_element_type3A_31 = arith.truncf %max3A_30 : vector<1000x128xf32> to vector<1000x128xbf16>
    %slice3A = vector.extract_strided_slice %convert_element_type3A_31 {offsets = [0, 0], sizes = [1000, 64], strides = [1, 1]} : vector<1000x128xbf16> to vector<1000x64xbf16>
    %swap3A = arith.constant 0 : index
    %swap3A_32 = arith.constant 0 : index
    %swap3A_33 = arith.constant 0 : index
    %swap3A_34 = vector.load %arg4[%swap3A, %swap3A_32, %swap3A_33] : memref<2x1000x64xbf16, #tpu.memory_space<vmem>>, vector<1x1000x64xbf16>
    %swap3A_35 = vector.shape_cast %swap3A_34 : vector<1x1000x64xbf16> to vector<1000x64xbf16>
    %swap3A_36 = vector.shape_cast %slice3A : vector<1000x64xbf16> to vector<1x1000x64xbf16>
    tpu.vector_store %arg4[%swap3A, %swap3A_32, %swap3A_33], %swap3A_36 {strides = array<i32>} : memref<2x1000x64xbf16, #tpu.memory_space<vmem>>, vector<1x1000x64xbf16>,
    %slice3A_37 = vector.extract_strided_slice %convert_element_type3A_31 {offsets = [0, 64], sizes = [1000, 64], strides = [1, 1]} : vector<1000x128xbf16> to vector<1000x64xbf16>
    %swap3A_38 = arith.constant 1 : index
    %swap3A_39 = arith.constant 0 : index
    %swap3A_40 = arith.constant 0 : index
    %swap3A_41 = vector.load %arg4[%swap3A_38, %swap3A_39, %swap3A_40] : memref<2x1000x64xbf16, #tpu.memory_space<vmem>>, vector<1x1000x64xbf16>
    %swap3A_42 = vector.shape_cast %swap3A_41 : vector<1x1000x64xbf16> to vector<1000x64xbf16>
    %swap3A_43 = vector.shape_cast %slice3A_37 : vector<1000x64xbf16> to vector<1x1000x64xbf16>
    tpu.vector_store %arg4[%swap3A_38, %swap3A_39, %swap3A_40], %swap3A_43 {strides = array<i32>} : memref<2x1000x64xbf16, #tpu.memory_space<vmem>>, vector<1x1000x64xbf16>,
    return
  }
  func.func @transform_0(%arg0: i32) -> (i32, i32) {
    %c0_i32 = arith.constant 0 : i32
    %c0_i32_0 = arith.constant 0 : i32
    return %arg0, %c0_i32 : i32, i32
  }
  func.func @transform_1(%arg0: i32) -> (i32, i32, i32) {
    %c0_i32 = arith.constant 0 : i32
    %c0_i32_0 = arith.constant 0 : i32
    %c0_i32_1 = arith.constant 0 : i32
    return %c0_i32, %arg0, %c0_i32_0 : i32, i32, i32
  }
  func.func @transform_2(%arg0: i32) -> (i32, i32, i32) {
    %c0_i32 = arith.constant 0 : i32
    %c0_i32_0 = arith.constant 0 : i32
    %c0_i32_1 = arith.constant 0 : i32
    return %c0_i32, %arg0, %c0_i32_0 : i32, i32, i32
  }
  func.func @transform_3(%arg0: i32) -> (i32, i32, i32) {
    %c0_i32 = arith.constant 0 : i32
    %c0_i32_0 = arith.constant 0 : i32
    %c0_i32_1 = arith.constant 0 : i32
    return %c0_i32, %arg0, %c0_i32_0 : i32, i32, i32
  }
}

module attributes {stable_mosaic.version = 14 : i64} {
  func.func @_mm2_body(%arg0: i32, %arg1: memref<2x1000x64xbf16, #tpu.memory_space<vmem>>, %arg2: memref<128x128xf32, #tpu.memory_space<vmem>>, %arg3: memref<1x128xf32, #tpu.memory_space<vmem>>, %arg4: memref<1000x128xf32, #tpu.memory_space<vmem>>) attributes {dimension_semantics = [#tpu.dimension_semantics<arbitrary>], iteration_bounds = array<i64: 10>, scalar_prefetch = 0 : i64, scratch_operands = 0 : i64, tpu.core_type = #tpu.core_type<tc>, window_params = [{transform_indices = @transform_0, window_bounds = array<i64: 2, 1000, 64>}, {pipeline_mode = #tpu.pipeline_mode<synchronous>, transform_indices = @transform_1, window_bounds = array<i64: 128, 128>}, {pipeline_mode = #tpu.pipeline_mode<synchronous>, transform_indices = @transform_2, window_bounds = array<i64: 1, 128>}, {transform_indices = @transform_3, window_bounds = array<i64: 1000, 128>}]} {
    %get3A = arith.constant 0 : index
    %get3A_0 = arith.constant 0 : index
    %get3A_1 = arith.constant 0 : index
    %get3A_2 = vector.load %arg1[%get3A, %get3A_0, %get3A_1] : memref<2x1000x64xbf16, #tpu.memory_space<vmem>>, vector<1x1000x64xbf16>
    %get3A_3 = vector.shape_cast %get3A_2 : vector<1x1000x64xbf16> to vector<1000x64xbf16>
    %get3A_4 = arith.constant 1 : index
    %get3A_5 = arith.constant 0 : index
    %get3A_6 = arith.constant 0 : index
    %get3A_7 = vector.load %arg1[%get3A_4, %get3A_5, %get3A_6] : memref<2x1000x64xbf16, #tpu.memory_space<vmem>>, vector<1x1000x64xbf16>
    %get3A_8 = vector.shape_cast %get3A_7 : vector<1x1000x64xbf16> to vector<1000x64xbf16>
    %concatenate3A = tpu.concatenate %get3A_3, %get3A_8 in 1 : vector<1000x64xbf16>, vector<1000x64xbf16> -> vector<1000x128xbf16>
    %convert_element_type3A = arith.extf %concatenate3A : vector<1000x128xbf16> to vector<1000x128xf32>
    %get3A_9 = arith.constant 0 : index
    %get3A_10 = arith.constant 0 : index
    %get3A_11 = vector.load %arg2[%get3A_9, %get3A_10] : memref<128x128xf32, #tpu.memory_space<vmem>>, vector<128x128xf32>
    %dot_general3A = arith.constant dense<0.000000e+00> : vector<1000x128xf32>
    %dot_general3A_12 = tpu.matmul %convert_element_type3A, %get3A_11, %dot_general3A {dimension_numbers = #tpu.dot_dimension_numbers<[1], [0], [0], [1], [0, 0, 1, 1], [], []>, transpose_lhs_hint = false} : vector<1000x128xf32>, vector<128x128xf32>, vector<1000x128xf32> -> vector<1000x128xf32>
    %get3A_13 = arith.constant 0 : index
    %get3A_14 = arith.constant 0 : index
    %get3A_15 = vector.load %arg3[%get3A_13, %get3A_14] : memref<1x128xf32, #tpu.memory_space<vmem>>, vector<1x128xf32>
    %add3A = vector.broadcast %get3A_15 : vector<1x128xf32> to vector<1000x128xf32>
    %add3A_16 = arith.addf %dot_general3A_12, %add3A : vector<1000x128xf32>
    %swap3A = arith.constant 0 : index
    %swap3A_17 = arith.constant 0 : index
    %swap3A_18 = vector.load %arg4[%swap3A, %swap3A_17] : memref<1000x128xf32, #tpu.memory_space<vmem>>, vector<1000x128xf32>
    tpu.vector_store %arg4[%swap3A, %swap3A_17], %add3A_16 {strides = array<i32>} : memref<1000x128xf32, #tpu.memory_space<vmem>>, vector<1000x128xf32>,
    return
  }
  func.func @transform_0(%arg0: i32) -> (i32, i32, i32) {
    %c0_i32 = arith.constant 0 : i32
    %c0_i32_0 = arith.constant 0 : i32
    %c0_i32_1 = arith.constant 0 : i32
    return %c0_i32, %arg0, %c0_i32_0 : i32, i32, i32
  }
  func.func @transform_1(%arg0: i32) -> (i32, i32) {
    %c0_i32 = arith.constant 0 : i32
    %c0_i32_0 = arith.constant 0 : i32
    %c0_i32_1 = arith.constant 0 : i32
    return %c0_i32, %c0_i32_0 : i32, i32
  }
  func.func @transform_2(%arg0: i32) -> (i32, i32) {
    %c0_i32 = arith.constant 0 : i32
    %c0_i32_0 = arith.constant 0 : i32
    %c0_i32_1 = arith.constant 0 : i32
    return %c0_i32, %c0_i32_0 : i32, i32
  }
  func.func @transform_3(%arg0: i32) -> (i32, i32) {
    %c0_i32 = arith.constant 0 : i32
    %c0_i32_0 = arith.constant 0 : i32
    return %arg0, %c0_i32 : i32, i32
  }
}

module attributes {stable_mosaic.version = 14 : i64} {
  func.func @_layer2_body(%arg0: i32, %arg1: memref<1000x128xf32, #tpu.memory_space<vmem>>, %arg2: memref<2x1000x64xbf16, #tpu.memory_space<vmem>>, %arg3: memref<2x1000x16xf32, #tpu.memory_space<vmem>>, %arg4: memref<256x40xf32, #tpu.memory_space<vmem>>, %arg5: memref<1x40xf32, #tpu.memory_space<vmem>>, %arg6: memref<1x40xf32, #tpu.memory_space<vmem>>, %arg7: memref<1x128xf32, #tpu.memory_space<vmem>>, %arg8: memref<1x128xf32, #tpu.memory_space<vmem>>) attributes {dimension_semantics = [#tpu.dimension_semantics<arbitrary>], iteration_bounds = array<i64: 10>, scalar_prefetch = 0 : i64, scratch_operands = 2 : i64, tpu.core_type = #tpu.core_type<tc>, window_params = [{transform_indices = @transform_0, window_bounds = array<i64: 1000, 128>}, {transform_indices = @transform_1, window_bounds = array<i64: 2, 1000, 64>}, {transform_indices = @transform_2, window_bounds = array<i64: 2, 1000, 16>}, {pipeline_mode = #tpu.pipeline_mode<synchronous>, transform_indices = @transform_3, window_bounds = array<i64: 256, 40>}, {pipeline_mode = #tpu.pipeline_mode<synchronous>, transform_indices = @transform_4, window_bounds = array<i64: 1, 40>}, {pipeline_mode = #tpu.pipeline_mode<synchronous>, transform_indices = @transform_5, window_bounds = array<i64: 1, 40>}]} {
    %get3A = arith.constant 0 : index
    %get3A_0 = arith.constant 0 : index
    %get3A_1 = arith.constant 0 : index
    %get3A_2 = vector.load %arg2[%get3A, %get3A_0, %get3A_1] : memref<2x1000x64xbf16, #tpu.memory_space<vmem>>, vector<1x1000x64xbf16>
    %get3A_3 = vector.shape_cast %get3A_2 : vector<1x1000x64xbf16> to vector<1000x64xbf16>
    %get3A_4 = arith.constant 1 : index
    %get3A_5 = arith.constant 0 : index
    %get3A_6 = arith.constant 0 : index
    %get3A_7 = vector.load %arg2[%get3A_4, %get3A_5, %get3A_6] : memref<2x1000x64xbf16, #tpu.memory_space<vmem>>, vector<1x1000x64xbf16>
    %get3A_8 = vector.shape_cast %get3A_7 : vector<1x1000x64xbf16> to vector<1000x64xbf16>
    %concatenate3A = tpu.concatenate %get3A_3, %get3A_8 in 1 : vector<1000x64xbf16>, vector<1000x64xbf16> -> vector<1000x128xbf16>
    %convert_element_type3A = arith.extf %concatenate3A : vector<1000x128xbf16> to vector<1000x128xf32>
    %get3A_9 = arith.constant 0 : index
    %get3A_10 = arith.constant 0 : index
    %get3A_11 = arith.constant 0 : index
    %get3A_12 = vector.load %arg3[%get3A_9, %get3A_10, %get3A_11] : memref<2x1000x16xf32, #tpu.memory_space<vmem>>, vector<1x1000x1xf32>
    %get3A_13 = vector.shape_cast %get3A_12 : vector<1x1000x1xf32> to vector<1000xf32>
    %get3A_14 = arith.constant 1 : index
    %get3A_15 = arith.constant 0 : index
    %get3A_16 = arith.constant 0 : index
    %get3A_17 = vector.load %arg3[%get3A_14, %get3A_15, %get3A_16] : memref<2x1000x16xf32, #tpu.memory_space<vmem>>, vector<1x1000x1xf32>
    %get3A_18 = vector.shape_cast %get3A_17 : vector<1x1000x1xf32> to vector<1000xf32>
    %add3A = arith.addf %get3A_13, %get3A_18 : vector<1000xf32>
    %max3A = arith.constant 1.000000e+00 : f32
    %max3A_19 = vector.broadcast %max3A : f32 to vector<1000xf32>
    %max3A_20 = arith.maximumf %add3A, %max3A_19 : vector<1000xf32>
    %div3A = arith.constant 1.000000e+00 : f32
    %div3A_21 = vector.broadcast %div3A : f32 to vector<1000xf32>
    %div3A_22 = arith.divf %div3A_21, %max3A_20 : vector<1000xf32>
    %get3A_23 = arith.constant 0 : index
    %get3A_24 = arith.constant 0 : index
    %get3A_25 = vector.load %arg1[%get3A_23, %get3A_24] : memref<1000x128xf32, #tpu.memory_space<vmem>>, vector<1000x128xf32>
    %broadcast_in_dim3A = vector.shape_cast %div3A_22 : vector<1000xf32> to vector<1000x1xf32>
    %mul3A = vector.broadcast %broadcast_in_dim3A : vector<1000x1xf32> to vector<1000x128xf32>
    %mul3A_26 = arith.mulf %convert_element_type3A, %mul3A : vector<1000x128xf32>
    %add3A_27 = arith.addf %get3A_25, %mul3A_26 : vector<1000x128xf32>
    %max3A_28 = arith.constant 0.000000e+00 : f32
    %max3A_29 = vector.broadcast %max3A_28 : f32 to vector<1000x128xf32>
    %max3A_30 = arith.maximumf %add3A_27, %max3A_29 : vector<1000x128xf32>
    %reduce_sum3A = arith.constant dense<0.000000e+00> : vector<128xf32>
    %reduce_sum3A_31 = vector.multi_reduction <add>, %max3A_30, %reduce_sum3A [0] : vector<1000x128xf32> to vector<128xf32>
    %broadcast_in_dim3A_32 = vector.shape_cast %reduce_sum3A_31 : vector<128xf32> to vector<1x128xf32>
    %reduce_max3A = arith.constant dense<0xFF800000> : vector<128xf32>
    %reduce_max3A_33 = vector.multi_reduction <maximumf>, %max3A_30, %reduce_max3A [0] : vector<1000x128xf32> to vector<128xf32>
    %broadcast_in_dim3A_34 = vector.shape_cast %reduce_max3A_33 : vector<128xf32> to vector<1x128xf32>
    %eq3A = arith.constant 0 : i32
    %eq3A_35 = arith.cmpi eq, %arg0, %eq3A : i32
    %convert_element_type3A_36 = arith.extui %eq3A_35 : i1 to i32
    %cond3A = arith.constant 0 : i32
    %cond3A_37 = arith.cmpi ne, %convert_element_type3A_36, %cond3A : i32
    scf.if %cond3A_37 {
      %swap3A = arith.constant 0 : index
      %swap3A_47 = arith.constant 0 : index
      %swap3A_48 = vector.load %arg7[%swap3A, %swap3A_47] : memref<1x128xf32, #tpu.memory_space<vmem>>, vector<1x128xf32>
      tpu.vector_store %arg7[%swap3A, %swap3A_47], %broadcast_in_dim3A_32 {strides = array<i32>} : memref<1x128xf32, #tpu.memory_space<vmem>>, vector<1x128xf32>,
      %swap3A_49 = arith.constant 0 : index
      %swap3A_50 = arith.constant 0 : index
      %swap3A_51 = vector.load %arg8[%swap3A_49, %swap3A_50] : memref<1x128xf32, #tpu.memory_space<vmem>>, vector<1x128xf32>
      tpu.vector_store %arg8[%swap3A_49, %swap3A_50], %broadcast_in_dim3A_34 {strides = array<i32>} : memref<1x128xf32, #tpu.memory_space<vmem>>, vector<1x128xf32>,
    } else {
    }
    %gt3A = arith.constant 0 : i32
    %gt3A_38 = arith.cmpi sgt, %arg0, %gt3A : i32
    %convert_element_type3A_39 = arith.extui %gt3A_38 : i1 to i32
    %cond3A_40 = arith.constant 0 : i32
    %cond3A_41 = arith.cmpi ne, %convert_element_type3A_39, %cond3A_40 : i32
    scf.if %cond3A_41 {
      %get3A_47 = arith.constant 0 : index
      %get3A_48 = arith.constant 0 : index
      %get3A_49 = vector.load %arg7[%get3A_47, %get3A_48] : memref<1x128xf32, #tpu.memory_space<vmem>>, vector<1x128xf32>
      %add3A_50 = arith.addf %get3A_49, %broadcast_in_dim3A_32 : vector<1x128xf32>
      %swap3A = arith.constant 0 : index
      %swap3A_51 = arith.constant 0 : index
      %swap3A_52 = vector.load %arg7[%swap3A, %swap3A_51] : memref<1x128xf32, #tpu.memory_space<vmem>>, vector<1x128xf32>
      tpu.vector_store %arg7[%swap3A, %swap3A_51], %add3A_50 {strides = array<i32>} : memref<1x128xf32, #tpu.memory_space<vmem>>, vector<1x128xf32>,
      %get3A_53 = arith.constant 0 : index
      %get3A_54 = arith.constant 0 : index
      %get3A_55 = vector.load %arg8[%get3A_53, %get3A_54] : memref<1x128xf32, #tpu.memory_space<vmem>>, vector<1x128xf32>
      %max3A_56 = arith.maximumf %get3A_55, %broadcast_in_dim3A_34 : vector<1x128xf32>
      %swap3A_57 = arith.constant 0 : index
      %swap3A_58 = arith.constant 0 : index
      %swap3A_59 = vector.load %arg8[%swap3A_57, %swap3A_58] : memref<1x128xf32, #tpu.memory_space<vmem>>, vector<1x128xf32>
      tpu.vector_store %arg8[%swap3A_57, %swap3A_58], %max3A_56 {strides = array<i32>} : memref<1x128xf32, #tpu.memory_space<vmem>>, vector<1x128xf32>,
    } else {
    }
    %eq3A_42 = arith.constant 9 : i32
    %eq3A_43 = arith.cmpi eq, %arg0, %eq3A_42 : i32
    %convert_element_type3A_44 = arith.extui %eq3A_43 : i1 to i32
    %cond3A_45 = arith.constant 0 : i32
    %cond3A_46 = arith.cmpi ne, %convert_element_type3A_44, %cond3A_45 : i32
    scf.if %cond3A_46 {
      %get3A_47 = arith.constant 0 : index
      %get3A_48 = arith.constant 0 : index
      %get3A_49 = vector.load %arg7[%get3A_47, %get3A_48] : memref<1x128xf32, #tpu.memory_space<vmem>>, vector<1x128xf32>
      %mul3A_50 = arith.constant 9.99999974E-5 : f32
      %mul3A_51 = vector.broadcast %mul3A_50 : f32 to vector<1x128xf32>
      %mul3A_52 = arith.mulf %get3A_49, %mul3A_51 : vector<1x128xf32>
      %get3A_53 = arith.constant 0 : index
      %get3A_54 = arith.constant 0 : index
      %get3A_55 = vector.load %arg8[%get3A_53, %get3A_54] : memref<1x128xf32, #tpu.memory_space<vmem>>, vector<1x128xf32>
      %concatenate3A_56 = tpu.concatenate %mul3A_52, %get3A_55 in 1 : vector<1x128xf32>, vector<1x128xf32> -> vector<1x256xf32>
      %get3A_57 = arith.constant 0 : index
      %get3A_58 = arith.constant 0 : index
      %get3A_59 = vector.load %arg4[%get3A_57, %get3A_58] : memref<256x40xf32, #tpu.memory_space<vmem>>, vector<256x40xf32>
      %dot_general3A = arith.constant dense<0.000000e+00> : vector<1x40xf32>
      %dot_general3A_60 = tpu.matmul %concatenate3A_56, %get3A_59, %dot_general3A {dimension_numbers = #tpu.dot_dimension_numbers<[1], [0], [0], [1], [0, 0, 1, 1], [], []>, transpose_lhs_hint = false} : vector<1x256xf32>, vector<256x40xf32>, vector<1x40xf32> -> vector<1x40xf32>
      %get3A_61 = arith.constant 0 : index
      %get3A_62 = arith.constant 0 : index
      %get3A_63 = vector.load %arg5[%get3A_61, %get3A_62] : memref<1x40xf32, #tpu.memory_space<vmem>>, vector<1x40xf32>
      %add3A_64 = arith.addf %dot_general3A_60, %get3A_63 : vector<1x40xf32>
      %swap3A = arith.constant 0 : index
      %swap3A_65 = arith.constant 0 : index
      %swap3A_66 = vector.load %arg6[%swap3A, %swap3A_65] : memref<1x40xf32, #tpu.memory_space<vmem>>, vector<1x40xf32>
      tpu.vector_store %arg6[%swap3A, %swap3A_65], %add3A_64 {strides = array<i32>} : memref<1x40xf32, #tpu.memory_space<vmem>>, vector<1x40xf32>,
    } else {
    }
    return
  }
  func.func @transform_0(%arg0: i32) -> (i32, i32) {
    %c0_i32 = arith.constant 0 : i32
    %c0_i32_0 = arith.constant 0 : i32
    return %arg0, %c0_i32 : i32, i32
  }
  func.func @transform_1(%arg0: i32) -> (i32, i32, i32) {
    %c0_i32 = arith.constant 0 : i32
    %c0_i32_0 = arith.constant 0 : i32
    %c0_i32_1 = arith.constant 0 : i32
    return %c0_i32, %arg0, %c0_i32_0 : i32, i32, i32
  }
  func.func @transform_2(%arg0: i32) -> (i32, i32, i32) {
    %c0_i32 = arith.constant 0 : i32
    %c0_i32_0 = arith.constant 0 : i32
    %c0_i32_1 = arith.constant 0 : i32
    return %c0_i32, %arg0, %c0_i32_0 : i32, i32, i32
  }
  func.func @transform_3(%arg0: i32) -> (i32, i32) {
    %c0_i32 = arith.constant 0 : i32
    %c0_i32_0 = arith.constant 0 : i32
    %c0_i32_1 = arith.constant 0 : i32
    return %c0_i32, %c0_i32_0 : i32, i32
  }
  func.func @transform_4(%arg0: i32) -> (i32, i32) {
    %c0_i32 = arith.constant 0 : i32
    %c0_i32_0 = arith.constant 0 : i32
    %c0_i32_1 = arith.constant 0 : i32
    return %c0_i32, %c0_i32_0 : i32, i32
  }
  func.func @transform_5(%arg0: i32) -> (i32, i32) {
    %c0_i32 = arith.constant 0 : i32
    %c0_i32_0 = arith.constant 0 : i32
    %c0_i32_1 = arith.constant 0 : i32
    return %c0_i32, %c0_i32_0 : i32, i32
  }
}

</mosaic_0001>

<sc_bundles>
// kernel: sc_agg.3.cloned.1.call-start
scs
__scs_entry_jumppad:
0x0: {  	(pc) =	sbr.rel $0x88, $3  }
0x1: {  	(tag) =	ssettag $0x0;
	lr =	simm.s32 $0x1  }
0x2: {  	[smem:$0x3F99] =	sst lr;
	_ =	strace $0xD0000000  }
0x3: {  	_ = 	snop  }
0x4: {  	_ = 	snop  }
0x5: {  	_ = 	snop  }
0x6: {  	_ = 	snop  }
0x7: {  	_ = 	snop  }
__scs_overlays_trampoline_lowered:
0x8: {  	[smem:$0x3FA8] =	sst s0  }
0x9: {  	[smem:$0x3FA9] =	sst s1  }
0xa: {  	[smem:$0x3FAA] =	sst s2  }
0xb: {  	[smem:$0x3FAB] =	sst s3  }
0xc: {  	[smem:$0x3FAC] =	sst s4  }
0xd: {  	[smem:$0x3FAD] =	sst s5  }
0xe: {  	[smem:$0x3FAE] =	sst s6  }
0xf: {  	[smem:$0x3FAF] =	sst s7  }
0x10: {  	[smem:$0x3FB0] =	sst s8  }
0x11: {  	[smem:$0x3FB1] =	sst s9;
	s0 =	simm.s32 @!p0 $0x0  }
0x12: {  	s1 =	sld [smem:$0x3F97];
	s0 =	simm.s32 @p0 $0x1  }
0x13: {  	[smem:$0x3FB2] =	sst s0;
	s0 =	simm.s32 @!p1 $0x0  }
0x14: {  	s2 =	sld [smem:$0x3F96];
	s0 =	simm.s32 @p1 $0x1  }
0x15: {  	[smem:$0x3FB3] =	sst s0;
	s0 =	simm.s32 @!p2 $0x0  }
0x16: {  	s3 =	sld [smem:$0x3FDB];
	s0 =	simm.s32 @p2 $0x1  }
0x17: {  	s4 =	simm.s32 $0x1BF5;
	[smem:$0x3FB5] =	sst s0  }
0x18: {  	s0 =	sld [smem:$0x3F98];
	_ =	swait.ge [sflag:s4], $0x0  }
0x19: {  	s7 =	sld [smem:$0x3F99]  }
0x1a: {  	s8 =	sadd.s32 $0xFFFFE003, lr  }
0x1b: {  	s9 =	sadd.s32 $0xFFFFFEF7, lr;
	s5 =	simm.s32 $0xFFFFFFFF;
	p2 =	slt.u32 s8, $0xFFFFF086  }
0x1c: {  	p1 =	slt.u32 s9, $0xF7A;
	s5 =	simm.s32 @!p2 $0x0  }
0x1d: {  	s5 =	simm.s32 @p1 $0x1;
	p0 =	seq.s32 s7, s2  }
0x1e: {  	s7 =	smul.u32 @!p0 $0xF7A, s2;
	p2 =	seq.s32 @!p0 s5, $0x0  }
0x1f: {  	s9 =	smul.u32 $0xF7A, s1;
	s8 =	simm.s32 @!p0 $0x1BF5;
	p2 =	por !p2, p0  }
0x20: {  	[sflag:s8] =	ssyncset.s32 @!p0 $0xFFFFF086;
	s6 =	sadd.s32 @!p0 s3, s7;
	s7 =	simm.s32 @!p0 $0x108  }
0x21: {  	s3 =	sadd.s32 s3, s9;
	s6 =	sadd.s32 @!p0 $0x88, s6;
	s7 =	simm.s32 @p2 $0x1082  }
0x22: {  	[simem:s7], [sflag:s8] =	dma.local @!p0 [hbm:s6], $0xF7A  }
0x23: {  	s9 =	sor.u32 $0xD0000000, s2;
	s6 =	simm.s32 $0x108;
	_ =	swait.ge @!p0 [sflag:s8], $0x0  }
0x24: {  	s3 =	sadd.s32 $0x88, s3;
	s6 =	simm.s32 @!p1 $0x1082;
	[sflag:s4] =	ssyncset.s32 $0xFFFFF086  }
0x25: {  	[simem:s6], [sflag:s4] =	dma.local [hbm:s3], $0xF7A  }
0x26: {  	[smem:$0x3F99] =	sst s1;
	(tag) =	ssettag s2;
	_ =	strace s9  }
0x27: {  	s1 =	sld [smem:$0x3FA9]  }
0x28: {  	s2 =	sld [smem:$0x3FAA]  }
0x29: {  	s4 =	sld [smem:$0x3FAC]  }
0x2a: {  	p0 =	seq.s32 s5, $0x0;
	s5 =	sld [smem:$0x3FAD]  }
0x2b: {  	s6 =	sld [smem:$0x3FAE]  }
0x2c: {  	s7 =	sld [smem:$0x3FAF]  }
0x2d: {  	s3 =	simm.s32 $0x108;
	s8 =	sld [smem:$0x3FB0]  }
0x2e: {  	s3 =	simm.s32 @!p0 $0x1082;
	s9 =	sld [smem:$0x3FB1]  }
0x2f: {  	lr =	sadd.s32 s0, s3;
	s0 =	sld [smem:$0x3FA8]  }
0x30: {  	s3 =	sld [smem:$0x3FAB]  }
0x31: {  	[smem:$0x3FB4] =	sst s10  }
0x32: {  	s10 =	sld [smem:$0x3FB2];
	_ =	sdelay $0x3  }
0x33: {  	p0 =	seq.s32 s10, $0x1;
	s10 =	sld [smem:$0x3FB4];
	_ =	sdelay $0x3  }
0x34: {  	[smem:$0x3FB4] =	sst s10  }
0x35: {  	s10 =	sld [smem:$0x3FB3];
	_ =	sdelay $0x3  }
0x36: {  	p1 =	seq.s32 s10, $0x1;
	s10 =	sld [smem:$0x3FB4];
	_ =	sdelay $0x3  }
0x37: {  	[smem:$0x3FB4] =	sst s10  }
0x38: {  	s10 =	sld [smem:$0x3FB5]  }
0x39: {  	_ = 	snop;
	(pc) =	sbr.ind lr, $3  }
0x3a: {  	_ = 	snop  }
0x3b: {  	_ = 	snop  }
0x3c: {  	p2 =	seq.s32 s10, $0x1;
	s10 =	sld [smem:$0x3FB4]  }
0x3d: {  	_ =	shalt  }
0x3e: {  	_ =	shalt  }
0x3f: {  	_ =	shalt  }
0x40: {  	_ =	shalt  }
0x41: {  	_ =	shalt  }
0x42: {  	_ =	shalt  }
0x43: {  	_ =	shalt  }
0x44: {  	_ =	shalt  }
0x45: {  	_ =	shalt  }
0x46: {  	_ =	shalt  }
0x47: {  	_ =	shalt  }
0x48: {  	_ =	shalt  }
0x49: {  	_ =	shalt  }
0x4a: {  	_ =	shalt  }
0x4b: {  	_ =	shalt  }
0x4c: {  	_ =	shalt  }
0x4d: {  	_ =	shalt  }
0x4e: {  	_ =	shalt  }
0x4f: {  	_ =	shalt  }
0x50: {  	_ =	shalt  }
0x51: {  	_ =	shalt  }
0x52: {  	_ =	shalt  }
0x53: {  	_ =	shalt  }
0x54: {  	_ =	shalt  }
0x55: {  	_ =	shalt  }
0x56: {  	_ =	shalt  }
0x57: {  	_ =	shalt  }
0x58: {  	_ =	shalt  }
0x59: {  	_ =	shalt  }
0x5a: {  	_ =	shalt  }
0x5b: {  	_ =	shalt  }
0x5c: {  	_ =	shalt  }
0x5d: {  	_ =	shalt  }
0x5e: {  	_ =	shalt  }
0x5f: {  	_ =	shalt  }
0x60: {  	_ =	shalt  }
0x61: {  	_ =	shalt  }
0x62: {  	_ =	shalt  }
0x63: {  	_ =	shalt  }
0x64: {  	_ =	shalt  }
0x65: {  	_ =	shalt  }
0x66: {  	_ =	shalt  }
0x67: {  	_ =	shalt  }
0x68: {  	_ =	shalt  }
0x69: {  	_ =	shalt  }
0x6a: {  	_ =	shalt  }
0x6b: {  	_ =	shalt  }
0x6c: {  	_ =	shalt  }
0x6d: {  	_ =	shalt  }
0x6e: {  	_ =	shalt  }
0x6f: {  	_ =	shalt  }
0x70: {  	_ =	shalt  }
0x71: {  	_ =	shalt  }
0x72: {  	_ =	shalt  }
0x73: {  	_ =	shalt  }
0x74: {  	_ =	shalt  }
0x75: {  	_ =	shalt  }
0x76: {  	_ =	shalt  }
0x77: {  	_ =	shalt  }
0x78: {  	_ =	shalt  }
0x79: {  	_ =	shalt  }
0x7a: {  	_ =	shalt  }
0x7b: {  	_ =	shalt  }
0x7c: {  	_ =	shalt  }
0x7d: {  	_ =	shalt  }
0x7e: {  	_ =	shalt  }
0x7f: {  	_ =	shalt  }
0x80: {  	_ =	shalt  }
0x81: {  	_ =	shalt  }
0x82: {  	_ =	shalt  }
0x83: {  	_ =	shalt  }
0x84: {  	_ =	shalt  }
0x85: {  	_ =	shalt  }
0x86: {  	_ =	shalt  }
0x87: {  	_ =	shalt  }
.Lfunc_end0:
.L_simem_size_0:
called_computation.1_lowered:
.L_overlay_start_0:
0x88: {  	s2 =	sld [smem:$0x3FD9]  }
0x89: {  	s3 =	sld [smem:$0x3FFE];
	_ =	sdelay $0x1  }
0x8a: {  	s1 =	srdreg.scid  }
0x8b: {  	s0 =	sand.u32 $0x1, s1  }
0x8c: {  	s16 =	sshll.u32 s0, $0xA;
	s2 =	sadd.s32 s3, s2  }
0x8d: {  	s2 =	sadd.s32 s2, s16  }
0x8e: {  	[smem:$0x3FC0] =	sst s2  }
0x8f: {  	_ = 	snop  }
0x90: {  	(tm) =	ssettm $0x1  }
0x91: {  	s17 =	sld [smem:$0x3FFB];
	_ =	sdelay $0x3  }
0x92: {  	_ =	strace s17  }
0x93: {  	s2 =	sld [smem:$0x3FFC];
	_ =	sdelay $0x3  }
0x94: {  	_ =	strace s2  }
0x95: {  	s2 =	sld [smem:$0x3FFD];
	_ =	sdelay $0x3  }
0x96: {  	_ =	strace s2  }
0x97: {  	_ =	strace $0x8FFFFFFF  }
0x98: {  	s18 =	sld [smem:$0x3FDB];
	_ =	sdelay $0x1  }
0x99: {  	s19 =	simm.s32 $_scs_section_size  }
0x9a: {  	s4 =	simm.s32 $_size__tile_overlayer_lowered;
	s5 =	simm.s32 $_tile_overlayer_lowered  }
0x9b: {  	s22 =	simm.s32 $0x1BFF;
	s21 =	sshll.u32 s5, $0x1;
	s2 =	sadd.s32 s19, s18  }
0x9c: {  	s6 =	simm.s32 $0x0;
	s20 =	sshll.u32 s4, $0x1;
	s4 =	sadd.s32 s21, s2  }
0x9d: {  	[timem:s6], [sflag:s22] =	dma.local [hbm:s4], s20  }
0x9e: {  	_ =	swait.ge [sflag:s22], s20  }
0x9f: {  	s3 =	ssub.s32 $0x0, s20;
	[sflag:s22] =	ssyncset.done $0x0  }
0xa0: {  	[sflag:s22] =	ssyncadd.s32 s3;
	_ =	sdelay $0x1  }
0xa1: {  	s23 =	simm.s32 $0x1B8B  }
0xa2: {  	_ =	swait.ge [sflag:s23], $0x1  }
0xa3: {  	[sflag:s23] =	ssyncset.done $0x0  }
0xa4: {  	s25 =	simm.s32 $0x1B8E;
	s24 =	sld [smem:$0x3FFE];
	[sflag:s23] =	ssyncadd.s32 $0xFFFFFFFF  }
0xa5: {  	s26 =	simm.s32 $execute0_lowered;
	[smem:$0x3FD2] =	sst s25  }
0xa6: {  	s4 =	sshll.u32 s26, $0x1;
	_ =	strace $0x80000049;
	[dreg:$0x1] =	wrdreg $0xFFFFFFFF  }
0xa7: {  	s28 =	simm.s32 $_size_execute0_lowered;
	s2 =	sadd.s32 s2, s4;
	[dreg:$0x0] =	wrdreg $0x0  }
0xa8: {  	s4 =	sshll.u32 s28, $0x1;
	[dreg:$0x2] =	wrdreg s2  }
0xa9: {  	[dreg:$0x3] =	wrdreg s4  }
0xaa: {  	[dreg:$0x4] =	wrdreg $0xC0  }
0xab: {  	_ =	task [dreg:s6], $0x5FFFF  }
0xac: {  	[dreg:$0x1] =	wrdreg $0xFFFFFFFF  }
0xad: {  	[dreg:$0x0] =	wrdreg $0x60  }
0xae: {  	[dreg:$0x2] =	wrdreg s24  }
0xaf: {  	[dreg:$0x3] =	wrdreg $0x120000  }
0xb0: {  	[dreg:$0x4] =	wrdreg $0x9  }
0xb1: {  	_ =	task.clear_ibuf [dreg:s6], $0x5FFFF;
	_ =	strace $0x90000049  }
0xb2: {  	s29 =	simm.s32 $0x9;
	_ =	strace $0x8000004B  }
0xb3: {  	_ =	swait.ge [sflag:s29], $0x1  }
0xb4: {  	[sflag:s29] =	ssyncadd.s32 $0xFFFFFFFF  }
0xb5: {  	_ =	strace $0x9000004B  }
0xb6: {  	_ =	sfence  }
0xb7: {  	s30 =	sld [smem:$0x0];
	_ =	sdelay $0x2  }
0xb8: {  	s31 =	sshll.u32 s1, $0xD;
	s1 =	sshrl.u32 s1, $0x2  }
0xb9: {  	s3 =	sand.u32 $0x4000, s31;
	s1 =	sadd.s32 s1, s30  }
0xba: {  	s0 =	sor.u32 s3, s0;
	s1 =	sshll.u32 s1, $0x11  }
0xbb: {  	s0 =	sor.u32 s1, s0  }
0xbc: {  	s0 =	sadd.s32 $0x8F2B, s0  }
0xbd: {  	[sflag:s0] =	ssyncadd.remote.s32 $0x1  }
0xbe: {  	_ =	sfence.sel $0xFFFF  }
0xbf: {  	[dreg:$0x0] =	wrdreg $0xFFFFFFFF;
	(pc) =	sbr.abs _section_cstart, $3  }
0xc0: {  	[dreg:$0x1] =	wrdreg $0xFFFFFFFF  }
0xc1: {  	_ =	task.clear_ibuf [dreg:s6], $0x2FFFF;
	_ =	strace $0x9FFFFFFF  }
0xc2: {  	(tm) =	ssettm $0x7FFFFFFF  }
0xc3: {  	_ =	shalt  }
tec
execute0_lowered:
.L_overlay_start_1:
0x0: {  	(tag) =	ssettag $0x1  }
0x1: {  	s0 =	rddreg [dreg:$0x0]  }
0x2: {  	s2 =	rddreg [dreg:$0x1];
	s3 =	simm.s32 $0x0;
	s10 =	stileid.u32  }
0x3: {  	s1 =	srdreg.scid;
	s25 =	simm.s32 $0x1;
	s5 =	smul.u32 $0xA00, s10  }
0x4: {  	s29 =	simm.s32 $0xE000;
	s30 =	simm.s32 $0x0;
	s7 =	smul.u32 $0x14000, s10  }
0x5: {  	[smem:$0x7FF] =	sst s3;
	s1 =	sand.u32 $0x1, s1;
	s19 =	smul.u32 $0x280, s10  }
0x6: {  	s4 =	sadd.s32 $0x2A00, s0;
	_ =	strace $0x8000004A;
	s20 =	smul.u32 $0x2800, s1  }
0x7: {  	s6 =	ssub.s32 $0x2, s1;
	s1 =	smul.u32 $0x2710, s1;
	s8 =	sadd.s32 s5, s0  }
0x8: {  	s0 =	sadd.s32 $0x2A400, s0;
	s26 =	sshrl.u32 s6, $0x1;
	s28 =	sshrl.u32 s7, $0x2  }
0x9: {  	s14 =	sadd.s32 $0x80, s19;
	s16 =	sadd.s32 $0x100, s19;
	s21 =	sadd.s32 $0x180, s19  }
0xa: {  	s9 =	ssub.s32 s6, s26;
	s5 =	sadd.s32 s28, s2;
	s6 =	sadd.s32 $0x20400, s8  }
0xb: {  	s7 =	sadd.s32 $0x16400, s8;
	s12 =	sadd.s32 s20, s19;
	s15 =	sadd.s32 s20, s14  }
0xc: {  	s14 =	sshll.u32 s14, $0x5;
	s17 =	sadd.s32 s20, s16;
	s16 =	sshll.u32 s16, $0x5  }
0xd: {  	s18 =	sshll.u32 s21, $0x5;
	s21 =	sadd.s32 s20, s21;
	s19 =	sadd.s32 $0x200, s19  }
0xe: {  	s26 =	simm.s32 $0x200;
	s8 =	smax.u32 s9, $0x1;
	s9 =	sadd.s32 $0x1000, s5  }
0xf: {  	s10 =	sadd.s32 $0x2000, s5;
	s11 =	sadd.s32 $0x3000, s5;
	s13 =	sshll.u32 s12, $0x2  }
0x10: {  	s12 =	sadd.s32 $0x4000, s5;
	s15 =	sshll.u32 s15, $0x2;
	s14 =	sadd.s32 s14, s2  }
0x11: {  	s17 =	sshll.u32 s17, $0x2;
	s16 =	sadd.s32 s16, s2;
	s18 =	sadd.s32 s18, s2  }
0x12: {  	s21 =	sshll.u32 s21, $0x2;
	s22 =	sshll.u32 s19, $0x5;
	s23 =	sadd.s32 s20, s19  }
0x13: {  	s13 =	sadd.s32 s0, s13;
	s15 =	sadd.s32 s0, s15;
	s17 =	sadd.s32 s0, s17  }
0x14: {  	s19 =	sadd.s32 s0, s21;
	s20 =	sadd.s32 s22, s2;
	s31 =	sshll.u32 s23, $0x2  }
0x15: {  	v1 =	vimm.bf16 $0.0e+00;
	v0 =	vmov s1;
	s22 =	simm.s32 $0xA000;
	s23 =	simm.s32 $0x2;
	s21 =	sadd.s32 s0, s31  }
.LBB2_1:
0x16: {  	s0 =	simm.s32 $0x80;
	s1 =	simm.s32 $0x0  }
.LBB2_2:
0x17: {  	p0 =	sne.s32 s0, $0x3F80;
	[tilespmem:s1+$0xA000] =	vst v1;
	s31 =	smov.u32 s0;
	s0 =	sadd.s32 $0x80, s0  }
.Ltmp0:
0x18: {  	[tilespmem:s1+$0xA010] =	vst v1;
	(pc) =	sbr.rel @p0 .LBB2_2-.Ltmp0, $2  }
0x19: {  	_ =	sdelay $0x2  }
0x1a: {  	s1 =	sshra.s32 s31, $0x2  }
0x1b: {  	[tilespmem:s1+$0xA000] =	vst v1  }
0x1c: {  	[tilespmem:s1+$0xA010] =	vst v1  }
0x1d: {  	[spmem:s5] =	stream.linear.scatter [tilespmem:s22], [sflag:$0x2], $0x1000, $0x38;
	[tilespmem:$0x17000] =	vst v63  }
0x1e: {  	_ =	swait.ge [sflag:s23], $0x1000  }
0x1f: {  	[sflag:s23] =	ssyncset.done $0x0  }
0x20: {  	[sflag:s23] =	ssyncadd.s32 $0xFFFFF000  }
0x21: {  	[spmem:s9] =	stream.linear.scatter [tilespmem:s22], [sflag:$0x2], $0x1000, $0x38;
	[tilespmem:$0x17000] =	vst v63  }
0x22: {  	_ =	swait.ge [sflag:s23], $0x1000  }
0x23: {  	[sflag:s23] =	ssyncset.done $0x0  }
0x24: {  	[sflag:s23] =	ssyncadd.s32 $0xFFFFF000  }
0x25: {  	[spmem:s10] =	stream.linear.scatter [tilespmem:s22], [sflag:$0x2], $0x1000, $0x38;
	[tilespmem:$0x17000] =	vst v63  }
0x26: {  	_ =	swait.ge [sflag:s23], $0x1000  }
0x27: {  	[sflag:s23] =	ssyncset.done $0x0  }
0x28: {  	[sflag:s23] =	ssyncadd.s32 $0xFFFFF000  }
0x29: {  	[spmem:s11] =	stream.linear.scatter [tilespmem:s22], [sflag:$0x2], $0x1000, $0x38;
	[tilespmem:$0x17000] =	vst v63  }
0x2a: {  	_ =	swait.ge [sflag:s23], $0x1000  }
0x2b: {  	[sflag:s23] =	ssyncset.done $0x0  }
0x2c: {  	[sflag:s23] =	ssyncadd.s32 $0xFFFFF000  }
0x2d: {  	[spmem:s12] =	stream.linear.scatter [tilespmem:s22], [sflag:$0x2], $0x1000, $0x38;
	[tilespmem:$0x17000] =	vst v63  }
0x2e: {  	_ =	swait.ge [sflag:s23], $0x1000  }
0x2f: {  	[sflag:s23] =	ssyncset.done $0x0  }
0x30: {  	s0 =	simm.s32 $0x0;
	[sflag:s23] =	ssyncadd.s32 $0xFFFFF000  }
0x31: {  	[tilespmem:s0], [sflag:$0x2] =	stream.linear.gather [hbm4b:s6+s0], $0x5000, $0x38;
	[tilespmem:$0x17000] =	vst v63  }
0x32: {  	_ =	swait.ge [sflag:s23], $0x5000  }
0x33: {  	[sflag:s23] =	ssyncset.done $0x0  }
0x34: {  	s28 =	simm.s32 $0x5000;
	[sflag:s23] =	ssyncadd.s32 $0xFFFFB000  }
0x35: {  	[tilespmem:s28], [sflag:$0x2] =	stream.linear.gather [hbm4b:s7+s0], $0x5000, $0x38;
	[tilespmem:$0x17000] =	vst v63  }
0x36: {  	_ =	swait.ge [sflag:s23], $0x5000  }
0x37: {  	[sflag:s23] =	ssyncset.done $0x0  }
0x38: {  	s31 =	simm.s32 $0x0;
	[sflag:s23] =	ssyncadd.s32 $0xFFFFB000  }
0x39: {  	v2 =	vld [tilespmem:s31+$0x0]  }
0x3a: {  	v3 =	vld [tilespmem:s31+$0x10]  }
0x3b: {  	v4 =	vld [tilespmem:s31+$0x20]  }
0x3c: {  	v5 =	vld [tilespmem:s31+$0x30]  }
0x3d: {  	v6 =	vld [tilespmem:s31+$0x40]  }
0x3e: {  	v7 =	vld [tilespmem:s31+$0x50];
	v2 =	vadd.s32 v0, v2  }
0x3f: {  	[tilespmem:s31+$0x0] =	vst v2;
	v2 =	vadd.s32 v0, v3;
	v3 =	vld [tilespmem:s31+$0x60]  }
0x40: {  	[tilespmem:s31+$0x10] =	vst v2;
	v2 =	vadd.s32 v0, v4;
	v4 =	vld [tilespmem:s31+$0x70]  }
0x41: {  	[tilespmem:s31+$0x20] =	vst v2;
	v2 =	vadd.s32 v0, v5;
	v5 =	vld [tilespmem:s31+$0x80]  }
0x42: {  	[tilespmem:s31+$0x30] =	vst v2;
	v2 =	vadd.s32 v0, v6;
	v6 =	vld [tilespmem:s31+$0x90]  }
0x43: {  	[tilespmem:s31+$0x40] =	vst v2;
	v2 =	vadd.s32 v0, v7;
	v7 =	vld [tilespmem:s31+$0xA0]  }
0x44: {  	[tilespmem:s31+$0x50] =	vst v2;
	v2 =	vadd.s32 v0, v3;
	v3 =	vld [tilespmem:s31+$0xB0]  }
0x45: {  	[tilespmem:s31+$0x60] =	vst v2;
	v2 =	vadd.s32 v0, v4;
	v4 =	vld [tilespmem:s31+$0xC0]  }
0x46: {  	[tilespmem:s31+$0x70] =	vst v2;
	v2 =	vadd.s32 v0, v5;
	v5 =	vld [tilespmem:s31+$0xD0]  }
0x47: {  	[tilespmem:s31+$0x80] =	vst v2;
	v2 =	vadd.s32 v0, v6;
	v6 =	vld [tilespmem:s31+$0xE0]  }
0x48: {  	[tilespmem:s31+$0x90] =	vst v2;
	v2 =	vadd.s32 v0, v7;
	v7 =	vld [tilespmem:s31+$0xF0]  }
0x49: {  	[tilespmem:s31+$0xA0] =	vst v2;
	v2 =	vadd.s32 v0, v3;
	v3 =	vld [tilespmem:s31+$0x100]  }
0x4a: {  	[tilespmem:s31+$0xB0] =	vst v2;
	v2 =	vadd.s32 v0, v4;
	v4 =	vld [tilespmem:s31+$0x110]  }
0x4b: {  	[tilespmem:s31+$0xC0] =	vst v2;
	v2 =	vadd.s32 v0, v5;
	v5 =	vld [tilespmem:s31+$0x120]  }
0x4c: {  	[tilespmem:s31+$0xD0] =	vst v2;
	v2 =	vadd.s32 v0, v6;
	v6 =	vld [tilespmem:s31+$0x130]  }
0x4d: {  	[tilespmem:s31+$0xE0] =	vst v2;
	v2 =	vadd.s32 v0, v7;
	v7 =	vld [tilespmem:s31+$0x140]  }
0x4e: {  	[tilespmem:s31+$0xF0] =	vst v2;
	v2 =	vadd.s32 v0, v3;
	v3 =	vld [tilespmem:s31+$0x150]  }
0x4f: {  	[tilespmem:s31+$0x100] =	vst v2;
	v2 =	vadd.s32 v0, v4;
	v4 =	vld [tilespmem:s31+$0x160]  }
0x50: {  	[tilespmem:s31+$0x110] =	vst v2;
	v2 =	vadd.s32 v0, v5;
	v5 =	vld [tilespmem:s31+$0x170]  }
0x51: {  	[tilespmem:s31+$0x120] =	vst v2;
	v2 =	vadd.s32 v0, v6;
	v6 =	vld [tilespmem:s31+$0x180]  }
0x52: {  	[tilespmem:s31+$0x130] =	vst v2;
	v2 =	vadd.s32 v0, v7;
	v7 =	vld [tilespmem:s31+$0x190]  }
0x53: {  	[tilespmem:s31+$0x140] =	vst v2;
	v2 =	vadd.s32 v0, v3;
	v3 =	vld [tilespmem:s31+$0x1A0]  }
0x54: {  	[tilespmem:s31+$0x150] =	vst v2;
	v4 =	vadd.s32 v0, v4;
	v2 =	vld [tilespmem:s31+$0x1B0]  }
0x55: {  	[tilespmem:s31+$0x160] =	vst v4;
	v5 =	vadd.s32 v0, v5;
	v4 =	vld [tilespmem:s31+$0x1C0]  }
0x56: {  	[tilespmem:s31+$0x170] =	vst v5;
	v6 =	vadd.s32 v0, v6;
	v5 =	vld [tilespmem:s31+$0x1D0]  }
0x57: {  	s0 =	simm.s32 $0x800;
	[tilespmem:s31+$0x180] =	vst v6;
	v7 =	vadd.s32 v0, v7;
	v6 =	vld [tilespmem:s31+$0x1E0]  }
.LBB2_4:
0x58: {  	s1 =	sshra.s32 s0, $0x2;
	p0 =	sne.s32 s0, $0x13800;
	[tilespmem:s31+$0x190] =	vst v7;
	v3 =	vadd.s32 v0, v3;
	v7 =	vld [tilespmem:s31+$0x1F0]  }
0x59: {  	v8 =	vld [tilespmem:s1+$0x0];
	[tilespmem:s31+$0x1A0] =	vst v3;
	v2 =	vadd.s32 v0, v2  }
0x5a: {  	v3 =	vld [tilespmem:s1+$0x10];
	[tilespmem:s31+$0x1B0] =	vst v2;
	v2 =	vadd.s32 v0, v4  }
0x5b: {  	v4 =	vld [tilespmem:s1+$0x20];
	[tilespmem:s31+$0x1C0] =	vst v2;
	v2 =	vadd.s32 v0, v5  }
0x5c: {  	v5 =	vld [tilespmem:s1+$0x30];
	[tilespmem:s31+$0x1D0] =	vst v2;
	v2 =	vadd.s32 v0, v6  }
0x5d: {  	v6 =	vld [tilespmem:s1+$0x40];
	[tilespmem:s31+$0x1E0] =	vst v2;
	v2 =	vadd.s32 v0, v7  }
0x5e: {  	v7 =	vadd.s32 v0, v8;
	v8 =	vld [tilespmem:s1+$0x50];
	[tilespmem:s31+$0x1F0] =	vst v2;
	s31 =	smov.u32 s1  }
0x5f: {  	[tilespmem:s31+$0x0] =	vst v7;
	v2 =	vadd.s32 v0, v3;
	v3 =	vld [tilespmem:s31+$0x60]  }
0x60: {  	[tilespmem:s31+$0x10] =	vst v2;
	v2 =	vadd.s32 v0, v4;
	v4 =	vld [tilespmem:s31+$0x70]  }
0x61: {  	[tilespmem:s31+$0x20] =	vst v2;
	v2 =	vadd.s32 v0, v5;
	v5 =	vld [tilespmem:s31+$0x80]  }
0x62: {  	[tilespmem:s31+$0x30] =	vst v2;
	v2 =	vadd.s32 v0, v6;
	v6 =	vld [tilespmem:s31+$0x90]  }
0x63: {  	[tilespmem:s31+$0x40] =	vst v2;
	v2 =	vadd.s32 v0, v8;
	v7 =	vld [tilespmem:s31+$0xA0]  }
0x64: {  	[tilespmem:s31+$0x50] =	vst v2;
	v2 =	vadd.s32 v0, v3;
	v3 =	vld [tilespmem:s31+$0xB0]  }
0x65: {  	[tilespmem:s31+$0x60] =	vst v2;
	v2 =	vadd.s32 v0, v4;
	v4 =	vld [tilespmem:s31+$0xC0]  }
0x66: {  	[tilespmem:s31+$0x70] =	vst v2;
	v2 =	vadd.s32 v0, v5;
	v5 =	vld [tilespmem:s31+$0xD0]  }
0x67: {  	[tilespmem:s31+$0x80] =	vst v2;
	v2 =	vadd.s32 v0, v6;
	v6 =	vld [tilespmem:s31+$0xE0]  }
0x68: {  	[tilespmem:s31+$0x90] =	vst v2;
	v2 =	vadd.s32 v0, v7;
	v7 =	vld [tilespmem:s31+$0xF0]  }
0x69: {  	[tilespmem:s31+$0xA0] =	vst v2;
	v2 =	vadd.s32 v0, v3;
	v3 =	vld [tilespmem:s31+$0x100]  }
0x6a: {  	[tilespmem:s31+$0xB0] =	vst v2;
	v2 =	vadd.s32 v0, v4;
	v4 =	vld [tilespmem:s31+$0x110]  }
0x6b: {  	[tilespmem:s31+$0xC0] =	vst v2;
	v2 =	vadd.s32 v0, v5;
	v5 =	vld [tilespmem:s31+$0x120]  }
0x6c: {  	[tilespmem:s31+$0xD0] =	vst v2;
	v2 =	vadd.s32 v0, v6;
	v6 =	vld [tilespmem:s31+$0x130]  }
0x6d: {  	[tilespmem:s31+$0xE0] =	vst v2;
	v2 =	vadd.s32 v0, v7;
	v7 =	vld [tilespmem:s31+$0x140]  }
0x6e: {  	[tilespmem:s31+$0xF0] =	vst v2;
	v2 =	vadd.s32 v0, v3;
	v3 =	vld [tilespmem:s31+$0x150]  }
0x6f: {  	[tilespmem:s31+$0x100] =	vst v2;
	v2 =	vadd.s32 v0, v4;
	v4 =	vld [tilespmem:s31+$0x160]  }
0x70: {  	[tilespmem:s31+$0x110] =	vst v2;
	v2 =	vadd.s32 v0, v5;
	v5 =	vld [tilespmem:s31+$0x170]  }
0x71: {  	[tilespmem:s31+$0x120] =	vst v2;
	v2 =	vadd.s32 v0, v6;
	v6 =	vld [tilespmem:s31+$0x180]  }
0x72: {  	[tilespmem:s31+$0x130] =	vst v2;
	v2 =	vadd.s32 v0, v7;
	v7 =	vld [tilespmem:s31+$0x190]  }
.Ltmp1:
0x73: {  	[tilespmem:s31+$0x140] =	vst v2;
	v2 =	vadd.s32 v0, v3;
	v3 =	vld [tilespmem:s31+$0x1A0];
	(pc) =	sbr.rel @p0 .LBB2_4-.Ltmp1, $4  }
0x74: {  	[tilespmem:s31+$0x150] =	vst v2;
	v4 =	vadd.s32 v0, v4;
	v2 =	vld [tilespmem:s31+$0x1B0]  }
0x75: {  	[tilespmem:s31+$0x160] =	vst v4;
	v5 =	vadd.s32 v0, v5;
	v4 =	vld [tilespmem:s31+$0x1C0]  }
0x76: {  	[tilespmem:s31+$0x170] =	vst v5;
	v6 =	vadd.s32 v0, v6;
	v5 =	vld [tilespmem:s31+$0x1D0]  }
0x77: {  	s0 =	sadd.s32 $0x800, s0;
	[tilespmem:s31+$0x180] =	vst v6;
	v7 =	vadd.s32 v0, v7;
	v6 =	vld [tilespmem:s31+$0x1E0]  }
0x78: {  	[tilespmem:s31+$0x190] =	vst v7;
	v3 =	vadd.s32 v0, v3;
	v63 =	vld [tilespmem:s31+$0x1F0]  }
0x79: {  	[tilespmem:s31+$0x1A0] =	vst v3;
	v2 =	vadd.s32 v0, v2  }
0x7a: {  	[tilespmem:s31+$0x1B0] =	vst v2;
	v2 =	vadd.s32 v0, v4  }
0x7b: {  	[tilespmem:s31+$0x1C0] =	vst v2;
	v2 =	vadd.s32 v0, v5  }
0x7c: {  	[tilespmem:s31+$0x1D0] =	vst v2;
	v2 =	vadd.s32 v0, v6  }
0x7d: {  	[tilespmem:s31+$0x1E0] =	vst v2;
	v2 =	vadd.s32 v0, v63  }
0x7e: {  	[tilespmem:s31+$0x1F0] =	vst v2  }
0x7f: {  	s0 =	simm.s32 $0x200;
	s1 =	simm.s32 $0x10000;
	[bflag:$0x0] =	sbarrier.arrive $0xFFFF  }
0x80: {  	[tilespmem:s22], [sflag:$0x1] =	stream.indirect.gather [hbm4b:s4+s0], $0x20, s3, s0, $0xb8;
	[tilespmem:$0x17000] =	vst v63  }
0x81: {  	s1 =	sand.u32 $0x10000, s1;
	s31 =	simm.s32 $0x0;
	_ =	swait.ge [sflag:s25], $0x4000  }
0x82: {  	s1 =	sshrl.u32 s1, $0x2;
	s31 =	sand.u32 $0x10000, s31;
	[sflag:s25] =	ssyncset.done $0x0  }
0x83: {  	s1 =	sor.u32 $0xA000, s1;
	s28 =	sshrl.u32 s31, $0x2;
	[sflag:s25] =	ssyncadd.s32 $0xFFFFC000  }
0x84: {  	[tilespmem:s1], [sflag:$0x1] =	stream.indirect.gather [hbm4b:s4+s26], $0x20, s0, s26, $0xb8;
	[tilespmem:$0x17000] =	vst v63  }
0x85: {  	s31 =	simm.s32 $0x5000;
	s1 =	sor.u32 $0xA000, s28  }
0x86: {  	[spmem:s2] =	stream.indirect.scatter.add.bf16 [tilespmem:s1], [sflag:$0x2], $0x20, s31, s26, $0xb8;
	[tilespmem:$0x17000] =	vst v63  }
0x87: {  	s1 =	simm.s32 $0x20000;
	_ =	swait.ge [sflag:s23], $0x4000  }
.LBB2_6:
0x88: {  	[sflag:s23] =	ssyncset.done $0x0  }
0x89: {  	s31 =	sadd.s32 $0x200, s31;
	s0 =	sadd.s32 $0x200, s0;
	s24 =	smov.u32 s1  }
0x8a: {  	p0 =	sne.s32 s1, $0x270000;
	s1 =	sadd.s32 $0x10000, s1;
	[sflag:s23] =	ssyncadd.s32 $0xFFFFC000  }
0x8b: {  	s28 =	sand.u32 $0x10000, s24;
	_ =	swait.ge [sflag:s25], $0x4000  }
0x8c: {  	s24 =	sadd.s32 $0xFFFF0000, s24;
	s28 =	sshrl.u32 s28, $0x2;
	[sflag:s25] =	ssyncset.done $0x0  }
0x8d: {  	s24 =	sand.u32 $0x10000, s24;
	s28 =	sor.u32 $0xA000, s28;
	[sflag:s25] =	ssyncadd.s32 $0xFFFFC000  }
0x8e: {  	[tilespmem:s28], [sflag:$0x1] =	stream.indirect.gather [hbm4b:s4+s26], $0x20, s0, s26, $0xb8;
	[tilespmem:$0x17000] =	vst v63  }
.Ltmp2:
0x8f: {  	_ = 	snop;
	(pc) =	sbr.rel @p0 .LBB2_6-.Ltmp2, $4  }
0x90: {  	s24 =	sshrl.u32 s24, $0x2  }
0x91: {  	s24 =	sor.u32 $0xA000, s24  }
0x92: {  	[spmem:s2] =	stream.indirect.scatter.add.bf16 [tilespmem:s24], [sflag:$0x2], $0x20, s31, s26, $0xb8;
	[tilespmem:$0x17000] =	vst v63  }
0x93: {  	_ =	swait.ge [sflag:s23], $0x4000  }
0x94: {  	[sflag:s23] =	ssyncset.done $0x0  }
0x95: {  	[sflag:s23] =	ssyncadd.s32 $0xFFFFC000  }
0x96: {  	_ =	swait.ge [sflag:s25], $0x4000  }
0x97: {  	[sflag:s25] =	ssyncset.done $0x0  }
0x98: {  	s0 =	simm.s32 $0x9E00;
	[sflag:s25] =	ssyncadd.s32 $0xFFFFC000  }
0x99: {  	[spmem:s2] =	stream.indirect.scatter.add.bf16 [tilespmem:s29], [sflag:$0x2], $0x20, s0, s26, $0xb8;
	[tilespmem:$0x17000] =	vst v63  }
0x9a: {  	_ =	swait.ge [sflag:s23], $0x4000  }
0x9b: {  	[sflag:s23] =	ssyncset.done $0x0  }
0x9c: {  	[sflag:s23] =	ssyncadd.s32 $0xFFFFC000  }
0x9d: {  	[bflag:$0x0] =	sbarrier.arrive $0xFFFF  }
0x9e: {  	[tilespmem:s22], [sflag:$0x2] =	stream.linear.gather [spmem:s5], $0x1000, $0x38;
	[tilespmem:$0x17000] =	vst v63  }
0x9f: {  	_ =	swait.ge [sflag:s23], $0x1000  }
0xa0: {  	[sflag:s23] =	ssyncset.done $0x0  }
0xa1: {  	[sflag:s23] =	ssyncadd.s32 $0xFFFFF000  }
0xa2: {  	[hbm4b:s13+s3] =	stream.linear.scatter [tilespmem:s22], [sflag:$0x2], $0x1000, $0x38;
	[tilespmem:$0x17000] =	vst v63  }
0xa3: {  	_ =	swait.ge [sflag:s23], $0x1000  }
0xa4: {  	[sflag:s23] =	ssyncset.done $0x0  }
0xa5: {  	[sflag:s23] =	ssyncadd.s32 $0xFFFFF000  }
0xa6: {  	[tilespmem:s22], [sflag:$0x2] =	stream.linear.gather [spmem:s14], $0x1000, $0x38;
	[tilespmem:$0x17000] =	vst v63  }
0xa7: {  	_ =	swait.ge [sflag:s23], $0x1000  }
0xa8: {  	[sflag:s23] =	ssyncset.done $0x0  }
0xa9: {  	[sflag:s23] =	ssyncadd.s32 $0xFFFFF000  }
0xaa: {  	[hbm4b:s15+s3] =	stream.linear.scatter [tilespmem:s22], [sflag:$0x2], $0x1000, $0x38;
	[tilespmem:$0x17000] =	vst v63  }
0xab: {  	_ =	swait.ge [sflag:s23], $0x1000  }
0xac: {  	[sflag:s23] =	ssyncset.done $0x0  }
0xad: {  	[sflag:s23] =	ssyncadd.s32 $0xFFFFF000  }
0xae: {  	[tilespmem:s22], [sflag:$0x2] =	stream.linear.gather [spmem:s16], $0x1000, $0x38;
	[tilespmem:$0x17000] =	vst v63  }
0xaf: {  	_ =	swait.ge [sflag:s23], $0x1000  }
0xb0: {  	[sflag:s23] =	ssyncset.done $0x0  }
0xb1: {  	[sflag:s23] =	ssyncadd.s32 $0xFFFFF000  }
0xb2: {  	[hbm4b:s17+s3] =	stream.linear.scatter [tilespmem:s22], [sflag:$0x2], $0x1000, $0x38;
	[tilespmem:$0x17000] =	vst v63  }
0xb3: {  	_ =	swait.ge [sflag:s23], $0x1000  }
0xb4: {  	[sflag:s23] =	ssyncset.done $0x0  }
0xb5: {  	[sflag:s23] =	ssyncadd.s32 $0xFFFFF000  }
0xb6: {  	[tilespmem:s22], [sflag:$0x2] =	stream.linear.gather [spmem:s18], $0x1000, $0x38;
	[tilespmem:$0x17000] =	vst v63  }
0xb7: {  	_ =	swait.ge [sflag:s23], $0x1000  }
0xb8: {  	[sflag:s23] =	ssyncset.done $0x0  }
0xb9: {  	[sflag:s23] =	ssyncadd.s32 $0xFFFFF000  }
0xba: {  	[hbm4b:s19+s3] =	stream.linear.scatter [tilespmem:s22], [sflag:$0x2], $0x1000, $0x38;
	[tilespmem:$0x17000] =	vst v63  }
0xbb: {  	_ =	swait.ge [sflag:s23], $0x1000  }
0xbc: {  	[sflag:s23] =	ssyncset.done $0x0  }
0xbd: {  	[sflag:s23] =	ssyncadd.s32 $0xFFFFF000  }
0xbe: {  	[tilespmem:s22], [sflag:$0x2] =	stream.linear.gather [spmem:s20], $0x1000, $0x38;
	[tilespmem:$0x17000] =	vst v63  }
0xbf: {  	s30 =	sadd.s32 $0x1, s30;
	_ =	swait.ge [sflag:s23], $0x1000  }
0xc0: {  	p0 =	sne.s32 s30, s8;
	[sflag:s23] =	ssyncset.done $0x0  }
.Ltmp3:
0xc1: {  	[sflag:s23] =	ssyncadd.s32 $0xFFFFF000;
	(pc) =	sbr.rel @p0 .LBB2_1-.Ltmp3, $4  }
0xc2: {  	[hbm4b:s21+s3] =	stream.linear.scatter [tilespmem:s22], [sflag:$0x2], $0x1000, $0x38;
	[tilespmem:$0x17000] =	vst v63  }
0xc3: {  	_ =	swait.ge [sflag:s23], $0x1000  }
0xc4: {  	[sflag:s23] =	ssyncset.done $0x0  }
0xc5: {  	[sflag:s23] =	ssyncadd.s32 $0xFFFFF000  }
0xc6: {  	_ =	sfence.sel $0x180000  }
0xc7: {  	[bflag:$0x0] =	sbarrier.arrive $0xFFFF  }
0xc8: {  	_ =	strace $0x9000004A  }
0xc9: {  	s0 =	stileid.u32;
	[bflag:$0x2] =	sbarrier.arrive $0xFFFF  }
0xca: {  	p0 =	sne.s32 s0, $0x0;
	s0 =	rddreg [dreg:$0x2]  }
0xcb: {  	s0 =	sadd.s32 @!p0 $0x100000, s0  }
0xcc: {  	[sflag:s0] =	ssyncadd.tile.s32 @!p0 $0x1;
	_ =	shalt  }
.Lfunc_end2:
_tile_overlayer_lowered:
.L_overlay_start_2:
0xcd: {  	(tag) =	ssettag $0x2  }
0xce: {  	s0 =	rddreg [dreg:$0x0];
	s2 =	stileid.u32  }
0xcf: {  	s1 =	rddreg [dreg:$0x1];
	p0 =	sne.s32 s2, $0x0  }
0xd0: {  	s3 =	rddreg [dreg:$0x2];
	[bflag:$0x3] =	sbarrier.arrive $0xFFFF;
	s2 =	simm.s32 @!p0 $0x1C02  }
0xd1: {  	[timem:s3], [sflag:s2] =	dma.local @!p0 [hbm:s0], s1  }
0xd2: {  	s0 =	simm.s32 @!p0 $0x2  }
0xd3: {  	_ =	swait.ge @!p0 [sflag:s0], s1  }
0xd4: {  	s1 =	ssub.s32 @!p0 $0x0, s1;
	[sflag:s0] =	ssyncset.done @!p0 $0x0  }
0xd5: {  	[sflag:s0] =	ssyncadd.s32 @!p0 s1  }
0xd6: {  	[bflag:$0x3] =	sbarrier.arrive $0xFFFF  }
0xd7: {  	_ =	shalt  }

// kernel: sc_agg_deg.3.cloned.1.call-start
scs
__scs_entry_jumppad:
0x0: {  	(pc) =	sbr.rel $0x88, $3  }
0x1: {  	(tag) =	ssettag $0x0;
	lr =	simm.s32 $0x1  }
0x2: {  	[smem:$0x3F99] =	sst lr;
	_ =	strace $0xD0000000  }
0x3: {  	_ = 	snop  }
0x4: {  	_ = 	snop  }
0x5: {  	_ = 	snop  }
0x6: {  	_ = 	snop  }
0x7: {  	_ = 	snop  }
__scs_overlays_trampoline_lowered:
0x8: {  	[smem:$0x3FA8] =	sst s0  }
0x9: {  	[smem:$0x3FA9] =	sst s1  }
0xa: {  	[smem:$0x3FAA] =	sst s2  }
0xb: {  	[smem:$0x3FAB] =	sst s3  }
0xc: {  	[smem:$0x3FAC] =	sst s4  }
0xd: {  	[smem:$0x3FAD] =	sst s5  }
0xe: {  	[smem:$0x3FAE] =	sst s6  }
0xf: {  	[smem:$0x3FAF] =	sst s7  }
0x10: {  	[smem:$0x3FB0] =	sst s8  }
0x11: {  	[smem:$0x3FB1] =	sst s9;
	s0 =	simm.s32 @!p0 $0x0  }
0x12: {  	s1 =	sld [smem:$0x3F97];
	s0 =	simm.s32 @p0 $0x1  }
0x13: {  	[smem:$0x3FB2] =	sst s0;
	s0 =	simm.s32 @!p1 $0x0  }
0x14: {  	s2 =	sld [smem:$0x3F96];
	s0 =	simm.s32 @p1 $0x1  }
0x15: {  	[smem:$0x3FB3] =	sst s0;
	s0 =	simm.s32 @!p2 $0x0  }
0x16: {  	s3 =	sld [smem:$0x3FDB];
	s0 =	simm.s32 @p2 $0x1  }
0x17: {  	s4 =	simm.s32 $0x1BF5;
	[smem:$0x3FB5] =	sst s0  }
0x18: {  	s0 =	sld [smem:$0x3F98];
	_ =	swait.ge [sflag:s4], $0x0  }
0x19: {  	s7 =	sld [smem:$0x3F99]  }
0x1a: {  	s8 =	sadd.s32 $0xFFFFE003, lr  }
0x1b: {  	s9 =	sadd.s32 $0xFFFFFEF7, lr;
	s5 =	simm.s32 $0xFFFFFFFF;
	p2 =	slt.u32 s8, $0xFFFFF086  }
0x1c: {  	p1 =	slt.u32 s9, $0xF7A;
	s5 =	simm.s32 @!p2 $0x0  }
0x1d: {  	s5 =	simm.s32 @p1 $0x1;
	p0 =	seq.s32 s7, s2  }
0x1e: {  	s7 =	smul.u32 @!p0 $0xF7A, s2;
	p2 =	seq.s32 @!p0 s5, $0x0  }
0x1f: {  	s9 =	smul.u32 $0xF7A, s1;
	s8 =	simm.s32 @!p0 $0x1BF5;
	p2 =	por !p2, p0  }
0x20: {  	[sflag:s8] =	ssyncset.s32 @!p0 $0xFFFFF086;
	s6 =	sadd.s32 @!p0 s3, s7;
	s7 =	simm.s32 @!p0 $0x108  }
0x21: {  	s3 =	sadd.s32 s3, s9;
	s6 =	sadd.s32 @!p0 $0x88, s6;
	s7 =	simm.s32 @p2 $0x1082  }
0x22: {  	[simem:s7], [sflag:s8] =	dma.local @!p0 [hbm:s6], $0xF7A  }
0x23: {  	s9 =	sor.u32 $0xD0000000, s2;
	s6 =	simm.s32 $0x108;
	_ =	swait.ge @!p0 [sflag:s8], $0x0  }
0x24: {  	s3 =	sadd.s32 $0x88, s3;
	s6 =	simm.s32 @!p1 $0x1082;
	[sflag:s4] =	ssyncset.s32 $0xFFFFF086  }
0x25: {  	[simem:s6], [sflag:s4] =	dma.local [hbm:s3], $0xF7A  }
0x26: {  	[smem:$0x3F99] =	sst s1;
	(tag) =	ssettag s2;
	_ =	strace s9  }
0x27: {  	s1 =	sld [smem:$0x3FA9]  }
0x28: {  	s2 =	sld [smem:$0x3FAA]  }
0x29: {  	s4 =	sld [smem:$0x3FAC]  }
0x2a: {  	p0 =	seq.s32 s5, $0x0;
	s5 =	sld [smem:$0x3FAD]  }
0x2b: {  	s6 =	sld [smem:$0x3FAE]  }
0x2c: {  	s7 =	sld [smem:$0x3FAF]  }
0x2d: {  	s3 =	simm.s32 $0x108;
	s8 =	sld [smem:$0x3FB0]  }
0x2e: {  	s3 =	simm.s32 @!p0 $0x1082;
	s9 =	sld [smem:$0x3FB1]  }
0x2f: {  	lr =	sadd.s32 s0, s3;
	s0 =	sld [smem:$0x3FA8]  }
0x30: {  	s3 =	sld [smem:$0x3FAB]  }
0x31: {  	[smem:$0x3FB4] =	sst s10  }
0x32: {  	s10 =	sld [smem:$0x3FB2];
	_ =	sdelay $0x3  }
0x33: {  	p0 =	seq.s32 s10, $0x1;
	s10 =	sld [smem:$0x3FB4];
	_ =	sdelay $0x3  }
0x34: {  	[smem:$0x3FB4] =	sst s10  }
0x35: {  	s10 =	sld [smem:$0x3FB3];
	_ =	sdelay $0x3  }
0x36: {  	p1 =	seq.s32 s10, $0x1;
	s10 =	sld [smem:$0x3FB4];
	_ =	sdelay $0x3  }
0x37: {  	[smem:$0x3FB4] =	sst s10  }
0x38: {  	s10 =	sld [smem:$0x3FB5]  }
0x39: {  	_ = 	snop;
	(pc) =	sbr.ind lr, $3  }
0x3a: {  	_ = 	snop  }
0x3b: {  	_ = 	snop  }
0x3c: {  	p2 =	seq.s32 s10, $0x1;
	s10 =	sld [smem:$0x3FB4]  }
0x3d: {  	_ =	shalt  }
0x3e: {  	_ =	shalt  }
0x3f: {  	_ =	shalt  }
0x40: {  	_ =	shalt  }
0x41: {  	_ =	shalt  }
0x42: {  	_ =	shalt  }
0x43: {  	_ =	shalt  }
0x44: {  	_ =	shalt  }
0x45: {  	_ =	shalt  }
0x46: {  	_ =	shalt  }
0x47: {  	_ =	shalt  }
0x48: {  	_ =	shalt  }
0x49: {  	_ =	shalt  }
0x4a: {  	_ =	shalt  }
0x4b: {  	_ =	shalt  }
0x4c: {  	_ =	shalt  }
0x4d: {  	_ =	shalt  }
0x4e: {  	_ =	shalt  }
0x4f: {  	_ =	shalt  }
0x50: {  	_ =	shalt  }
0x51: {  	_ =	shalt  }
0x52: {  	_ =	shalt  }
0x53: {  	_ =	shalt  }
0x54: {  	_ =	shalt  }
0x55: {  	_ =	shalt  }
0x56: {  	_ =	shalt  }
0x57: {  	_ =	shalt  }
0x58: {  	_ =	shalt  }
0x59: {  	_ =	shalt  }
0x5a: {  	_ =	shalt  }
0x5b: {  	_ =	shalt  }
0x5c: {  	_ =	shalt  }
0x5d: {  	_ =	shalt  }
0x5e: {  	_ =	shalt  }
0x5f: {  	_ =	shalt  }
0x60: {  	_ =	shalt  }
0x61: {  	_ =	shalt  }
0x62: {  	_ =	shalt  }
0x63: {  	_ =	shalt  }
0x64: {  	_ =	shalt  }
0x65: {  	_ =	shalt  }
0x66: {  	_ =	shalt  }
0x67: {  	_ =	shalt  }
0x68: {  	_ =	shalt  }
0x69: {  	_ =	shalt  }
0x6a: {  	_ =	shalt  }
0x6b: {  	_ =	shalt  }
0x6c: {  	_ =	shalt  }
0x6d: {  	_ =	shalt  }
0x6e: {  	_ =	shalt  }
0x6f: {  	_ =	shalt  }
0x70: {  	_ =	shalt  }
0x71: {  	_ =	shalt  }
0x72: {  	_ =	shalt  }
0x73: {  	_ =	shalt  }
0x74: {  	_ =	shalt  }
0x75: {  	_ =	shalt  }
0x76: {  	_ =	shalt  }
0x77: {  	_ =	shalt  }
0x78: {  	_ =	shalt  }
0x79: {  	_ =	shalt  }
0x7a: {  	_ =	shalt  }
0x7b: {  	_ =	shalt  }
0x7c: {  	_ =	shalt  }
0x7d: {  	_ =	shalt  }
0x7e: {  	_ =	shalt  }
0x7f: {  	_ =	shalt  }
0x80: {  	_ =	shalt  }
0x81: {  	_ =	shalt  }
0x82: {  	_ =	shalt  }
0x83: {  	_ =	shalt  }
0x84: {  	_ =	shalt  }
0x85: {  	_ =	shalt  }
0x86: {  	_ =	shalt  }
0x87: {  	_ =	shalt  }
.Lfunc_end0:
.L_simem_size_0:
called_computation_lowered:
.L_overlay_start_0:
0x88: {  	s2 =	sld [smem:$0x3FD9]  }
0x89: {  	s3 =	sld [smem:$0x3FFE];
	_ =	sdelay $0x1  }
0x8a: {  	s1 =	srdreg.scid  }
0x8b: {  	s0 =	sand.u32 $0x1, s1  }
0x8c: {  	s16 =	sshll.u32 s0, $0xA;
	s2 =	sadd.s32 s3, s2  }
0x8d: {  	s2 =	sadd.s32 s2, s16  }
0x8e: {  	[smem:$0x3FC0] =	sst s2  }
0x8f: {  	_ = 	snop  }
0x90: {  	(tm) =	ssettm $0x1  }
0x91: {  	s17 =	sld [smem:$0x3FFB];
	_ =	sdelay $0x3  }
0x92: {  	_ =	strace s17  }
0x93: {  	s2 =	sld [smem:$0x3FFC];
	_ =	sdelay $0x3  }
0x94: {  	_ =	strace s2  }
0x95: {  	s2 =	sld [smem:$0x3FFD];
	_ =	sdelay $0x3  }
0x96: {  	_ =	strace s2  }
0x97: {  	_ =	strace $0x8FFFFFFF  }
0x98: {  	s18 =	sld [smem:$0x3FDB];
	_ =	sdelay $0x1  }
0x99: {  	s19 =	simm.s32 $_scs_section_size  }
0x9a: {  	s4 =	simm.s32 $_size__tile_overlayer_lowered;
	s5 =	simm.s32 $_tile_overlayer_lowered  }
0x9b: {  	s22 =	simm.s32 $0x1BFF;
	s21 =	sshll.u32 s5, $0x1;
	s2 =	sadd.s32 s19, s18  }
0x9c: {  	s6 =	simm.s32 $0x0;
	s20 =	sshll.u32 s4, $0x1;
	s4 =	sadd.s32 s21, s2  }
0x9d: {  	[timem:s6], [sflag:s22] =	dma.local [hbm:s4], s20  }
0x9e: {  	_ =	swait.ge [sflag:s22], s20  }
0x9f: {  	s3 =	ssub.s32 $0x0, s20;
	[sflag:s22] =	ssyncset.done $0x0  }
0xa0: {  	[sflag:s22] =	ssyncadd.s32 s3;
	_ =	sdelay $0x1  }
0xa1: {  	s23 =	simm.s32 $0x1B8B  }
0xa2: {  	_ =	swait.ge [sflag:s23], $0x1  }
0xa3: {  	[sflag:s23] =	ssyncset.done $0x0  }
0xa4: {  	s25 =	simm.s32 $0x1B8E;
	s24 =	sld [smem:$0x3FFE];
	[sflag:s23] =	ssyncadd.s32 $0xFFFFFFFF  }
0xa5: {  	s26 =	simm.s32 $execute0_lowered;
	[smem:$0x3FD2] =	sst s25  }
0xa6: {  	s4 =	sshll.u32 s26, $0x1;
	_ =	strace $0x80000046;
	[dreg:$0x1] =	wrdreg $0xFFFFFFFF  }
0xa7: {  	s28 =	simm.s32 $_size_execute0_lowered;
	s2 =	sadd.s32 s2, s4;
	[dreg:$0x0] =	wrdreg $0x0  }
0xa8: {  	s4 =	sshll.u32 s28, $0x1;
	[dreg:$0x2] =	wrdreg s2  }
0xa9: {  	[dreg:$0x3] =	wrdreg s4  }
0xaa: {  	[dreg:$0x4] =	wrdreg $0xC0  }
0xab: {  	_ =	task [dreg:s6], $0x5FFFF  }
0xac: {  	[dreg:$0x1] =	wrdreg $0xFFFFFFFF  }
0xad: {  	[dreg:$0x0] =	wrdreg $0x60  }
0xae: {  	[dreg:$0x2] =	wrdreg s24  }
0xaf: {  	[dreg:$0x3] =	wrdreg $0x148000  }
0xb0: {  	[dreg:$0x4] =	wrdreg $0x198000  }
0xb1: {  	[dreg:$0x5] =	wrdreg $0x9  }
0xb2: {  	_ =	task.clear_ibuf [dreg:s6], $0x6FFFF;
	_ =	strace $0x90000046  }
0xb3: {  	s29 =	simm.s32 $0x9;
	_ =	strace $0x80000048  }
0xb4: {  	_ =	swait.ge [sflag:s29], $0x1  }
0xb5: {  	[sflag:s29] =	ssyncadd.s32 $0xFFFFFFFF  }
0xb6: {  	_ =	strace $0x90000048  }
0xb7: {  	_ =	sfence  }
0xb8: {  	s30 =	sld [smem:$0x0];
	_ =	sdelay $0x2  }
0xb9: {  	s31 =	sshll.u32 s1, $0xD;
	s1 =	sshrl.u32 s1, $0x2  }
0xba: {  	s3 =	sand.u32 $0x4000, s31;
	s1 =	sadd.s32 s1, s30  }
0xbb: {  	s0 =	sor.u32 s3, s0;
	s1 =	sshll.u32 s1, $0x11  }
0xbc: {  	s0 =	sor.u32 s1, s0  }
0xbd: {  	s0 =	sadd.s32 $0x8F2B, s0  }
0xbe: {  	[sflag:s0] =	ssyncadd.remote.s32 $0x1  }
0xbf: {  	_ =	sfence.sel $0xFFFF  }
0xc0: {  	[dreg:$0x0] =	wrdreg $0xFFFFFFFF;
	(pc) =	sbr.abs _section_cstart, $3  }
0xc1: {  	[dreg:$0x1] =	wrdreg $0xFFFFFFFF  }
0xc2: {  	_ =	task.clear_ibuf [dreg:s6], $0x2FFFF;
	_ =	strace $0x9FFFFFFF  }
0xc3: {  	(tm) =	ssettm $0x7FFFFFFF  }
tec
execute0_lowered:
.L_overlay_start_1:
0x0: {  	(tag) =	ssettag $0x1  }
0x1: {  	s0 =	rddreg [dreg:$0x0]  }
0x2: {  	s2 =	rddreg [dreg:$0x1]  }
0x3: {  	s3 =	rddreg [dreg:$0x2]  }
0x4: {  	s4 =	simm.s32 $0x0;
	s21 =	stileid.u32;
	s6 =	srdreg.scid  }
0x5: {  	[smem:$0x7FF] =	sst s4;
	s1 =	smul.u32 $0xA00, s21;
	s5 =	sadd.s32 $0x2A00, s0  }
0x6: {  	s6 =	sand.u32 $0x1, s6;
	s7 =	sadd.s32 $0x34400, s0;
	s9 =	smul.u32 $0x280, s21  }
0x7: {  	_ =	strace $0x80000047;
	s8 =	ssub.s32 $0x2, s6;
	s11 =	smul.u32 $0x2800, s6  }
0x8: {  	p0 =	seq.s32 s6, $0x1;
	s1 =	sadd.s32 s1, s0;
	s0 =	sadd.s32 $0x2A400, s0  }
0x9: {  	s10 =	sshrl.u32 s8, $0x1;
	s12 =	sadd.s32 $0x100, s9;
	s15 =	sadd.s32 $0x180, s9  }
0xa: {  	s8 =	ssub.s32 s8, s10;
	s22 =	sadd.s32 $0x20400, s1;
	s10 =	sadd.s32 $0x80, s9  }
0xb: {  	s13 =	sadd.s32 s11, s9;
	s9 =	sadd.s32 $0x200, s9;
	s24 =	sadd.s32 s11, s12  }
0xc: {  	s25 =	sadd.s32 s11, s15;
	[dreg:$0x4] =	wrdreg s22;
	s14 =	sadd.s32 s11, s10  }
0xd: {  	s16 =	sshll.u32 s13, $0x2;
	s11 =	sadd.s32 s11, s9;
	s18 =	sshll.u32 s24, $0x2  }
0xe: {  	s19 =	sshll.u32 s25, $0x2;
	s13 =	sshll.u32 s13, $0x1;
	s22 =	sshll.u32 s24, $0x1  }
0xf: {  	s24 =	sadd.s32 $0x16400, s1;
	s1 =	simm.s32 $0x2;
	s17 =	sshll.u32 s14, $0x2  }
0x10: {  	s16 =	sadd.s32 s7, s16;
	s20 =	sshll.u32 s11, $0x2;
	[dreg:$0xf] =	wrdreg s24  }
0x11: {  	s18 =	sadd.s32 s7, s18;
	s26 =	sadd.s32 s7, s19;
	[dreg:$0x5] =	wrdreg s16  }
0x12: {  	s19 =	smul.u32 $0x14000, s21;
	s14 =	sshll.u32 s14, $0x1;
	[dreg:$0x7] =	wrdreg s18  }
0x13: {  	s13 =	sadd.s32 s0, s13;
	s11 =	sshll.u32 s11, $0x1;
	[dreg:$0x8] =	wrdreg s26  }
0x14: {  	s23 =	sadd.s32 s7, s17;
	s7 =	sadd.s32 s7, s20;
	[dreg:$0xa] =	wrdreg s13  }
0x15: {  	s20 =	sadd.s32 s0, s14;
	s13 =	sadd.s32 s0, s22;
	s26 =	smul.u32 $0xA000, s21  }
0x16: {  	s18 =	smul.u32 $0x14, s6;
	s14 =	sshll.u32 s15, $0x5;
	[dreg:$0x6] =	wrdreg s23  }
0x17: {  	s15 =	sshll.u32 s15, $0x4;
	s16 =	sshll.u32 s9, $0x5;
	[dreg:$0x9] =	wrdreg s7  }
0x18: {  	s17 =	sshll.u32 s9, $0x4;
	s9 =	simm.s32 $0x3;
	[dreg:$0xb] =	wrdreg s20  }
0x19: {  	[dreg:$0xc] =	wrdreg s13;
	s23 =	sshll.u32 s25, $0x1;
	s25 =	sshrl.u32 s19, $0x2  }
0x1a: {  	s20 =	smax.u32 s8, $0x1;
	s7 =	sshll.u32 s10, $0x5;
	s8 =	sshll.u32 s10, $0x4  }
0x1b: {  	s10 =	sshll.u32 s12, $0x5;
	s28 =	sadd.s32 s15, s3;
	s29 =	sadd.s32 s16, s2  }
0x1c: {  	s30 =	sadd.s32 s17, s3;
	s13 =	sadd.s32 s0, s23;
	s0 =	sadd.s32 s0, s11  }
0x1d: {  	s11 =	smul.u32 $0x2710, s6;
	s19 =	sadd.s32 s25, s2;
	s6 =	sshrl.u32 s26, $0x2  }
0x1e: {  	s22 =	sadd.s32 s7, s2;
	s23 =	sadd.s32 s8, s3;
	s24 =	sadd.s32 s10, s2  }
0x1f: {  	s26 =	sadd.s32 s14, s2;
	s31 =	sadd.s32 $0x14, s18;
	s7 =	simm.s32 $0x1  }
0x20: {  	s8 =	simm.s32 $0x200;
	s10 =	simm.s32 $0x0;
	[dreg:$0xd] =	wrdreg s13  }
0x21: {  	v1 =	vimm.bf16 $0.0e+00;
	[dreg:$0xe] =	wrdreg s0;
	s21 =	sadd.s32 s6, s3;
	s13 =	sshll.u32 s12, $0x4  }
0x22: {  	v2 =	vimm.f32 $0.0e+00;
	v3 =	vimm.f32 $1.000000000e+00;
	s0 =	simm.s32 $0xA000;
	s6 =	simm.s32 $0x14000;
	s25 =	sadd.s32 s13, s3;
	v0 =	vmov s11  }
.LBB2_1:
0x23: {  	s11 =	simm.s32 $0xA010;
	s12 =	simm.s32 $0x0  }
.LBB2_2:
0x24: {  	p1 =	sne.s32 s12, $0x1FC0  }
.Ltmp0:
0x25: {  	_ = 	snop;
	(pc) =	sbr.rel @p1 .LBB2_2-.Ltmp0, $4  }
0x26: {  	_ = 	snop  }
0x27: {  	[tilespmem:s11+$0xFFFFFFF0] =	vst v1  }
0x28: {  	[tilespmem:s11+$0x0] =	vst v1;
	s13 =	sshra.s32 s12, $0x2  }
0x29: {  	s11 =	sadd.s32 $0x20, s11;
	s12 =	sadd.s32 $0x40, s12;
	[tilespmem:s13+$0x14000] =	vst v2  }
0x2a: {  	s11 =	simm.s32 $0x40;
	s12 =	simm.s32 $0x0  }
.LBB2_4:
0x2b: {  	p1 =	sne.s32 s11, $0x7FC0;
	[tilespmem:s12+$0x12000] =	vst v3;
	s12 =	smov.u32 s11;
	s11 =	sadd.s32 $0x40, s11  }
.Ltmp1:
0x2c: {  	(pc) =	sbr.rel @p1 .LBB2_4-.Ltmp1, $2  }
0x2d: {  	_ =	sdelay $0x2  }
0x2e: {  	s12 =	sshra.s32 s12, $0x2  }
0x2f: {  	[tilespmem:s12+$0x12000] =	vst v3  }
0x30: {  	[spmem:s19] =	stream.linear.scatter [tilespmem:s0], [sflag:$0x2], $0x1000, $0x38;
	[tilespmem:$0x1C000] =	vst v63  }
0x31: {  	_ =	swait.ge [sflag:s1], $0x1000  }
0x32: {  	[sflag:s1] =	ssyncset.done $0x0  }
0x33: {  	[sflag:s1] =	ssyncadd.s32 $0xFFFFF000  }
0x34: {  	[spmem:s21] =	stream.linear.scatter [tilespmem:s6], [sflag:$0x2], $0x800, $0x38;
	[tilespmem:$0x1C000] =	vst v63  }
0x35: {  	_ =	swait.ge [sflag:s1], $0x800  }
0x36: {  	[sflag:s1] =	ssyncset.done $0x0  }
0x37: {  	[sflag:s1] =	ssyncadd.s32 $0xFFFFF800  }
0x38: {  	[spmem:s22] =	stream.linear.scatter [tilespmem:s0], [sflag:$0x2], $0x1000, $0x38;
	[tilespmem:$0x1C000] =	vst v63  }
0x39: {  	_ =	swait.ge [sflag:s1], $0x1000  }
0x3a: {  	[sflag:s1] =	ssyncset.done $0x0  }
0x3b: {  	[sflag:s1] =	ssyncadd.s32 $0xFFFFF000  }
0x3c: {  	[spmem:s23] =	stream.linear.scatter [tilespmem:s6], [sflag:$0x2], $0x800, $0x38;
	[tilespmem:$0x1C000] =	vst v63  }
0x3d: {  	_ =	swait.ge [sflag:s1], $0x800  }
0x3e: {  	[sflag:s1] =	ssyncset.done $0x0  }
0x3f: {  	[sflag:s1] =	ssyncadd.s32 $0xFFFFF800  }
0x40: {  	[spmem:s24] =	stream.linear.scatter [tilespmem:s0], [sflag:$0x2], $0x1000, $0x38;
	[tilespmem:$0x1C000] =	vst v63  }
0x41: {  	_ =	swait.ge [sflag:s1], $0x1000  }
0x42: {  	[sflag:s1] =	ssyncset.done $0x0  }
0x43: {  	[sflag:s1] =	ssyncadd.s32 $0xFFFFF000  }
0x44: {  	[spmem:s25] =	stream.linear.scatter [tilespmem:s6], [sflag:$0x2], $0x800, $0x38;
	[tilespmem:$0x1C000] =	vst v63  }
0x45: {  	_ =	swait.ge [sflag:s1], $0x800  }
0x46: {  	[sflag:s1] =	ssyncset.done $0x0  }
0x47: {  	[sflag:s1] =	ssyncadd.s32 $0xFFFFF800  }
0x48: {  	[spmem:s26] =	stream.linear.scatter [tilespmem:s0], [sflag:$0x2], $0x1000, $0x38;
	[tilespmem:$0x1C000] =	vst v63  }
0x49: {  	_ =	swait.ge [sflag:s1], $0x1000  }
0x4a: {  	[sflag:s1] =	ssyncset.done $0x0  }
0x4b: {  	[sflag:s1] =	ssyncadd.s32 $0xFFFFF000  }
0x4c: {  	[spmem:s28] =	stream.linear.scatter [tilespmem:s6], [sflag:$0x2], $0x800, $0x38;
	[tilespmem:$0x1C000] =	vst v63  }
0x4d: {  	_ =	swait.ge [sflag:s1], $0x800  }
0x4e: {  	[sflag:s1] =	ssyncset.done $0x0  }
0x4f: {  	[sflag:s1] =	ssyncadd.s32 $0xFFFFF800  }
0x50: {  	[spmem:s29] =	stream.linear.scatter [tilespmem:s0], [sflag:$0x2], $0x1000, $0x38;
	[tilespmem:$0x1C000] =	vst v63  }
0x51: {  	_ =	swait.ge [sflag:s1], $0x1000  }
0x52: {  	[sflag:s1] =	ssyncset.done $0x0  }
0x53: {  	[sflag:s1] =	ssyncadd.s32 $0xFFFFF000  }
0x54: {  	[spmem:s30] =	stream.linear.scatter [tilespmem:s6], [sflag:$0x2], $0x800, $0x38;
	[tilespmem:$0x1C000] =	vst v63  }
0x55: {  	_ =	swait.ge [sflag:s1], $0x800  }
0x56: {  	[sflag:s1] =	ssyncset.done $0x0  }
0x57: {  	s11 =	simm.s32 $0x0;
	s16 =	rddreg [dreg:$0x4];
	[sflag:s1] =	ssyncadd.s32 $0xFFFFF800  }
0x58: {  	[tilespmem:s11], [sflag:$0x2] =	stream.linear.gather [hbm4b:s16+s11], $0x5000, $0x38;
	[tilespmem:$0x1C000] =	vst v63  }
0x59: {  	_ =	swait.ge [sflag:s1], $0x5000  }
0x5a: {  	[sflag:s1] =	ssyncset.done $0x0  }
0x5b: {  	s13 =	simm.s32 $0x5000;
	s17 =	rddreg [dreg:$0xf];
	[sflag:s1] =	ssyncadd.s32 $0xFFFFB000  }
0x5c: {  	[tilespmem:s13], [sflag:$0x2] =	stream.linear.gather [hbm4b:s17+s11], $0x5000, $0x38;
	[tilespmem:$0x1C000] =	vst v63  }
0x5d: {  	_ =	swait.ge [sflag:s1], $0x5000  }
0x5e: {  	[sflag:s1] =	ssyncset.done $0x0  }
0x5f: {  	s11 =	simm.s32 $0x0;
	[sflag:s1] =	ssyncadd.s32 $0xFFFFB000  }
0x60: {  	v4 =	vld [tilespmem:s11+$0x0]  }
0x61: {  	v5 =	vld [tilespmem:s11+$0x10]  }
0x62: {  	v6 =	vld [tilespmem:s11+$0x20]  }
0x63: {  	v7 =	vld [tilespmem:s11+$0x30]  }
0x64: {  	v8 =	vld [tilespmem:s11+$0x40]  }
0x65: {  	v9 =	vld [tilespmem:s11+$0x50];
	v4 =	vadd.s32 v0, v4  }
0x66: {  	[tilespmem:s11+$0x0] =	vst v4;
	v4 =	vadd.s32 v0, v5;
	v5 =	vld [tilespmem:s11+$0x60]  }
0x67: {  	[tilespmem:s11+$0x10] =	vst v4;
	v4 =	vadd.s32 v0, v6;
	v6 =	vld [tilespmem:s11+$0x70]  }
0x68: {  	[tilespmem:s11+$0x20] =	vst v4;
	v4 =	vadd.s32 v0, v7;
	v7 =	vld [tilespmem:s11+$0x80]  }
0x69: {  	[tilespmem:s11+$0x30] =	vst v4;
	v4 =	vadd.s32 v0, v8;
	v8 =	vld [tilespmem:s11+$0x90]  }
0x6a: {  	[tilespmem:s11+$0x40] =	vst v4;
	v4 =	vadd.s32 v0, v9;
	v9 =	vld [tilespmem:s11+$0xA0]  }
0x6b: {  	[tilespmem:s11+$0x50] =	vst v4;
	v4 =	vadd.s32 v0, v5;
	v5 =	vld [tilespmem:s11+$0xB0]  }
0x6c: {  	[tilespmem:s11+$0x60] =	vst v4;
	v4 =	vadd.s32 v0, v6;
	v6 =	vld [tilespmem:s11+$0xC0]  }
0x6d: {  	[tilespmem:s11+$0x70] =	vst v4;
	v4 =	vadd.s32 v0, v7;
	v7 =	vld [tilespmem:s11+$0xD0]  }
0x6e: {  	[tilespmem:s11+$0x80] =	vst v4;
	v4 =	vadd.s32 v0, v8;
	v8 =	vld [tilespmem:s11+$0xE0]  }
0x6f: {  	[tilespmem:s11+$0x90] =	vst v4;
	v4 =	vadd.s32 v0, v9;
	v9 =	vld [tilespmem:s11+$0xF0]  }
0x70: {  	[tilespmem:s11+$0xA0] =	vst v4;
	v4 =	vadd.s32 v0, v5;
	v5 =	vld [tilespmem:s11+$0x100]  }
0x71: {  	[tilespmem:s11+$0xB0] =	vst v4;
	v4 =	vadd.s32 v0, v6;
	v6 =	vld [tilespmem:s11+$0x110]  }
0x72: {  	[tilespmem:s11+$0xC0] =	vst v4;
	v4 =	vadd.s32 v0, v7;
	v7 =	vld [tilespmem:s11+$0x120]  }
0x73: {  	[tilespmem:s11+$0xD0] =	vst v4;
	v4 =	vadd.s32 v0, v8;
	v8 =	vld [tilespmem:s11+$0x130]  }
0x74: {  	[tilespmem:s11+$0xE0] =	vst v4;
	v4 =	vadd.s32 v0, v9;
	v9 =	vld [tilespmem:s11+$0x140]  }
0x75: {  	[tilespmem:s11+$0xF0] =	vst v4;
	v4 =	vadd.s32 v0, v5;
	v5 =	vld [tilespmem:s11+$0x150]  }
0x76: {  	[tilespmem:s11+$0x100] =	vst v4;
	v4 =	vadd.s32 v0, v6;
	v6 =	vld [tilespmem:s11+$0x160]  }
0x77: {  	[tilespmem:s11+$0x110] =	vst v4;
	v4 =	vadd.s32 v0, v7;
	v7 =	vld [tilespmem:s11+$0x170]  }
0x78: {  	[tilespmem:s11+$0x120] =	vst v4;
	v4 =	vadd.s32 v0, v8;
	v8 =	vld [tilespmem:s11+$0x180]  }
0x79: {  	[tilespmem:s11+$0x130] =	vst v4;
	v4 =	vadd.s32 v0, v9;
	v9 =	vld [tilespmem:s11+$0x190]  }
0x7a: {  	[tilespmem:s11+$0x140] =	vst v4;
	v4 =	vadd.s32 v0, v5;
	v5 =	vld [tilespmem:s11+$0x1A0]  }
0x7b: {  	[tilespmem:s11+$0x150] =	vst v4;
	v6 =	vadd.s32 v0, v6;
	v4 =	vld [tilespmem:s11+$0x1B0]  }
0x7c: {  	[tilespmem:s11+$0x160] =	vst v6;
	v7 =	vadd.s32 v0, v7;
	v6 =	vld [tilespmem:s11+$0x1C0]  }
0x7d: {  	[tilespmem:s11+$0x170] =	vst v7;
	v8 =	vadd.s32 v0, v8;
	v7 =	vld [tilespmem:s11+$0x1D0]  }
0x7e: {  	s12 =	simm.s32 $0x800;
	[tilespmem:s11+$0x180] =	vst v8;
	v9 =	vadd.s32 v0, v9;
	v8 =	vld [tilespmem:s11+$0x1E0]  }
.LBB2_6:
0x7f: {  	s13 =	sshra.s32 s12, $0x2;
	p1 =	sne.s32 s12, $0x13800;
	[tilespmem:s11+$0x190] =	vst v9;
	v5 =	vadd.s32 v0, v5;
	v9 =	vld [tilespmem:s11+$0x1F0]  }
0x80: {  	v10 =	vld [tilespmem:s13+$0x0];
	[tilespmem:s11+$0x1A0] =	vst v5;
	v4 =	vadd.s32 v0, v4  }
0x81: {  	v5 =	vld [tilespmem:s13+$0x10];
	[tilespmem:s11+$0x1B0] =	vst v4;
	v4 =	vadd.s32 v0, v6  }
0x82: {  	v6 =	vld [tilespmem:s13+$0x20];
	[tilespmem:s11+$0x1C0] =	vst v4;
	v4 =	vadd.s32 v0, v7  }
0x83: {  	v7 =	vld [tilespmem:s13+$0x30];
	[tilespmem:s11+$0x1D0] =	vst v4;
	v4 =	vadd.s32 v0, v8  }
0x84: {  	v8 =	vld [tilespmem:s13+$0x40];
	[tilespmem:s11+$0x1E0] =	vst v4;
	v4 =	vadd.s32 v0, v9  }
0x85: {  	v9 =	vadd.s32 v0, v10;
	v10 =	vld [tilespmem:s13+$0x50];
	[tilespmem:s11+$0x1F0] =	vst v4;
	s11 =	smov.u32 s13  }
0x86: {  	[tilespmem:s11+$0x0] =	vst v9;
	v4 =	vadd.s32 v0, v5;
	v5 =	vld [tilespmem:s11+$0x60]  }
0x87: {  	[tilespmem:s11+$0x10] =	vst v4;
	v4 =	vadd.s32 v0, v6;
	v6 =	vld [tilespmem:s11+$0x70]  }
0x88: {  	[tilespmem:s11+$0x20] =	vst v4;
	v4 =	vadd.s32 v0, v7;
	v7 =	vld [tilespmem:s11+$0x80]  }
0x89: {  	[tilespmem:s11+$0x30] =	vst v4;
	v4 =	vadd.s32 v0, v8;
	v8 =	vld [tilespmem:s11+$0x90]  }
0x8a: {  	[tilespmem:s11+$0x40] =	vst v4;
	v4 =	vadd.s32 v0, v10;
	v9 =	vld [tilespmem:s11+$0xA0]  }
0x8b: {  	[tilespmem:s11+$0x50] =	vst v4;
	v4 =	vadd.s32 v0, v5;
	v5 =	vld [tilespmem:s11+$0xB0]  }
0x8c: {  	[tilespmem:s11+$0x60] =	vst v4;
	v4 =	vadd.s32 v0, v6;
	v6 =	vld [tilespmem:s11+$0xC0]  }
0x8d: {  	[tilespmem:s11+$0x70] =	vst v4;
	v4 =	vadd.s32 v0, v7;
	v7 =	vld [tilespmem:s11+$0xD0]  }
0x8e: {  	[tilespmem:s11+$0x80] =	vst v4;
	v4 =	vadd.s32 v0, v8;
	v8 =	vld [tilespmem:s11+$0xE0]  }
0x8f: {  	[tilespmem:s11+$0x90] =	vst v4;
	v4 =	vadd.s32 v0, v9;
	v9 =	vld [tilespmem:s11+$0xF0]  }
0x90: {  	[tilespmem:s11+$0xA0] =	vst v4;
	v4 =	vadd.s32 v0, v5;
	v5 =	vld [tilespmem:s11+$0x100]  }
0x91: {  	[tilespmem:s11+$0xB0] =	vst v4;
	v4 =	vadd.s32 v0, v6;
	v6 =	vld [tilespmem:s11+$0x110]  }
0x92: {  	[tilespmem:s11+$0xC0] =	vst v4;
	v4 =	vadd.s32 v0, v7;
	v7 =	vld [tilespmem:s11+$0x120]  }
0x93: {  	[tilespmem:s11+$0xD0] =	vst v4;
	v4 =	vadd.s32 v0, v8;
	v8 =	vld [tilespmem:s11+$0x130]  }
0x94: {  	[tilespmem:s11+$0xE0] =	vst v4;
	v4 =	vadd.s32 v0, v9;
	v9 =	vld [tilespmem:s11+$0x140]  }
0x95: {  	[tilespmem:s11+$0xF0] =	vst v4;
	v4 =	vadd.s32 v0, v5;
	v5 =	vld [tilespmem:s11+$0x150]  }
0x96: {  	[tilespmem:s11+$0x100] =	vst v4;
	v4 =	vadd.s32 v0, v6;
	v6 =	vld [tilespmem:s11+$0x160]  }
0x97: {  	[tilespmem:s11+$0x110] =	vst v4;
	v4 =	vadd.s32 v0, v7;
	v7 =	vld [tilespmem:s11+$0x170]  }
0x98: {  	[tilespmem:s11+$0x120] =	vst v4;
	v4 =	vadd.s32 v0, v8;
	v8 =	vld [tilespmem:s11+$0x180]  }
0x99: {  	[tilespmem:s11+$0x130] =	vst v4;
	v4 =	vadd.s32 v0, v9;
	v9 =	vld [tilespmem:s11+$0x190]  }
.Ltmp2:
0x9a: {  	[tilespmem:s11+$0x140] =	vst v4;
	v4 =	vadd.s32 v0, v5;
	v5 =	vld [tilespmem:s11+$0x1A0];
	(pc) =	sbr.rel @p1 .LBB2_6-.Ltmp2, $4  }
0x9b: {  	[tilespmem:s11+$0x150] =	vst v4;
	v6 =	vadd.s32 v0, v6;
	v4 =	vld [tilespmem:s11+$0x1B0]  }
0x9c: {  	[tilespmem:s11+$0x160] =	vst v6;
	v7 =	vadd.s32 v0, v7;
	v6 =	vld [tilespmem:s11+$0x1C0]  }
0x9d: {  	[tilespmem:s11+$0x170] =	vst v7;
	v8 =	vadd.s32 v0, v8;
	v7 =	vld [tilespmem:s11+$0x1D0]  }
0x9e: {  	s12 =	sadd.s32 $0x800, s12;
	[tilespmem:s11+$0x180] =	vst v8;
	v9 =	vadd.s32 v0, v9;
	v8 =	vld [tilespmem:s11+$0x1E0]  }
0x9f: {  	[tilespmem:s11+$0x190] =	vst v9;
	v5 =	vadd.s32 v0, v5;
	v63 =	vld [tilespmem:s11+$0x1F0]  }
0xa0: {  	[tilespmem:s11+$0x1A0] =	vst v5;
	v4 =	vadd.s32 v0, v4  }
0xa1: {  	[tilespmem:s11+$0x1B0] =	vst v4;
	v4 =	vadd.s32 v0, v6  }
0xa2: {  	[tilespmem:s11+$0x1C0] =	vst v4;
	v4 =	vadd.s32 v0, v7  }
0xa3: {  	[tilespmem:s11+$0x1D0] =	vst v4;
	v4 =	vadd.s32 v0, v8  }
0xa4: {  	[tilespmem:s11+$0x1E0] =	vst v4;
	v4 =	vadd.s32 v0, v63  }
0xa5: {  	s15 =	simm.s32 $0x200;
	[tilespmem:s11+$0x1F0] =	vst v4  }
0xa6: {  	s12 =	simm.s32 $0x0;
	s16 =	simm.s32 $0x10000;
	[bflag:$0x0] =	sbarrier.arrive $0xFFFF  }
0xa7: {  	[tilespmem:s0], [sflag:$0x1] =	stream.indirect.gather [hbm4b:s5+s15], $0x20, s12, s15, $0xb8;
	[tilespmem:$0x1C000] =	vst v63  }
0xa8: {  	s13 =	simm.s32 $0x0;
	s12 =	sand.u32 $0x10000, s16;
	_ =	swait.ge [sflag:s7], $0x4000  }
0xa9: {  	s13 =	sand.u32 $0x10000, s13;
	s12 =	sshrl.u32 s12, $0x2;
	[sflag:s7] =	ssyncset.done $0x0  }
0xaa: {  	s13 =	sshrl.u32 s13, $0x2;
	s12 =	sor.u32 $0xA000, s12;
	[sflag:s7] =	ssyncadd.s32 $0xFFFFC000  }
0xab: {  	[tilespmem:s12], [sflag:$0x1] =	stream.indirect.gather [hbm4b:s5+s8], $0x20, s15, s8, $0xb8;
	[tilespmem:$0x1C000] =	vst v63  }
0xac: {  	p1 =	sgt.u32 s18, $0x0;
	s17 =	sor.u32 $0xA000, s13;
	s11 =	simm.s32 $0x5000  }
0xad: {  	[spmem:s2] =	stream.indirect.scatter.add.bf16 [tilespmem:s17], [sflag:$0x3], $0x20, s11, s8, $0xb8;
	[tilespmem:$0x1C000] =	vst v63  }
0xae: {  	p2 =	sle.u32 @!p1 s31, $0x0;
	_ =	swait.ge [sflag:s9], $0x4000  }
0xaf: {  	s14 =	simm.s32 $0x20000;
	p2 =	por p2, p1;
	[sflag:s9] =	ssyncset.done $0x0  }
0xb0: {  	s13 =	simm.s32 @!p2 $0x12000;
	s12 =	simm.s32 @!p2 $0x200;
	[sflag:s9] =	ssyncadd.s32 $0xFFFFC000  }
0xb1: {  	[spmem:s3] =	stream.indirect.scatter.add.f32 @!p2 [tilespmem:s13], [sflag:$0x2], $0x10, s11, s12, $0xb8;
	[tilespmem:$0x1C000] =	vst v63  }
0xb2: {  	s15 =	simm.s32 @!p2 $0x2;
	s12 =	simm.s32 $0x1;
	s13 =	simm.s32 $0x400  }
.LBB2_8:
0xb3: {  	_ =	swait.ge @!p2 [sflag:s15], $0x2000  }
0xb4: {  	s11 =	sadd.s32 $0x200, s11;
	s16 =	smov.u32 s12;
	s12 =	sadd.s32 $0x1, s12  }
0xb5: {  	p1 =	sne.s32 s12, $0x27;
	[sflag:s15] =	ssyncset.done @!p2 $0x0  }
0xb6: {  	s17 =	sand.u32 $0x10000, s14;
	[sflag:s15] =	ssyncadd.s32 @!p2 $0xFFFFE000  }
0xb7: {  	s17 =	sshrl.u32 s17, $0x2;
	s15 =	sadd.s32 $0xFFFF0000, s14  }
0xb8: {  	s17 =	sor.u32 $0xA000, s17;
	s15 =	sand.u32 $0x10000, s15;
	_ =	swait.ge [sflag:s7], $0x4000  }
0xb9: {  	s15 =	sshrl.u32 s15, $0x2;
	[sflag:s7] =	ssyncset.done $0x0  }
0xba: {  	p2 =	slt.u32 s16, s18;
	s15 =	sor.u32 $0xA000, s15;
	[sflag:s7] =	ssyncadd.s32 $0xFFFFC000  }
0xbb: {  	[tilespmem:s17], [sflag:$0x1] =	stream.indirect.gather [hbm4b:s5+s8], $0x20, s13, s8, $0xb8;
	[tilespmem:$0x1C000] =	vst v63  }
0xbc: {  	p3 =	sge.u32 @!p2 s16, s31  }
0xbd: {  	[spmem:s2] =	stream.indirect.scatter.add.bf16 [tilespmem:s15], [sflag:$0x3], $0x20, s11, s8, $0xb8;
	[tilespmem:$0x1C000] =	vst v63  }
.Ltmp3:
0xbe: {  	_ = 	snop;
	(pc) =	sbr.rel @p1 .LBB2_8-.Ltmp3, $4  }
0xbf: {  	p2 =	por p3, p2;
	s13 =	sadd.s32 $0x200, s13;
	_ =	swait.ge [sflag:s9], $0x4000  }
0xc0: {  	s16 =	simm.s32 @!p2 $0x200;
	s17 =	simm.s32 @!p2 $0x12000;
	[sflag:s9] =	ssyncset.done $0x0  }
0xc1: {  	s14 =	sadd.s32 $0x10000, s14;
	s15 =	simm.s32 @!p2 $0x2;
	[sflag:s9] =	ssyncadd.s32 $0xFFFFC000  }
0xc2: {  	[spmem:s3] =	stream.indirect.scatter.add.f32 @!p2 [tilespmem:s17], [sflag:$0x2], $0x10, s11, s16, $0xb8;
	[tilespmem:$0x1C000] =	vst v63  }
0xc3: {  	_ =	swait.ge @!p2 [sflag:s15], $0x2000  }
0xc4: {  	[sflag:s15] =	ssyncset.done @!p2 $0x0  }
0xc5: {  	[sflag:s15] =	ssyncadd.s32 @!p2 $0xFFFFE000  }
0xc6: {  	_ =	swait.ge [sflag:s7], $0x4000  }
0xc7: {  	[sflag:s7] =	ssyncset.done $0x0  }
0xc8: {  	s11 =	simm.s32 $0x9E00;
	s12 =	simm.s32 $0xE000;
	[sflag:s7] =	ssyncadd.s32 $0xFFFFC000  }
0xc9: {  	[spmem:s2] =	stream.indirect.scatter.add.bf16 [tilespmem:s12], [sflag:$0x3], $0x20, s11, s8, $0xb8;
	[tilespmem:$0x1C000] =	vst v63  }
0xca: {  	_ =	swait.ge [sflag:s9], $0x4000  }
0xcb: {  	s13 =	simm.s32 @p0 $0x12000;
	[sflag:s9] =	ssyncset.done $0x0  }
0xcc: {  	s11 =	simm.s32 @p0 $0x200;
	s12 =	simm.s32 @p0 $0x9E00;
	[sflag:s9] =	ssyncadd.s32 $0xFFFFC000  }
0xcd: {  	[spmem:s3] =	stream.indirect.scatter.add.f32 @p0 [tilespmem:s13], [sflag:$0x2], $0x10, s12, s11, $0xb8;
	[tilespmem:$0x1C000] =	vst v63  }
0xce: {  	s11 =	simm.s32 @p0 $0x2  }
0xcf: {  	_ =	swait.ge @p0 [sflag:s11], $0x2000  }
0xd0: {  	[sflag:s11] =	ssyncset.done @p0 $0x0  }
0xd1: {  	[sflag:s11] =	ssyncadd.s32 @p0 $0xFFFFE000  }
0xd2: {  	[bflag:$0x0] =	sbarrier.arrive $0xFFFF  }
0xd3: {  	[tilespmem:s0], [sflag:$0x2] =	stream.linear.gather [spmem:s19], $0x1000, $0x38;
	[tilespmem:$0x1C000] =	vst v63  }
0xd4: {  	_ =	swait.ge [sflag:s1], $0x1000  }
0xd5: {  	[sflag:s1] =	ssyncset.done $0x0  }
0xd6: {  	s14 =	rddreg [dreg:$0x5];
	[sflag:s1] =	ssyncadd.s32 $0xFFFFF000  }
0xd7: {  	[hbm4b:s14+s4] =	stream.linear.scatter [tilespmem:s0], [sflag:$0x2], $0x1000, $0x38;
	[tilespmem:$0x1C000] =	vst v63  }
0xd8: {  	_ =	swait.ge [sflag:s1], $0x1000  }
0xd9: {  	[sflag:s1] =	ssyncset.done $0x0  }
0xda: {  	[sflag:s1] =	ssyncadd.s32 $0xFFFFF000  }
0xdb: {  	[tilespmem:s6], [sflag:$0x2] =	stream.linear.gather [spmem:s21], $0x800, $0x38;
	[tilespmem:$0x1C000] =	vst v63  }
0xdc: {  	_ =	swait.ge [sflag:s1], $0x800  }
0xdd: {  	[sflag:s1] =	ssyncset.done $0x0  }
0xde: {  	s15 =	rddreg [dreg:$0xa];
	[sflag:s1] =	ssyncadd.s32 $0xFFFFF800  }
0xdf: {  	[hbm4b:s15+s4] =	stream.linear.scatter [tilespmem:s6], [sflag:$0x2], $0x800, $0x38;
	[tilespmem:$0x1C000] =	vst v63  }
0xe0: {  	_ =	swait.ge [sflag:s1], $0x800  }
0xe1: {  	[sflag:s1] =	ssyncset.done $0x0  }
0xe2: {  	[sflag:s1] =	ssyncadd.s32 $0xFFFFF800  }
0xe3: {  	[tilespmem:s0], [sflag:$0x2] =	stream.linear.gather [spmem:s22], $0x1000, $0x38;
	[tilespmem:$0x1C000] =	vst v63  }
0xe4: {  	_ =	swait.ge [sflag:s1], $0x1000  }
0xe5: {  	[sflag:s1] =	ssyncset.done $0x0  }
0xe6: {  	s16 =	rddreg [dreg:$0x6];
	[sflag:s1] =	ssyncadd.s32 $0xFFFFF000  }
0xe7: {  	[hbm4b:s16+s4] =	stream.linear.scatter [tilespmem:s0], [sflag:$0x2], $0x1000, $0x38;
	[tilespmem:$0x1C000] =	vst v63  }
0xe8: {  	_ =	swait.ge [sflag:s1], $0x1000  }
0xe9: {  	[sflag:s1] =	ssyncset.done $0x0  }
0xea: {  	[sflag:s1] =	ssyncadd.s32 $0xFFFFF000  }
0xeb: {  	[tilespmem:s6], [sflag:$0x2] =	stream.linear.gather [spmem:s23], $0x800, $0x38;
	[tilespmem:$0x1C000] =	vst v63  }
0xec: {  	_ =	swait.ge [sflag:s1], $0x800  }
0xed: {  	[sflag:s1] =	ssyncset.done $0x0  }
0xee: {  	s17 =	rddreg [dreg:$0xb];
	[sflag:s1] =	ssyncadd.s32 $0xFFFFF800  }
0xef: {  	[hbm4b:s17+s4] =	stream.linear.scatter [tilespmem:s6], [sflag:$0x2], $0x800, $0x38;
	[tilespmem:$0x1C000] =	vst v63  }
0xf0: {  	_ =	swait.ge [sflag:s1], $0x800  }
0xf1: {  	[sflag:s1] =	ssyncset.done $0x0  }
0xf2: {  	[sflag:s1] =	ssyncadd.s32 $0xFFFFF800  }
0xf3: {  	[tilespmem:s0], [sflag:$0x2] =	stream.linear.gather [spmem:s24], $0x1000, $0x38;
	[tilespmem:$0x1C000] =	vst v63  }
0xf4: {  	_ =	swait.ge [sflag:s1], $0x1000  }
0xf5: {  	[sflag:s1] =	ssyncset.done $0x0  }
0xf6: {  	s12 =	rddreg [dreg:$0x7];
	[sflag:s1] =	ssyncadd.s32 $0xFFFFF000  }
0xf7: {  	[hbm4b:s12+s4] =	stream.linear.scatter [tilespmem:s0], [sflag:$0x2], $0x1000, $0x38;
	[tilespmem:$0x1C000] =	vst v63  }
0xf8: {  	_ =	swait.ge [sflag:s1], $0x1000  }
0xf9: {  	[sflag:s1] =	ssyncset.done $0x0  }
0xfa: {  	[sflag:s1] =	ssyncadd.s32 $0xFFFFF000  }
0xfb: {  	[tilespmem:s6], [sflag:$0x2] =	stream.linear.gather [spmem:s25], $0x800, $0x38;
	[tilespmem:$0x1C000] =	vst v63  }
0xfc: {  	_ =	swait.ge [sflag:s1], $0x800  }
0xfd: {  	[sflag:s1] =	ssyncset.done $0x0  }
0xfe: {  	s13 =	rddreg [dreg:$0xc];
	[sflag:s1] =	ssyncadd.s32 $0xFFFFF800  }
0xff: {  	[hbm4b:s13+s4] =	stream.linear.scatter [tilespmem:s6], [sflag:$0x2], $0x800, $0x38;
	[tilespmem:$0x1C000] =	vst v63  }
0x100: {  	_ =	swait.ge [sflag:s1], $0x800  }
0x101: {  	[sflag:s1] =	ssyncset.done $0x0  }
0x102: {  	[sflag:s1] =	ssyncadd.s32 $0xFFFFF800  }
0x103: {  	[tilespmem:s0], [sflag:$0x2] =	stream.linear.gather [spmem:s26], $0x1000, $0x38;
	[tilespmem:$0x1C000] =	vst v63  }
0x104: {  	_ =	swait.ge [sflag:s1], $0x1000  }
0x105: {  	[sflag:s1] =	ssyncset.done $0x0  }
0x106: {  	s14 =	rddreg [dreg:$0x8];
	[sflag:s1] =	ssyncadd.s32 $0xFFFFF000  }
0x107: {  	[hbm4b:s14+s4] =	stream.linear.scatter [tilespmem:s0], [sflag:$0x2], $0x1000, $0x38;
	[tilespmem:$0x1C000] =	vst v63  }
0x108: {  	_ =	swait.ge [sflag:s1], $0x1000  }
0x109: {  	[sflag:s1] =	ssyncset.done $0x0  }
0x10a: {  	[sflag:s1] =	ssyncadd.s32 $0xFFFFF000  }
0x10b: {  	[tilespmem:s6], [sflag:$0x2] =	stream.linear.gather [spmem:s28], $0x800, $0x38;
	[tilespmem:$0x1C000] =	vst v63  }
0x10c: {  	_ =	swait.ge [sflag:s1], $0x800  }
0x10d: {  	[sflag:s1] =	ssyncset.done $0x0  }
0x10e: {  	s15 =	rddreg [dreg:$0xd];
	[sflag:s1] =	ssyncadd.s32 $0xFFFFF800  }
0x10f: {  	[hbm4b:s15+s4] =	stream.linear.scatter [tilespmem:s6], [sflag:$0x2], $0x800, $0x38;
	[tilespmem:$0x1C000] =	vst v63  }
0x110: {  	_ =	swait.ge [sflag:s1], $0x800  }
0x111: {  	[sflag:s1] =	ssyncset.done $0x0  }
0x112: {  	[sflag:s1] =	ssyncadd.s32 $0xFFFFF800  }
0x113: {  	[tilespmem:s0], [sflag:$0x2] =	stream.linear.gather [spmem:s29], $0x1000, $0x38;
	[tilespmem:$0x1C000] =	vst v63  }
0x114: {  	_ =	swait.ge [sflag:s1], $0x1000  }
0x115: {  	[sflag:s1] =	ssyncset.done $0x0  }
0x116: {  	s16 =	rddreg [dreg:$0x9];
	[sflag:s1] =	ssyncadd.s32 $0xFFFFF000  }
0x117: {  	[hbm4b:s16+s4] =	stream.linear.scatter [tilespmem:s0], [sflag:$0x2], $0x1000, $0x38;
	[tilespmem:$0x1C000] =	vst v63  }
0x118: {  	_ =	swait.ge [sflag:s1], $0x1000  }
0x119: {  	[sflag:s1] =	ssyncset.done $0x0  }
0x11a: {  	[sflag:s1] =	ssyncadd.s32 $0xFFFFF000  }
0x11b: {  	[tilespmem:s6], [sflag:$0x2] =	stream.linear.gather [spmem:s30], $0x800, $0x38;
	[tilespmem:$0x1C000] =	vst v63  }
0x11c: {  	s10 =	sadd.s32 $0x1, s10;
	_ =	swait.ge [sflag:s1], $0x800  }
0x11d: {  	p1 =	sne.s32 s10, s20;
	[sflag:s1] =	ssyncset.done $0x0  }
.Ltmp4:
0x11e: {  	s17 =	rddreg [dreg:$0xe];
	[sflag:s1] =	ssyncadd.s32 $0xFFFFF800;
	(pc) =	sbr.rel @p1 .LBB2_1-.Ltmp4, $4  }
0x11f: {  	[hbm4b:s17+s4] =	stream.linear.scatter [tilespmem:s6], [sflag:$0x2], $0x800, $0x38;
	[tilespmem:$0x1C000] =	vst v63  }
0x120: {  	_ =	swait.ge [sflag:s1], $0x800  }
0x121: {  	[sflag:s1] =	ssyncset.done $0x0  }
0x122: {  	[sflag:s1] =	ssyncadd.s32 $0xFFFFF800  }
0x123: {  	_ =	sfence.sel $0x180000  }
0x124: {  	[bflag:$0x0] =	sbarrier.arrive $0xFFFF  }
0x125: {  	_ =	strace $0x90000047  }
0x126: {  	s0 =	stileid.u32;
	[bflag:$0x2] =	sbarrier.arrive $0xFFFF  }
0x127: {  	p0 =	sne.s32 s0, $0x0;
	s0 =	rddreg [dreg:$0x3]  }
0x128: {  	s0 =	sadd.s32 @!p0 $0x100000, s0  }
0x129: {  	[sflag:s0] =	ssyncadd.tile.s32 @!p0 $0x1;
	_ =	shalt  }
.Lfunc_end2:
_tile_overlayer_lowered:
.L_overlay_start_2:
0x12a: {  	(tag) =	ssettag $0x2  }
0x12b: {  	s0 =	rddreg [dreg:$0x0];
	s2 =	stileid.u32  }
0x12c: {  	s1 =	rddreg [dreg:$0x1];
	p0 =	sne.s32 s2, $0x0  }
0x12d: {  	s3 =	rddreg [dreg:$0x2];
	[bflag:$0x3] =	sbarrier.arrive $0xFFFF;
	s2 =	simm.s32 @!p0 $0x1C02  }
0x12e: {  	[timem:s3], [sflag:s2] =	dma.local @!p0 [hbm:s0], s1  }
0x12f: {  	s0 =	simm.s32 @!p0 $0x2  }
0x130: {  	_ =	swait.ge @!p0 [sflag:s0], s1  }
0x131: {  	s1 =	ssub.s32 @!p0 $0x0, s1;
	[sflag:s0] =	ssyncset.done @!p0 $0x0  }
0x132: {  	[sflag:s0] =	ssyncadd.s32 @!p0 s1  }
0x133: {  	[bflag:$0x3] =	sbarrier.arrive $0xFFFF  }
0x134: {  	_ =	shalt  }

</sc_bundles>
